<compile_context>
chip_gen: v7x
topology: tpu7x:2x2x1
jax: 0.10.2.dev20260603
libtpu: 0.0.44.dev20260713+nightly
codegen_flags: <defaults>
</compile_context>

<pallas_src>
import jax
import jax.numpy as jnp
from jax import lax
from jax.experimental import pallas as pl
from jax.experimental.pallas import tpu as pltpu
from jax.experimental.pallas import tpu_sc as plsc

B = 16384
NC, NS = 2, 16
NW = NC * NS
BPW = B // NW
C = 32
NCH = BPW // C

L_OV, L_CAST = 50, 20
L_SM = 16
GEN_V, PC_V, PCNT_V = 30, 10000, 200
PAD_TOK = GEN_V + PC_V + PCNT_V
D_OUT = 112


def _body(movie_ids, title, overview_p, director, cast_p, small_tok, num_p,
          title_emb_p, ov_emb_p, dir_emb, cast_emb_p, small_emb, out,
          ids_v, tok_title, tok_ov, tok_dir, tok_cast, tok_small, num_r,
          flat_ov, flat_cast, flat_small,
          title_r, ov_r, dir_r, cast_r, small_r, out_r, sem):
    wid = lax.axis_index("s") * NC + lax.axis_index("c")
    base = wid * BPW

    iota = lax.iota(jnp.int32, 16)
    i4 = iota + 4
    io8 = jnp.bitwise_and(iota, 7)
    io4 = jnp.bitwise_and(iota, 3)
    z = jnp.zeros((16,), jnp.float32)
    i32 = jnp.int32

    pltpu.sync_copy(movie_ids.at[pl.ds(base, BPW)], ids_v)
    for i in range(BPW // 16):
        ids_v[pl.ds(i * 16, 16)] = ids_v[pl.ds(i * 16, 16)] - 1

    def chunk(c, _):
        idx = ids_v.at[pl.ds(c * C, C)]
        d1 = [
            pltpu.async_copy(title.at[idx], tok_title, sem),
            pltpu.async_copy(overview_p.at[idx], tok_ov, sem),
            pltpu.async_copy(director.at[idx], tok_dir, sem),
            pltpu.async_copy(cast_p.at[idx], tok_cast, sem),
            pltpu.async_copy(small_tok.at[idx], tok_small, sem),
            pltpu.async_copy(num_p.at[idx], num_r, sem),
        ]
        for d in d1:
            d.wait()

        def flatten(m, _):
            mv = jnp.full((16,), m, i32)
            for k in (0, 16, 32, 34):
                flat_ov[pl.ds(m * L_OV + k, 16)] = plsc.load_gather(
                    tok_ov, [mv, iota + k])
            for k in (0, 4):
                flat_cast[pl.ds(m * L_CAST + k, 16)] = plsc.load_gather(
                    tok_cast, [mv, iota + k])
            flat_small[pl.ds(m * L_SM, 16)] = tok_small[m, pl.ds(0, 16)]
            return 0

        lax.fori_loop(0, C, flatten, 0)

        d2 = [
            pltpu.async_copy(title_emb_p.at[tok_title], title_r, sem),
            pltpu.async_copy(ov_emb_p.at[flat_ov], ov_r, sem),
            pltpu.async_copy(dir_emb.at[tok_dir], dir_r, sem),
            pltpu.async_copy(cast_emb_p.at[flat_cast], cast_r, sem),
            pltpu.async_copy(small_emb.at[flat_small], small_r, sem),
        ]
        for d in d2:
            d.wait()

        def movie(m, _):
            mv = jnp.full((16,), m, i32)
            one = jnp.full((16,), 1, i32)

            out_r[m, pl.ds(0, 16)] = plsc.load_gather(title_r, [mv, iota])
            out_r[m, pl.ds(4, 16)] = plsc.load_gather(title_r, [mv, i4])

            rv = jnp.full((16,), m * L_OV, i32)
            a0, a1 = z, z
            a0 = a0 + plsc.load_gather(ov_r, [rv, iota])
            a1 = a1 + plsc.load_gather(ov_r, [rv, i4])
            for _j in range(L_OV - 1):
                rv = rv + one
                a0 = a0 + plsc.load_gather(ov_r, [rv, iota])
                a1 = a1 + plsc.load_gather(ov_r, [rv, i4])
            out_r[m, pl.ds(20, 16)] = a0 / float(L_OV)
            out_r[m, pl.ds(24, 16)] = a1 / float(L_OV)

            out_r[m, pl.ds(40, 16)] = plsc.load_gather(dir_r, [mv, io8])

            rv = jnp.full((16,), m * L_CAST, i32)
            ac = plsc.load_gather(cast_r, [rv, iota])
            for _j in range(L_CAST - 1):
                rv = rv + one
                ac = ac + plsc.load_gather(cast_r, [rv, iota])
            out_r[m, pl.ds(48, 16)] = ac / float(L_CAST)

            rv = jnp.full((16,), m * L_SM, i32)
            ag = plsc.load_gather(small_r, [rv, iota])
            for _j in range(4):
                rv = rv + one
                ag = ag + plsc.load_gather(small_r, [rv, iota])
            out_r[m, pl.ds(58, 16)] = ag / 5.0

            ap = z
            for _j in range(5):
                rv = rv + one
                ap = ap + plsc.load_gather(small_r, [rv, iota])
            out_r[m, pl.ds(73, 16)] = ap / 5.0

            aq = z
            for _j in range(3):
                rv = rv + one
                aq = aq + plsc.load_gather(small_r, [rv, iota])
            out_r[m, pl.ds(83, 16)] = aq / 3.0

            out_r[m, pl.ds(93, 16)] = plsc.load_gather(num_r, [mv, io4])
            return 0

        lax.fori_loop(0, C, movie, 0)

        pltpu.sync_copy(out_r, out.at[pl.ds(base + c * C, C)])
        return 0

    lax.fori_loop(0, NCH, chunk, 0)


def kernel(movie_ids, title, overview, director, cast, genre, prod_comp,
           prod_count, numeric, title_emb, overview_emb, director_emb,
           cast_emb, genre_emb, prod_comp_emb, prod_count_emb):
    f32 = jnp.float32
    i32 = jnp.int32
    n = numeric.shape[0]

    def padw(t, w):
        return jnp.pad(t, ((0, 0), (0, w - t.shape[1])))

    overview_p = padw(overview, 56)
    cast_p = padw(cast, 24)
    num_p = padw(numeric, 8)
    title_emb_p = padw(title_emb, 24)
    ov_emb_p = padw(overview_emb, 24)
    cast_emb_p = padw(cast_emb, 16)
    small_emb = jnp.concatenate(
        [padw(genre_emb, 16), padw(prod_comp_emb, 16),
         padw(prod_count_emb, 16), jnp.zeros((1, 16), f32)], axis=0)
    small_tok = jnp.concatenate(
        [genre, prod_comp + GEN_V, prod_count + (GEN_V + PC_V),
         jnp.full((n, 3), PAD_TOK, i32)], axis=1)

    scratch = [
        pltpu.VMEM((BPW,), i32),
        pltpu.VMEM((C,), i32),
        pltpu.VMEM((C, 56), i32),
        pltpu.VMEM((C,), i32),
        pltpu.VMEM((C, 24), i32),
        pltpu.VMEM((C, L_SM), i32),
        pltpu.VMEM((C, 8), f32),
        pltpu.VMEM((C * L_OV,), i32),
        pltpu.VMEM((C * L_CAST,), i32),
        pltpu.VMEM((C * L_SM,), i32),
        pltpu.VMEM((C, 24), f32),
        pltpu.VMEM((C * L_OV, 24), f32),
        pltpu.VMEM((C, 8), f32),
        pltpu.VMEM((C * L_CAST, 16), f32),
        pltpu.VMEM((C * L_SM, 16), f32),
        pltpu.VMEM((C, D_OUT), f32),
        pltpu.SemaphoreType.DMA,
    ]
    run = pl.kernel(
        _body,
        out_type=jax.ShapeDtypeStruct((B, D_OUT), f32),
        mesh=plsc.VectorSubcoreMesh(core_axis_name="c", subcore_axis_name="s"),
        scratch_types=scratch,
        compiler_params=pltpu.CompilerParams(use_tc_tiling_on_sc=False,
                                             needs_layout_passes=False),
    )
    padded = run(movie_ids, title, overview_p, director, cast_p, small_tok,
                 num_p, title_emb_p, ov_emb_p, director_emb, cast_emb_p,
                 small_emb)
    return padded[:, :97]

# --- scband reference (transcript-rebuilt; emitter-appended) ---
"""Pipeline reference for scband-model-34651796144138 (READ-ONLY COPY).

The authoritative reference and input builder live on the scoring server;
editing this copy changes nothing except your own understanding.
"""

import jax, jax.numpy as jnp
import numpy as np

N_MOVIES = 100000
B = 16384
TITLE_V, OV_V, DIR_V, CAST_V, GEN_V, PC_V, PCNT_V = 50000, 100000, 20000, 100000, 30, 10000, 200
L_OV, L_CAST, L_GEN, L_PC, L_PCNT = 50, 20, 5, 5, 3
NUM_D = 4


def setup_inputs(seed: int = 0) -> dict:
    key = jax.random.key(seed)
    ks = jax.random.split(key, 16)
    movie_ids = jax.random.randint(ks[0], (B,), 1, N_MOVIES + 1)
    title = jax.random.randint(ks[1], (N_MOVIES,), 0, TITLE_V)
    overview = jax.random.randint(ks[2], (N_MOVIES, L_OV), 0, OV_V)
    director = jax.random.randint(ks[3], (N_MOVIES,), 0, DIR_V)
    cast = jax.random.randint(ks[4], (N_MOVIES, L_CAST), 0, CAST_V)
    genre = jax.random.randint(ks[5], (N_MOVIES, L_GEN), 0, GEN_V)
    prod_comp = jax.random.randint(ks[6], (N_MOVIES, L_PC), 0, PC_V)
    prod_count = jax.random.randint(ks[7], (N_MOVIES, L_PCNT), 0, PCNT_V)
    numeric = jax.random.normal(ks[8], (N_MOVIES, NUM_D), dtype=jnp.float32)
    title_emb = jax.random.normal(ks[9], (TITLE_V, 20), dtype=jnp.float32)
    overview_emb = jax.random.normal(ks[10], (OV_V, 20), dtype=jnp.float32)
    director_emb = jax.random.normal(ks[11], (DIR_V, 8), dtype=jnp.float32)
    cast_emb = jax.random.normal(ks[12], (CAST_V, 10), dtype=jnp.float32)
    genre_emb = jax.random.normal(ks[13], (GEN_V, 15), dtype=jnp.float32)
    prod_comp_emb = jax.random.normal(ks[14], (PC_V, 10), dtype=jnp.float32)
    prod_count_emb = jax.random.normal(ks[15], (PCNT_V, 10), dtype=jnp.float32)
    return {"movie_ids": movie_ids, "title": title, "overview": overview, "director": director,
            "cast": cast, "genre": genre, "prod_comp": prod_comp, "prod_count": prod_count,
            "numeric": numeric, "title_emb": title_emb, "overview_emb": overview_emb,
            "director_emb": director_emb, "cast_emb": cast_emb, "genre_emb": genre_emb,
            "prod_comp_emb": prod_comp_emb, "prod_count_emb": prod_count_emb}


def reference(movie_ids, title, overview, director, cast, genre, prod_comp, prod_count,
              numeric, title_emb, overview_emb, director_emb, cast_emb, genre_emb,
              prod_comp_emb, prod_count_emb):
    ids = movie_ids - 1
    tit = jnp.take(title_emb, title[ids], axis=0)                      # [B, 20]
    ovrv = jnp.take(overview_emb, overview[ids], axis=0).mean(axis=1)  # [B, 20]
    dire = jnp.take(director_emb, director[ids], axis=0)               # [B, 8]
    ct = jnp.take(cast_emb, cast[ids], axis=0).mean(axis=1)            # [B, 10]
    gn = jnp.take(genre_emb, genre[ids], axis=0).mean(axis=1)          # [B, 15]
    pd_cmp = jnp.take(prod_comp_emb, prod_comp[ids], axis=0).mean(axis=1)   # [B, 10]
    pd_count = jnp.take(prod_count_emb, prod_count[ids], axis=0).mean(axis=1)  # [B, 10]
    num_data = numeric[ids]                                            # [B, 4]
    movie = jnp.concatenate((tit, ovrv, dire, ct, gn, pd_cmp, pd_count, num_data), axis=-1)
    return movie.astype(jnp.float32)

if __name__ == "__main__":
    import jax
    _d = setup_inputs()
    print(jax.jit(kernel)(*tuple(_d.values())))

</pallas_src>

<mosaic_0001>
#map = affine_map<(d0, d1) -> (0)>
#map1 = affine_map<(d0, d1) -> (0, 0)>
module attributes {stable_mosaic.version = 14 : i64} {
  func.func @_body(%arg0: i32, %arg1: i32, %arg2: memref<16384xi32, #tpu.memory_space<hbm>>, %arg3: memref<100000xi32, #tpu.memory_space<hbm>>, %arg4: memref<100000x56xi32, #tpu.memory_space<hbm>>, %arg5: memref<100000xi32, #tpu.memory_space<hbm>>, %arg6: memref<100000x24xi32, #tpu.memory_space<hbm>>, %arg7: memref<100000x16xi32, #tpu.memory_space<hbm>>, %arg8: memref<100000x8xf32, #tpu.memory_space<hbm>>, %arg9: memref<50000x24xf32, #tpu.memory_space<hbm>>, %arg10: memref<100000x24xf32, #tpu.memory_space<hbm>>, %arg11: memref<20000x8xf32, #tpu.memory_space<hbm>>, %arg12: memref<100000x16xf32, #tpu.memory_space<hbm>>, %arg13: memref<10231x16xf32, #tpu.memory_space<hbm>>, %arg14: memref<16384x112xf32, #tpu.memory_space<hbm>>, %arg15: memref<512xi32, #tpu.memory_space<vmem>>, %arg16: memref<32xi32, #tpu.memory_space<vmem>>, %arg17: memref<32x56xi32, #tpu.memory_space<vmem>>, %arg18: memref<32xi32, #tpu.memory_space<vmem>>, %arg19: memref<32x24xi32, #tpu.memory_space<vmem>>, %arg20: memref<32x16xi32, #tpu.memory_space<vmem>>, %arg21: memref<32x8xf32, #tpu.memory_space<vmem>>, %arg22: memref<1600xi32, #tpu.memory_space<vmem>>, %arg23: memref<640xi32, #tpu.memory_space<vmem>>, %arg24: memref<512xi32, #tpu.memory_space<vmem>>, %arg25: memref<32x24xf32, #tpu.memory_space<vmem>>, %arg26: memref<1600x24xf32, #tpu.memory_space<vmem>>, %arg27: memref<32x8xf32, #tpu.memory_space<vmem>>, %arg28: memref<640x16xf32, #tpu.memory_space<vmem>>, %arg29: memref<512x16xf32, #tpu.memory_space<vmem>>, %arg30: memref<32x112xf32, #tpu.memory_space<vmem>>, %arg31: memref<!tpu.dma_semaphore, #tpu.memory_space<semaphore_mem>>) attributes {dimension_semantics = [#tpu.dimension_semantics<core_parallel>, #tpu.dimension_semantics<subcore_parallel>], iteration_bounds = array<i64: 2, 16>, scalar_prefetch = 0 : i64, scratch_operands = 17 : i64, tpu.core_type = #tpu.core_type<sc_vector_subcore>, window_params = [{transform_indices = #map}, {transform_indices = #map}, {transform_indices = #map1}, {transform_indices = #map}, {transform_indices = #map1}, {transform_indices = #map1}, {transform_indices = #map1}, {transform_indices = #map1}, {transform_indices = #map1}, {transform_indices = #map1}, {transform_indices = #map1}, {transform_indices = #map1}, {transform_indices = #map1}]} {
    %mul3A = arith.constant 2 : i32
    %mul3A_0 = arith.muli %arg1, %mul3A : i32
    %add3A = arith.addi %mul3A_0, %arg0 : i32
    %mul3A_1 = arith.constant 512 : i32
    %mul3A_2 = arith.muli %add3A, %mul3A_1 : i32
    %iota3A = tpu.iota {dimensions = array<i32: 0>} : vector<16xi32>
    %add3A_3 = arith.constant 4 : i32
    %add3A_4 = vector.broadcast %add3A_3 : i32 to vector<16xi32>
    %add3A_5 = arith.addi %iota3A, %add3A_4 : vector<16xi32>
    %and3A = arith.constant 7 : i32
    %and3A_6 = vector.broadcast %and3A : i32 to vector<16xi32>
    %and3A_7 = arith.andi %iota3A, %and3A_6 : vector<16xi32>
    %and3A_8 = arith.constant 3 : i32
    %and3A_9 = vector.broadcast %and3A_8 : i32 to vector<16xi32>
    %and3A_10 = arith.andi %iota3A, %and3A_9 : vector<16xi32>
    %broadcast_in_dim3A = arith.constant 0.000000e+00 : f32
    %broadcast_in_dim3A_11 = vector.broadcast %broadcast_in_dim3A : f32 to vector<16xf32>
    "tpu.region"() ({
      %run_scoped3A = tpu.sem_alloc : memref<!tpu.dma_semaphore, #tpu.memory_space<semaphore_mem>>
      %dma_start3A = tpu.memref_slice %arg2[%mul3A_2] : memref<16384xi32, #tpu.memory_space<hbm>> -> memref<512xi32, #tpu.memory_space<hbm>>
      %dma_start3A_239 = tpu.memref_slice %arg2[%mul3A_2] : memref<16384xi32, #tpu.memory_space<hbm>> -> memref<512xi32, #tpu.memory_space<hbm>>
      tpu.enqueue_dma source(%dma_start3A_239 : memref<512xi32, #tpu.memory_space<hbm>>) target(%arg15 : memref<512xi32, #tpu.memory_space<vmem>>) target_semaphore(%run_scoped3A : memref<!tpu.dma_semaphore, #tpu.memory_space<semaphore_mem>>)
      %dma_wait3A = tpu.memref_slice %arg2[%mul3A_2] : memref<16384xi32, #tpu.memory_space<hbm>> -> memref<512xi32, #tpu.memory_space<hbm>>
      %dma_wait3A_240 = tpu.memref_slice %arg2[%mul3A_2] : memref<16384xi32, #tpu.memory_space<hbm>> -> memref<512xi32, #tpu.memory_space<hbm>>
      tpu.wait_dma2 semaphore(%run_scoped3A : memref<!tpu.dma_semaphore, #tpu.memory_space<semaphore_mem>>) src(%dma_wait3A_240 : memref<512xi32, #tpu.memory_space<hbm>>) dst(%arg15 : memref<512xi32, #tpu.memory_space<vmem>>)
      tpu.yield
    }) : () -> ()
    %get3A = arith.constant 0 : index
    %get3A_12 = tpu.vector_load %arg15[%get3A] {strides = array<i32>} : memref<512xi32, #tpu.memory_space<vmem>>, vector<16xi32>,
    %sub3A = arith.constant 1 : i32
    %sub3A_13 = vector.broadcast %sub3A : i32 to vector<16xi32>
    %sub3A_14 = arith.subi %get3A_12, %sub3A_13 : vector<16xi32>
    %swap3A = arith.constant 0 : index
    %swap3A_15 = tpu.vector_load %arg15[%swap3A] {strides = array<i32>} : memref<512xi32, #tpu.memory_space<vmem>>, vector<16xi32>,
    tpu.vector_store %arg15[%swap3A], %sub3A_14 {strides = array<i32>} : memref<512xi32, #tpu.memory_space<vmem>>, vector<16xi32>,
    %get3A_16 = arith.constant 16 : index
    %get3A_17 = tpu.vector_load %arg15[%get3A_16] {strides = array<i32>} : memref<512xi32, #tpu.memory_space<vmem>>, vector<16xi32>,
    %sub3A_18 = arith.constant 1 : i32
    %sub3A_19 = vector.broadcast %sub3A_18 : i32 to vector<16xi32>
    %sub3A_20 = arith.subi %get3A_17, %sub3A_19 : vector<16xi32>
    %swap3A_21 = arith.constant 16 : index
    %swap3A_22 = tpu.vector_load %arg15[%swap3A_21] {strides = array<i32>} : memref<512xi32, #tpu.memory_space<vmem>>, vector<16xi32>,
    tpu.vector_store %arg15[%swap3A_21], %sub3A_20 {strides = array<i32>} : memref<512xi32, #tpu.memory_space<vmem>>, vector<16xi32>,
    %get3A_23 = arith.constant 32 : index
    %get3A_24 = tpu.vector_load %arg15[%get3A_23] {strides = array<i32>} : memref<512xi32, #tpu.memory_space<vmem>>, vector<16xi32>,
    %sub3A_25 = arith.constant 1 : i32
    %sub3A_26 = vector.broadcast %sub3A_25 : i32 to vector<16xi32>
    %sub3A_27 = arith.subi %get3A_24, %sub3A_26 : vector<16xi32>
    %swap3A_28 = arith.constant 32 : index
    %swap3A_29 = tpu.vector_load %arg15[%swap3A_28] {strides = array<i32>} : memref<512xi32, #tpu.memory_space<vmem>>, vector<16xi32>,
    tpu.vector_store %arg15[%swap3A_28], %sub3A_27 {strides = array<i32>} : memref<512xi32, #tpu.memory_space<vmem>>, vector<16xi32>,
    %get3A_30 = arith.constant 48 : index
    %get3A_31 = tpu.vector_load %arg15[%get3A_30] {strides = array<i32>} : memref<512xi32, #tpu.memory_space<vmem>>, vector<16xi32>,
    %sub3A_32 = arith.constant 1 : i32
    %sub3A_33 = vector.broadcast %sub3A_32 : i32 to vector<16xi32>
    %sub3A_34 = arith.subi %get3A_31, %sub3A_33 : vector<16xi32>
    %swap3A_35 = arith.constant 48 : index
    %swap3A_36 = tpu.vector_load %arg15[%swap3A_35] {strides = array<i32>} : memref<512xi32, #tpu.memory_space<vmem>>, vector<16xi32>,
    tpu.vector_store %arg15[%swap3A_35], %sub3A_34 {strides = array<i32>} : memref<512xi32, #tpu.memory_space<vmem>>, vector<16xi32>,
    %get3A_37 = arith.constant 64 : index
    %get3A_38 = tpu.vector_load %arg15[%get3A_37] {strides = array<i32>} : memref<512xi32, #tpu.memory_space<vmem>>, vector<16xi32>,
    %sub3A_39 = arith.constant 1 : i32
    %sub3A_40 = vector.broadcast %sub3A_39 : i32 to vector<16xi32>
    %sub3A_41 = arith.subi %get3A_38, %sub3A_40 : vector<16xi32>
    %swap3A_42 = arith.constant 64 : index
    %swap3A_43 = tpu.vector_load %arg15[%swap3A_42] {strides = array<i32>} : memref<512xi32, #tpu.memory_space<vmem>>, vector<16xi32>,
    tpu.vector_store %arg15[%swap3A_42], %sub3A_41 {strides = array<i32>} : memref<512xi32, #tpu.memory_space<vmem>>, vector<16xi32>,
    %get3A_44 = arith.constant 80 : index
    %get3A_45 = tpu.vector_load %arg15[%get3A_44] {strides = array<i32>} : memref<512xi32, #tpu.memory_space<vmem>>, vector<16xi32>,
    %sub3A_46 = arith.constant 1 : i32
    %sub3A_47 = vector.broadcast %sub3A_46 : i32 to vector<16xi32>
    %sub3A_48 = arith.subi %get3A_45, %sub3A_47 : vector<16xi32>
    %swap3A_49 = arith.constant 80 : index
    %swap3A_50 = tpu.vector_load %arg15[%swap3A_49] {strides = array<i32>} : memref<512xi32, #tpu.memory_space<vmem>>, vector<16xi32>,
    tpu.vector_store %arg15[%swap3A_49], %sub3A_48 {strides = array<i32>} : memref<512xi32, #tpu.memory_space<vmem>>, vector<16xi32>,
    %get3A_51 = arith.constant 96 : index
    %get3A_52 = tpu.vector_load %arg15[%get3A_51] {strides = array<i32>} : memref<512xi32, #tpu.memory_space<vmem>>, vector<16xi32>,
    %sub3A_53 = arith.constant 1 : i32
    %sub3A_54 = vector.broadcast %sub3A_53 : i32 to vector<16xi32>
    %sub3A_55 = arith.subi %get3A_52, %sub3A_54 : vector<16xi32>
    %swap3A_56 = arith.constant 96 : index
    %swap3A_57 = tpu.vector_load %arg15[%swap3A_56] {strides = array<i32>} : memref<512xi32, #tpu.memory_space<vmem>>, vector<16xi32>,
    tpu.vector_store %arg15[%swap3A_56], %sub3A_55 {strides = array<i32>} : memref<512xi32, #tpu.memory_space<vmem>>, vector<16xi32>,
    %get3A_58 = arith.constant 112 : index
    %get3A_59 = tpu.vector_load %arg15[%get3A_58] {strides = array<i32>} : memref<512xi32, #tpu.memory_space<vmem>>, vector<16xi32>,
    %sub3A_60 = arith.constant 1 : i32
    %sub3A_61 = vector.broadcast %sub3A_60 : i32 to vector<16xi32>
    %sub3A_62 = arith.subi %get3A_59, %sub3A_61 : vector<16xi32>
    %swap3A_63 = arith.constant 112 : index
    %swap3A_64 = tpu.vector_load %arg15[%swap3A_63] {strides = array<i32>} : memref<512xi32, #tpu.memory_space<vmem>>, vector<16xi32>,
    tpu.vector_store %arg15[%swap3A_63], %sub3A_62 {strides = array<i32>} : memref<512xi32, #tpu.memory_space<vmem>>, vector<16xi32>,
    %get3A_65 = arith.constant 128 : index
    %get3A_66 = tpu.vector_load %arg15[%get3A_65] {strides = array<i32>} : memref<512xi32, #tpu.memory_space<vmem>>, vector<16xi32>,
    %sub3A_67 = arith.constant 1 : i32
    %sub3A_68 = vector.broadcast %sub3A_67 : i32 to vector<16xi32>
    %sub3A_69 = arith.subi %get3A_66, %sub3A_68 : vector<16xi32>
    %swap3A_70 = arith.constant 128 : index
    %swap3A_71 = tpu.vector_load %arg15[%swap3A_70] {strides = array<i32>} : memref<512xi32, #tpu.memory_space<vmem>>, vector<16xi32>,
    tpu.vector_store %arg15[%swap3A_70], %sub3A_69 {strides = array<i32>} : memref<512xi32, #tpu.memory_space<vmem>>, vector<16xi32>,
    %get3A_72 = arith.constant 144 : index
    %get3A_73 = tpu.vector_load %arg15[%get3A_72] {strides = array<i32>} : memref<512xi32, #tpu.memory_space<vmem>>, vector<16xi32>,
    %sub3A_74 = arith.constant 1 : i32
    %sub3A_75 = vector.broadcast %sub3A_74 : i32 to vector<16xi32>
    %sub3A_76 = arith.subi %get3A_73, %sub3A_75 : vector<16xi32>
    %swap3A_77 = arith.constant 144 : index
    %swap3A_78 = tpu.vector_load %arg15[%swap3A_77] {strides = array<i32>} : memref<512xi32, #tpu.memory_space<vmem>>, vector<16xi32>,
    tpu.vector_store %arg15[%swap3A_77], %sub3A_76 {strides = array<i32>} : memref<512xi32, #tpu.memory_space<vmem>>, vector<16xi32>,
    %get3A_79 = arith.constant 160 : index
    %get3A_80 = tpu.vector_load %arg15[%get3A_79] {strides = array<i32>} : memref<512xi32, #tpu.memory_space<vmem>>, vector<16xi32>,
    %sub3A_81 = arith.constant 1 : i32
    %sub3A_82 = vector.broadcast %sub3A_81 : i32 to vector<16xi32>
    %sub3A_83 = arith.subi %get3A_80, %sub3A_82 : vector<16xi32>
    %swap3A_84 = arith.constant 160 : index
    %swap3A_85 = tpu.vector_load %arg15[%swap3A_84] {strides = array<i32>} : memref<512xi32, #tpu.memory_space<vmem>>, vector<16xi32>,
    tpu.vector_store %arg15[%swap3A_84], %sub3A_83 {strides = array<i32>} : memref<512xi32, #tpu.memory_space<vmem>>, vector<16xi32>,
    %get3A_86 = arith.constant 176 : index
    %get3A_87 = tpu.vector_load %arg15[%get3A_86] {strides = array<i32>} : memref<512xi32, #tpu.memory_space<vmem>>, vector<16xi32>,
    %sub3A_88 = arith.constant 1 : i32
    %sub3A_89 = vector.broadcast %sub3A_88 : i32 to vector<16xi32>
    %sub3A_90 = arith.subi %get3A_87, %sub3A_89 : vector<16xi32>
    %swap3A_91 = arith.constant 176 : index
    %swap3A_92 = tpu.vector_load %arg15[%swap3A_91] {strides = array<i32>} : memref<512xi32, #tpu.memory_space<vmem>>, vector<16xi32>,
    tpu.vector_store %arg15[%swap3A_91], %sub3A_90 {strides = array<i32>} : memref<512xi32, #tpu.memory_space<vmem>>, vector<16xi32>,
    %get3A_93 = arith.constant 192 : index
    %get3A_94 = tpu.vector_load %arg15[%get3A_93] {strides = array<i32>} : memref<512xi32, #tpu.memory_space<vmem>>, vector<16xi32>,
    %sub3A_95 = arith.constant 1 : i32
    %sub3A_96 = vector.broadcast %sub3A_95 : i32 to vector<16xi32>
    %sub3A_97 = arith.subi %get3A_94, %sub3A_96 : vector<16xi32>
    %swap3A_98 = arith.constant 192 : index
    %swap3A_99 = tpu.vector_load %arg15[%swap3A_98] {strides = array<i32>} : memref<512xi32, #tpu.memory_space<vmem>>, vector<16xi32>,
    tpu.vector_store %arg15[%swap3A_98], %sub3A_97 {strides = array<i32>} : memref<512xi32, #tpu.memory_space<vmem>>, vector<16xi32>,
    %get3A_100 = arith.constant 208 : index
    %get3A_101 = tpu.vector_load %arg15[%get3A_100] {strides = array<i32>} : memref<512xi32, #tpu.memory_space<vmem>>, vector<16xi32>,
    %sub3A_102 = arith.constant 1 : i32
    %sub3A_103 = vector.broadcast %sub3A_102 : i32 to vector<16xi32>
    %sub3A_104 = arith.subi %get3A_101, %sub3A_103 : vector<16xi32>
    %swap3A_105 = arith.constant 208 : index
    %swap3A_106 = tpu.vector_load %arg15[%swap3A_105] {strides = array<i32>} : memref<512xi32, #tpu.memory_space<vmem>>, vector<16xi32>,
    tpu.vector_store %arg15[%swap3A_105], %sub3A_104 {strides = array<i32>} : memref<512xi32, #tpu.memory_space<vmem>>, vector<16xi32>,
    %get3A_107 = arith.constant 224 : index
    %get3A_108 = tpu.vector_load %arg15[%get3A_107] {strides = array<i32>} : memref<512xi32, #tpu.memory_space<vmem>>, vector<16xi32>,
    %sub3A_109 = arith.constant 1 : i32
    %sub3A_110 = vector.broadcast %sub3A_109 : i32 to vector<16xi32>
    %sub3A_111 = arith.subi %get3A_108, %sub3A_110 : vector<16xi32>
    %swap3A_112 = arith.constant 224 : index
    %swap3A_113 = tpu.vector_load %arg15[%swap3A_112] {strides = array<i32>} : memref<512xi32, #tpu.memory_space<vmem>>, vector<16xi32>,
    tpu.vector_store %arg15[%swap3A_112], %sub3A_111 {strides = array<i32>} : memref<512xi32, #tpu.memory_space<vmem>>, vector<16xi32>,
    %get3A_114 = arith.constant 240 : index
    %get3A_115 = tpu.vector_load %arg15[%get3A_114] {strides = array<i32>} : memref<512xi32, #tpu.memory_space<vmem>>, vector<16xi32>,
    %sub3A_116 = arith.constant 1 : i32
    %sub3A_117 = vector.broadcast %sub3A_116 : i32 to vector<16xi32>
    %sub3A_118 = arith.subi %get3A_115, %sub3A_117 : vector<16xi32>
    %swap3A_119 = arith.constant 240 : index
    %swap3A_120 = tpu.vector_load %arg15[%swap3A_119] {strides = array<i32>} : memref<512xi32, #tpu.memory_space<vmem>>, vector<16xi32>,
    tpu.vector_store %arg15[%swap3A_119], %sub3A_118 {strides = array<i32>} : memref<512xi32, #tpu.memory_space<vmem>>, vector<16xi32>,
    %get3A_121 = arith.constant 256 : index
    %get3A_122 = tpu.vector_load %arg15[%get3A_121] {strides = array<i32>} : memref<512xi32, #tpu.memory_space<vmem>>, vector<16xi32>,
    %sub3A_123 = arith.constant 1 : i32
    %sub3A_124 = vector.broadcast %sub3A_123 : i32 to vector<16xi32>
    %sub3A_125 = arith.subi %get3A_122, %sub3A_124 : vector<16xi32>
    %swap3A_126 = arith.constant 256 : index
    %swap3A_127 = tpu.vector_load %arg15[%swap3A_126] {strides = array<i32>} : memref<512xi32, #tpu.memory_space<vmem>>, vector<16xi32>,
    tpu.vector_store %arg15[%swap3A_126], %sub3A_125 {strides = array<i32>} : memref<512xi32, #tpu.memory_space<vmem>>, vector<16xi32>,
    %get3A_128 = arith.constant 272 : index
    %get3A_129 = tpu.vector_load %arg15[%get3A_128] {strides = array<i32>} : memref<512xi32, #tpu.memory_space<vmem>>, vector<16xi32>,
    %sub3A_130 = arith.constant 1 : i32
    %sub3A_131 = vector.broadcast %sub3A_130 : i32 to vector<16xi32>
    %sub3A_132 = arith.subi %get3A_129, %sub3A_131 : vector<16xi32>
    %swap3A_133 = arith.constant 272 : index
    %swap3A_134 = tpu.vector_load %arg15[%swap3A_133] {strides = array<i32>} : memref<512xi32, #tpu.memory_space<vmem>>, vector<16xi32>,
    tpu.vector_store %arg15[%swap3A_133], %sub3A_132 {strides = array<i32>} : memref<512xi32, #tpu.memory_space<vmem>>, vector<16xi32>,
    %get3A_135 = arith.constant 288 : index
    %get3A_136 = tpu.vector_load %arg15[%get3A_135] {strides = array<i32>} : memref<512xi32, #tpu.memory_space<vmem>>, vector<16xi32>,
    %sub3A_137 = arith.constant 1 : i32
    %sub3A_138 = vector.broadcast %sub3A_137 : i32 to vector<16xi32>
    %sub3A_139 = arith.subi %get3A_136, %sub3A_138 : vector<16xi32>
    %swap3A_140 = arith.constant 288 : index
    %swap3A_141 = tpu.vector_load %arg15[%swap3A_140] {strides = array<i32>} : memref<512xi32, #tpu.memory_space<vmem>>, vector<16xi32>,
    tpu.vector_store %arg15[%swap3A_140], %sub3A_139 {strides = array<i32>} : memref<512xi32, #tpu.memory_space<vmem>>, vector<16xi32>,
    %get3A_142 = arith.constant 304 : index
    %get3A_143 = tpu.vector_load %arg15[%get3A_142] {strides = array<i32>} : memref<512xi32, #tpu.memory_space<vmem>>, vector<16xi32>,
    %sub3A_144 = arith.constant 1 : i32
    %sub3A_145 = vector.broadcast %sub3A_144 : i32 to vector<16xi32>
    %sub3A_146 = arith.subi %get3A_143, %sub3A_145 : vector<16xi32>
    %swap3A_147 = arith.constant 304 : index
    %swap3A_148 = tpu.vector_load %arg15[%swap3A_147] {strides = array<i32>} : memref<512xi32, #tpu.memory_space<vmem>>, vector<16xi32>,
    tpu.vector_store %arg15[%swap3A_147], %sub3A_146 {strides = array<i32>} : memref<512xi32, #tpu.memory_space<vmem>>, vector<16xi32>,
    %get3A_149 = arith.constant 320 : index
    %get3A_150 = tpu.vector_load %arg15[%get3A_149] {strides = array<i32>} : memref<512xi32, #tpu.memory_space<vmem>>, vector<16xi32>,
    %sub3A_151 = arith.constant 1 : i32
    %sub3A_152 = vector.broadcast %sub3A_151 : i32 to vector<16xi32>
    %sub3A_153 = arith.subi %get3A_150, %sub3A_152 : vector<16xi32>
    %swap3A_154 = arith.constant 320 : index
    %swap3A_155 = tpu.vector_load %arg15[%swap3A_154] {strides = array<i32>} : memref<512xi32, #tpu.memory_space<vmem>>, vector<16xi32>,
    tpu.vector_store %arg15[%swap3A_154], %sub3A_153 {strides = array<i32>} : memref<512xi32, #tpu.memory_space<vmem>>, vector<16xi32>,
    %get3A_156 = arith.constant 336 : index
    %get3A_157 = tpu.vector_load %arg15[%get3A_156] {strides = array<i32>} : memref<512xi32, #tpu.memory_space<vmem>>, vector<16xi32>,
    %sub3A_158 = arith.constant 1 : i32
    %sub3A_159 = vector.broadcast %sub3A_158 : i32 to vector<16xi32>
    %sub3A_160 = arith.subi %get3A_157, %sub3A_159 : vector<16xi32>
    %swap3A_161 = arith.constant 336 : index
    %swap3A_162 = tpu.vector_load %arg15[%swap3A_161] {strides = array<i32>} : memref<512xi32, #tpu.memory_space<vmem>>, vector<16xi32>,
    tpu.vector_store %arg15[%swap3A_161], %sub3A_160 {strides = array<i32>} : memref<512xi32, #tpu.memory_space<vmem>>, vector<16xi32>,
    %get3A_163 = arith.constant 352 : index
    %get3A_164 = tpu.vector_load %arg15[%get3A_163] {strides = array<i32>} : memref<512xi32, #tpu.memory_space<vmem>>, vector<16xi32>,
    %sub3A_165 = arith.constant 1 : i32
    %sub3A_166 = vector.broadcast %sub3A_165 : i32 to vector<16xi32>
    %sub3A_167 = arith.subi %get3A_164, %sub3A_166 : vector<16xi32>
    %swap3A_168 = arith.constant 352 : index
    %swap3A_169 = tpu.vector_load %arg15[%swap3A_168] {strides = array<i32>} : memref<512xi32, #tpu.memory_space<vmem>>, vector<16xi32>,
    tpu.vector_store %arg15[%swap3A_168], %sub3A_167 {strides = array<i32>} : memref<512xi32, #tpu.memory_space<vmem>>, vector<16xi32>,
    %get3A_170 = arith.constant 368 : index
    %get3A_171 = tpu.vector_load %arg15[%get3A_170] {strides = array<i32>} : memref<512xi32, #tpu.memory_space<vmem>>, vector<16xi32>,
    %sub3A_172 = arith.constant 1 : i32
    %sub3A_173 = vector.broadcast %sub3A_172 : i32 to vector<16xi32>
    %sub3A_174 = arith.subi %get3A_171, %sub3A_173 : vector<16xi32>
    %swap3A_175 = arith.constant 368 : index
    %swap3A_176 = tpu.vector_load %arg15[%swap3A_175] {strides = array<i32>} : memref<512xi32, #tpu.memory_space<vmem>>, vector<16xi32>,
    tpu.vector_store %arg15[%swap3A_175], %sub3A_174 {strides = array<i32>} : memref<512xi32, #tpu.memory_space<vmem>>, vector<16xi32>,
    %get3A_177 = arith.constant 384 : index
    %get3A_178 = tpu.vector_load %arg15[%get3A_177] {strides = array<i32>} : memref<512xi32, #tpu.memory_space<vmem>>, vector<16xi32>,
    %sub3A_179 = arith.constant 1 : i32
    %sub3A_180 = vector.broadcast %sub3A_179 : i32 to vector<16xi32>
    %sub3A_181 = arith.subi %get3A_178, %sub3A_180 : vector<16xi32>
    %swap3A_182 = arith.constant 384 : index
    %swap3A_183 = tpu.vector_load %arg15[%swap3A_182] {strides = array<i32>} : memref<512xi32, #tpu.memory_space<vmem>>, vector<16xi32>,
    tpu.vector_store %arg15[%swap3A_182], %sub3A_181 {strides = array<i32>} : memref<512xi32, #tpu.memory_space<vmem>>, vector<16xi32>,
    %get3A_184 = arith.constant 400 : index
    %get3A_185 = tpu.vector_load %arg15[%get3A_184] {strides = array<i32>} : memref<512xi32, #tpu.memory_space<vmem>>, vector<16xi32>,
    %sub3A_186 = arith.constant 1 : i32
    %sub3A_187 = vector.broadcast %sub3A_186 : i32 to vector<16xi32>
    %sub3A_188 = arith.subi %get3A_185, %sub3A_187 : vector<16xi32>
    %swap3A_189 = arith.constant 400 : index
    %swap3A_190 = tpu.vector_load %arg15[%swap3A_189] {strides = array<i32>} : memref<512xi32, #tpu.memory_space<vmem>>, vector<16xi32>,
    tpu.vector_store %arg15[%swap3A_189], %sub3A_188 {strides = array<i32>} : memref<512xi32, #tpu.memory_space<vmem>>, vector<16xi32>,
    %get3A_191 = arith.constant 416 : index
    %get3A_192 = tpu.vector_load %arg15[%get3A_191] {strides = array<i32>} : memref<512xi32, #tpu.memory_space<vmem>>, vector<16xi32>,
    %sub3A_193 = arith.constant 1 : i32
    %sub3A_194 = vector.broadcast %sub3A_193 : i32 to vector<16xi32>
    %sub3A_195 = arith.subi %get3A_192, %sub3A_194 : vector<16xi32>
    %swap3A_196 = arith.constant 416 : index
    %swap3A_197 = tpu.vector_load %arg15[%swap3A_196] {strides = array<i32>} : memref<512xi32, #tpu.memory_space<vmem>>, vector<16xi32>,
    tpu.vector_store %arg15[%swap3A_196], %sub3A_195 {strides = array<i32>} : memref<512xi32, #tpu.memory_space<vmem>>, vector<16xi32>,
    %get3A_198 = arith.constant 432 : index
    %get3A_199 = tpu.vector_load %arg15[%get3A_198] {strides = array<i32>} : memref<512xi32, #tpu.memory_space<vmem>>, vector<16xi32>,
    %sub3A_200 = arith.constant 1 : i32
    %sub3A_201 = vector.broadcast %sub3A_200 : i32 to vector<16xi32>
    %sub3A_202 = arith.subi %get3A_199, %sub3A_201 : vector<16xi32>
    %swap3A_203 = arith.constant 432 : index
    %swap3A_204 = tpu.vector_load %arg15[%swap3A_203] {strides = array<i32>} : memref<512xi32, #tpu.memory_space<vmem>>, vector<16xi32>,
    tpu.vector_store %arg15[%swap3A_203], %sub3A_202 {strides = array<i32>} : memref<512xi32, #tpu.memory_space<vmem>>, vector<16xi32>,
    %get3A_205 = arith.constant 448 : index
    %get3A_206 = tpu.vector_load %arg15[%get3A_205] {strides = array<i32>} : memref<512xi32, #tpu.memory_space<vmem>>, vector<16xi32>,
    %sub3A_207 = arith.constant 1 : i32
    %sub3A_208 = vector.broadcast %sub3A_207 : i32 to vector<16xi32>
    %sub3A_209 = arith.subi %get3A_206, %sub3A_208 : vector<16xi32>
    %swap3A_210 = arith.constant 448 : index
    %swap3A_211 = tpu.vector_load %arg15[%swap3A_210] {strides = array<i32>} : memref<512xi32, #tpu.memory_space<vmem>>, vector<16xi32>,
    tpu.vector_store %arg15[%swap3A_210], %sub3A_209 {strides = array<i32>} : memref<512xi32, #tpu.memory_space<vmem>>, vector<16xi32>,
    %get3A_212 = arith.constant 464 : index
    %get3A_213 = tpu.vector_load %arg15[%get3A_212] {strides = array<i32>} : memref<512xi32, #tpu.memory_space<vmem>>, vector<16xi32>,
    %sub3A_214 = arith.constant 1 : i32
    %sub3A_215 = vector.broadcast %sub3A_214 : i32 to vector<16xi32>
    %sub3A_216 = arith.subi %get3A_213, %sub3A_215 : vector<16xi32>
    %swap3A_217 = arith.constant 464 : index
    %swap3A_218 = tpu.vector_load %arg15[%swap3A_217] {strides = array<i32>} : memref<512xi32, #tpu.memory_space<vmem>>, vector<16xi32>,
    tpu.vector_store %arg15[%swap3A_217], %sub3A_216 {strides = array<i32>} : memref<512xi32, #tpu.memory_space<vmem>>, vector<16xi32>,
    %get3A_219 = arith.constant 480 : index
    %get3A_220 = tpu.vector_load %arg15[%get3A_219] {strides = array<i32>} : memref<512xi32, #tpu.memory_space<vmem>>, vector<16xi32>,
    %sub3A_221 = arith.constant 1 : i32
    %sub3A_222 = vector.broadcast %sub3A_221 : i32 to vector<16xi32>
    %sub3A_223 = arith.subi %get3A_220, %sub3A_222 : vector<16xi32>
    %swap3A_224 = arith.constant 480 : index
    %swap3A_225 = tpu.vector_load %arg15[%swap3A_224] {strides = array<i32>} : memref<512xi32, #tpu.memory_space<vmem>>, vector<16xi32>,
    tpu.vector_store %arg15[%swap3A_224], %sub3A_223 {strides = array<i32>} : memref<512xi32, #tpu.memory_space<vmem>>, vector<16xi32>,
    %get3A_226 = arith.constant 496 : index
    %get3A_227 = tpu.vector_load %arg15[%get3A_226] {strides = array<i32>} : memref<512xi32, #tpu.memory_space<vmem>>, vector<16xi32>,
    %sub3A_228 = arith.constant 1 : i32
    %sub3A_229 = vector.broadcast %sub3A_228 : i32 to vector<16xi32>
    %sub3A_230 = arith.subi %get3A_227, %sub3A_229 : vector<16xi32>
    %swap3A_231 = arith.constant 496 : index
    %swap3A_232 = tpu.vector_load %arg15[%swap3A_231] {strides = array<i32>} : memref<512xi32, #tpu.memory_space<vmem>>, vector<16xi32>,
    tpu.vector_store %arg15[%swap3A_231], %sub3A_230 {strides = array<i32>} : memref<512xi32, #tpu.memory_space<vmem>>, vector<16xi32>,
    %scan3A = arith.constant 0 : i32
    %scan3A_233 = arith.constant 0 : i32
    %scan3A_234 = arith.constant 16 : i32
    %scan3A_235 = arith.addi %scan3A_233, %scan3A_234 : i32
    %scan3A_236 = arith.constant 1 : i32
    %scan3A_237 = scf.for %scan3A_239 = %scan3A_233 to %scan3A_235 step %scan3A_236 iter_args(%scan3A_240 = %scan3A) -> (i32)  : i32 {
      %mul3A_241 = arith.constant 32 : i32
      %mul3A_242 = arith.muli %scan3A_239, %mul3A_241 : i32
      %dma_start3A = tpu.memref_slice %arg15[%mul3A_242] : memref<512xi32, #tpu.memory_space<vmem>> -> memref<32xi32, #tpu.memory_space<vmem>>
      %dma_start3A_243 = arith.constant 0 : i32
      %dma_start3A_244 = tpu.memref_slice %arg3[%dma_start3A_243] : memref<100000xi32, #tpu.memory_space<hbm>> -> memref<100000xi32, #tpu.memory_space<hbm>>
      tpu.enqueue_indirect_dma source(%dma_start3A_244 : memref<100000xi32, #tpu.memory_space<hbm>>) target(%arg16 : memref<32xi32, #tpu.memory_space<vmem>>) offsets(%dma_start3A : memref<32xi32, #tpu.memory_space<vmem>>) semaphore(%arg31 : memref<!tpu.dma_semaphore, #tpu.memory_space<semaphore_mem>>)
      %dma_start3A_245 = tpu.memref_slice %arg15[%mul3A_242] : memref<512xi32, #tpu.memory_space<vmem>> -> memref<32xi32, #tpu.memory_space<vmem>>
      %dma_start3A_246 = arith.constant 0 : i32
      %dma_start3A_247 = arith.constant 0 : i32
      %dma_start3A_248 = tpu.memref_slice %arg4[%dma_start3A_246, %dma_start3A_247] : memref<100000x56xi32, #tpu.memory_space<hbm>> -> memref<100000x56xi32, #tpu.memory_space<hbm>>
      tpu.enqueue_indirect_dma source(%dma_start3A_248 : memref<100000x56xi32, #tpu.memory_space<hbm>>) target(%arg17 : memref<32x56xi32, #tpu.memory_space<vmem>>) offsets(%dma_start3A_245 : memref<32xi32, #tpu.memory_space<vmem>>) semaphore(%arg31 : memref<!tpu.dma_semaphore, #tpu.memory_space<semaphore_mem>>)
      %dma_start3A_249 = tpu.memref_slice %arg15[%mul3A_242] : memref<512xi32, #tpu.memory_space<vmem>> -> memref<32xi32, #tpu.memory_space<vmem>>
      %dma_start3A_250 = arith.constant 0 : i32
      %dma_start3A_251 = tpu.memref_slice %arg5[%dma_start3A_250] : memref<100000xi32, #tpu.memory_space<hbm>> -> memref<100000xi32, #tpu.memory_space<hbm>>
      tpu.enqueue_indirect_dma source(%dma_start3A_251 : memref<100000xi32, #tpu.memory_space<hbm>>) target(%arg18 : memref<32xi32, #tpu.memory_space<vmem>>) offsets(%dma_start3A_249 : memref<32xi32, #tpu.memory_space<vmem>>) semaphore(%arg31 : memref<!tpu.dma_semaphore, #tpu.memory_space<semaphore_mem>>)
      %dma_start3A_252 = tpu.memref_slice %arg15[%mul3A_242] : memref<512xi32, #tpu.memory_space<vmem>> -> memref<32xi32, #tpu.memory_space<vmem>>
      %dma_start3A_253 = arith.constant 0 : i32
      %dma_start3A_254 = arith.constant 0 : i32
      %dma_start3A_255 = tpu.memref_slice %arg6[%dma_start3A_253, %dma_start3A_254] : memref<100000x24xi32, #tpu.memory_space<hbm>> -> memref<100000x24xi32, #tpu.memory_space<hbm>>
      tpu.enqueue_indirect_dma source(%dma_start3A_255 : memref<100000x24xi32, #tpu.memory_space<hbm>>) target(%arg19 : memref<32x24xi32, #tpu.memory_space<vmem>>) offsets(%dma_start3A_252 : memref<32xi32, #tpu.memory_space<vmem>>) semaphore(%arg31 : memref<!tpu.dma_semaphore, #tpu.memory_space<semaphore_mem>>)
      %dma_start3A_256 = tpu.memref_slice %arg15[%mul3A_242] : memref<512xi32, #tpu.memory_space<vmem>> -> memref<32xi32, #tpu.memory_space<vmem>>
      %dma_start3A_257 = arith.constant 0 : i32
      %dma_start3A_258 = arith.constant 0 : i32
      %dma_start3A_259 = tpu.memref_slice %arg7[%dma_start3A_257, %dma_start3A_258] : memref<100000x16xi32, #tpu.memory_space<hbm>> -> memref<100000x16xi32, #tpu.memory_space<hbm>>
      tpu.enqueue_indirect_dma source(%dma_start3A_259 : memref<100000x16xi32, #tpu.memory_space<hbm>>) target(%arg20 : memref<32x16xi32, #tpu.memory_space<vmem>>) offsets(%dma_start3A_256 : memref<32xi32, #tpu.memory_space<vmem>>) semaphore(%arg31 : memref<!tpu.dma_semaphore, #tpu.memory_space<semaphore_mem>>)
      %dma_start3A_260 = tpu.memref_slice %arg15[%mul3A_242] : memref<512xi32, #tpu.memory_space<vmem>> -> memref<32xi32, #tpu.memory_space<vmem>>
      %dma_start3A_261 = arith.constant 0 : i32
      %dma_start3A_262 = arith.constant 0 : i32
      %dma_start3A_263 = tpu.memref_slice %arg8[%dma_start3A_261, %dma_start3A_262] : memref<100000x8xf32, #tpu.memory_space<hbm>> -> memref<100000x8xf32, #tpu.memory_space<hbm>>
      tpu.enqueue_indirect_dma source(%dma_start3A_263 : memref<100000x8xf32, #tpu.memory_space<hbm>>) target(%arg21 : memref<32x8xf32, #tpu.memory_space<vmem>>) offsets(%dma_start3A_260 : memref<32xi32, #tpu.memory_space<vmem>>) semaphore(%arg31 : memref<!tpu.dma_semaphore, #tpu.memory_space<semaphore_mem>>)
      %dma_wait3A = tpu.memref_slice %arg15[%mul3A_242] : memref<512xi32, #tpu.memory_space<vmem>> -> memref<32xi32, #tpu.memory_space<vmem>>
      %dma_wait3A_264 = arith.constant 0 : i32
      %dma_wait3A_265 = tpu.memref_slice %arg3[%dma_wait3A_264] : memref<100000xi32, #tpu.memory_space<hbm>> -> memref<100000xi32, #tpu.memory_space<hbm>>
      tpu.wait_indirect_dma semaphore(%arg31 : memref<!tpu.dma_semaphore, #tpu.memory_space<semaphore_mem>>) src(%dma_wait3A_265 : memref<100000xi32, #tpu.memory_space<hbm>>) dst(%arg16 : memref<32xi32, #tpu.memory_space<vmem>>)
      %dma_wait3A_266 = tpu.memref_slice %arg15[%mul3A_242] : memref<512xi32, #tpu.memory_space<vmem>> -> memref<32xi32, #tpu.memory_space<vmem>>
      %dma_wait3A_267 = arith.constant 0 : i32
      %dma_wait3A_268 = arith.constant 0 : i32
      %dma_wait3A_269 = tpu.memref_slice %arg4[%dma_wait3A_267, %dma_wait3A_268] : memref<100000x56xi32, #tpu.memory_space<hbm>> -> memref<100000x56xi32, #tpu.memory_space<hbm>>
      tpu.wait_indirect_dma semaphore(%arg31 : memref<!tpu.dma_semaphore, #tpu.memory_space<semaphore_mem>>) src(%dma_wait3A_269 : memref<100000x56xi32, #tpu.memory_space<hbm>>) dst(%arg17 : memref<32x56xi32, #tpu.memory_space<vmem>>)
      %dma_wait3A_270 = tpu.memref_slice %arg15[%mul3A_242] : memref<512xi32, #tpu.memory_space<vmem>> -> memref<32xi32, #tpu.memory_space<vmem>>
      %dma_wait3A_271 = arith.constant 0 : i32
      %dma_wait3A_272 = tpu.memref_slice %arg5[%dma_wait3A_271] : memref<100000xi32, #tpu.memory_space<hbm>> -> memref<100000xi32, #tpu.memory_space<hbm>>
      tpu.wait_indirect_dma semaphore(%arg31 : memref<!tpu.dma_semaphore, #tpu.memory_space<semaphore_mem>>) src(%dma_wait3A_272 : memref<100000xi32, #tpu.memory_space<hbm>>) dst(%arg18 : memref<32xi32, #tpu.memory_space<vmem>>)
      %dma_wait3A_273 = tpu.memref_slice %arg15[%mul3A_242] : memref<512xi32, #tpu.memory_space<vmem>> -> memref<32xi32, #tpu.memory_space<vmem>>
      %dma_wait3A_274 = arith.constant 0 : i32
      %dma_wait3A_275 = arith.constant 0 : i32
      %dma_wait3A_276 = tpu.memref_slice %arg6[%dma_wait3A_274, %dma_wait3A_275] : memref<100000x24xi32, #tpu.memory_space<hbm>> -> memref<100000x24xi32, #tpu.memory_space<hbm>>
      tpu.wait_indirect_dma semaphore(%arg31 : memref<!tpu.dma_semaphore, #tpu.memory_space<semaphore_mem>>) src(%dma_wait3A_276 : memref<100000x24xi32, #tpu.memory_space<hbm>>) dst(%arg19 : memref<32x24xi32, #tpu.memory_space<vmem>>)
      %dma_wait3A_277 = tpu.memref_slice %arg15[%mul3A_242] : memref<512xi32, #tpu.memory_space<vmem>> -> memref<32xi32, #tpu.memory_space<vmem>>
      %dma_wait3A_278 = arith.constant 0 : i32
      %dma_wait3A_279 = arith.constant 0 : i32
      %dma_wait3A_280 = tpu.memref_slice %arg7[%dma_wait3A_278, %dma_wait3A_279] : memref<100000x16xi32, #tpu.memory_space<hbm>> -> memref<100000x16xi32, #tpu.memory_space<hbm>>
      tpu.wait_indirect_dma semaphore(%arg31 : memref<!tpu.dma_semaphore, #tpu.memory_space<semaphore_mem>>) src(%dma_wait3A_280 : memref<100000x16xi32, #tpu.memory_space<hbm>>) dst(%arg20 : memref<32x16xi32, #tpu.memory_space<vmem>>)
      %dma_wait3A_281 = tpu.memref_slice %arg15[%mul3A_242] : memref<512xi32, #tpu.memory_space<vmem>> -> memref<32xi32, #tpu.memory_space<vmem>>
      %dma_wait3A_282 = arith.constant 0 : i32
      %dma_wait3A_283 = arith.constant 0 : i32
      %dma_wait3A_284 = tpu.memref_slice %arg8[%dma_wait3A_282, %dma_wait3A_283] : memref<100000x8xf32, #tpu.memory_space<hbm>> -> memref<100000x8xf32, #tpu.memory_space<hbm>>
      tpu.wait_indirect_dma semaphore(%arg31 : memref<!tpu.dma_semaphore, #tpu.memory_space<semaphore_mem>>) src(%dma_wait3A_284 : memref<100000x8xf32, #tpu.memory_space<hbm>>) dst(%arg21 : memref<32x8xf32, #tpu.memory_space<vmem>>)
      %scan3A_285 = arith.constant 0 : i32
      %scan3A_286 = arith.constant 0 : i32
      %scan3A_287 = arith.constant 32 : i32
      %scan3A_288 = arith.addi %scan3A_286, %scan3A_287 : i32
      %scan3A_289 = arith.constant 1 : i32
      %scan3A_290 = scf.for %scan3A_333 = %scan3A_286 to %scan3A_288 step %scan3A_289 iter_args(%scan3A_334 = %scan3A_285) -> (i32)  : i32 {
        %broadcast_in_dim3A_335 = vector.broadcast %scan3A_333 : i32 to vector<16xi32>
        %add3A_336 = arith.constant 0 : i32
        %add3A_337 = vector.broadcast %add3A_336 : i32 to vector<16xi32>
        %add3A_338 = arith.addi %iota3A, %add3A_337 : vector<16xi32>
        %gather3A = tpu.vector_load_idx %arg17[%broadcast_in_dim3A_335, %add3A_338] : memref<32x56xi32, #tpu.memory_space<vmem>>[vector<16xi32>, vector<16xi32>], vector<16xi32>,
        %mul3A_339 = arith.constant 50 : i32
        %mul3A_340 = arith.muli %scan3A_333, %mul3A_339 : i32
        %add3A_341 = arith.constant 0 : i32
        %add3A_342 = arith.addi %mul3A_340, %add3A_341 : i32
        %swap3A_343 = arith.index_cast %add3A_342 : i32 to index
        %swap3A_344 = tpu.vector_load %arg22[%swap3A_343] {strides = array<i32>} : memref<1600xi32, #tpu.memory_space<vmem>>, vector<16xi32>,
        tpu.vector_store %arg22[%swap3A_343], %gather3A {strides = array<i32>} : memref<1600xi32, #tpu.memory_space<vmem>>, vector<16xi32>,
        %add3A_345 = arith.constant 16 : i32
        %add3A_346 = vector.broadcast %add3A_345 : i32 to vector<16xi32>
        %add3A_347 = arith.addi %iota3A, %add3A_346 : vector<16xi32>
        %gather3A_348 = tpu.vector_load_idx %arg17[%broadcast_in_dim3A_335, %add3A_347] : memref<32x56xi32, #tpu.memory_space<vmem>>[vector<16xi32>, vector<16xi32>], vector<16xi32>,
        %mul3A_349 = arith.constant 50 : i32
        %mul3A_350 = arith.muli %scan3A_333, %mul3A_349 : i32
        %add3A_351 = arith.constant 16 : i32
        %add3A_352 = arith.addi %mul3A_350, %add3A_351 : i32
        %swap3A_353 = arith.index_cast %add3A_352 : i32 to index
        %swap3A_354 = tpu.vector_load %arg22[%swap3A_353] {strides = array<i32>} : memref<1600xi32, #tpu.memory_space<vmem>>, vector<16xi32>,
        tpu.vector_store %arg22[%swap3A_353], %gather3A_348 {strides = array<i32>} : memref<1600xi32, #tpu.memory_space<vmem>>, vector<16xi32>,
        %add3A_355 = arith.constant 32 : i32
        %add3A_356 = vector.broadcast %add3A_355 : i32 to vector<16xi32>
        %add3A_357 = arith.addi %iota3A, %add3A_356 : vector<16xi32>
        %gather3A_358 = tpu.vector_load_idx %arg17[%broadcast_in_dim3A_335, %add3A_357] : memref<32x56xi32, #tpu.memory_space<vmem>>[vector<16xi32>, vector<16xi32>], vector<16xi32>,
        %mul3A_359 = arith.constant 50 : i32
        %mul3A_360 = arith.muli %scan3A_333, %mul3A_359 : i32
        %add3A_361 = arith.constant 32 : i32
        %add3A_362 = arith.addi %mul3A_360, %add3A_361 : i32
        %swap3A_363 = arith.index_cast %add3A_362 : i32 to index
        %swap3A_364 = tpu.vector_load %arg22[%swap3A_363] {strides = array<i32>} : memref<1600xi32, #tpu.memory_space<vmem>>, vector<16xi32>,
        tpu.vector_store %arg22[%swap3A_363], %gather3A_358 {strides = array<i32>} : memref<1600xi32, #tpu.memory_space<vmem>>, vector<16xi32>,
        %add3A_365 = arith.constant 34 : i32
        %add3A_366 = vector.broadcast %add3A_365 : i32 to vector<16xi32>
        %add3A_367 = arith.addi %iota3A, %add3A_366 : vector<16xi32>
        %gather3A_368 = tpu.vector_load_idx %arg17[%broadcast_in_dim3A_335, %add3A_367] : memref<32x56xi32, #tpu.memory_space<vmem>>[vector<16xi32>, vector<16xi32>], vector<16xi32>,
        %mul3A_369 = arith.constant 50 : i32
        %mul3A_370 = arith.muli %scan3A_333, %mul3A_369 : i32
        %add3A_371 = arith.constant 34 : i32
        %add3A_372 = arith.addi %mul3A_370, %add3A_371 : i32
        %swap3A_373 = arith.index_cast %add3A_372 : i32 to index
        %swap3A_374 = tpu.vector_load %arg22[%swap3A_373] {strides = array<i32>} : memref<1600xi32, #tpu.memory_space<vmem>>, vector<16xi32>,
        tpu.vector_store %arg22[%swap3A_373], %gather3A_368 {strides = array<i32>} : memref<1600xi32, #tpu.memory_space<vmem>>, vector<16xi32>,
        %add3A_375 = arith.constant 0 : i32
        %add3A_376 = vector.broadcast %add3A_375 : i32 to vector<16xi32>
        %add3A_377 = arith.addi %iota3A, %add3A_376 : vector<16xi32>
        %gather3A_378 = tpu.vector_load_idx %arg19[%broadcast_in_dim3A_335, %add3A_377] : memref<32x24xi32, #tpu.memory_space<vmem>>[vector<16xi32>, vector<16xi32>], vector<16xi32>,
        %mul3A_379 = arith.constant 20 : i32
        %mul3A_380 = arith.muli %scan3A_333, %mul3A_379 : i32
        %add3A_381 = arith.constant 0 : i32
        %add3A_382 = arith.addi %mul3A_380, %add3A_381 : i32
        %swap3A_383 = arith.index_cast %add3A_382 : i32 to index
        %swap3A_384 = tpu.vector_load %arg23[%swap3A_383] {strides = array<i32>} : memref<640xi32, #tpu.memory_space<vmem>>, vector<16xi32>,
        tpu.vector_store %arg23[%swap3A_383], %gather3A_378 {strides = array<i32>} : memref<640xi32, #tpu.memory_space<vmem>>, vector<16xi32>,
        %add3A_385 = arith.constant 4 : i32
        %add3A_386 = vector.broadcast %add3A_385 : i32 to vector<16xi32>
        %add3A_387 = arith.addi %iota3A, %add3A_386 : vector<16xi32>
        %gather3A_388 = tpu.vector_load_idx %arg19[%broadcast_in_dim3A_335, %add3A_387] : memref<32x24xi32, #tpu.memory_space<vmem>>[vector<16xi32>, vector<16xi32>], vector<16xi32>,
        %mul3A_389 = arith.constant 20 : i32
        %mul3A_390 = arith.muli %scan3A_333, %mul3A_389 : i32
        %add3A_391 = arith.constant 4 : i32
        %add3A_392 = arith.addi %mul3A_390, %add3A_391 : i32
        %swap3A_393 = arith.index_cast %add3A_392 : i32 to index
        %swap3A_394 = tpu.vector_load %arg23[%swap3A_393] {strides = array<i32>} : memref<640xi32, #tpu.memory_space<vmem>>, vector<16xi32>,
        tpu.vector_store %arg23[%swap3A_393], %gather3A_388 {strides = array<i32>} : memref<640xi32, #tpu.memory_space<vmem>>, vector<16xi32>,
        %get3A_395 = arith.index_cast %scan3A_333 : i32 to index
        %get3A_396 = arith.constant 0 : index
        %get3A_397 = tpu.vector_load %arg20[%get3A_395, %get3A_396] {strides = array<i32>} : memref<32x16xi32, #tpu.memory_space<vmem>>, vector<16xi32>,
        %mul3A_398 = arith.constant 16 : i32
        %mul3A_399 = arith.muli %scan3A_333, %mul3A_398 : i32
        %swap3A_400 = arith.index_cast %mul3A_399 : i32 to index
        %swap3A_401 = tpu.vector_load %arg24[%swap3A_400] {strides = array<i32>} : memref<512xi32, #tpu.memory_space<vmem>>, vector<16xi32>,
        tpu.vector_store %arg24[%swap3A_400], %get3A_397 {strides = array<i32>} : memref<512xi32, #tpu.memory_space<vmem>>, vector<16xi32>,
        %scan3A_402 = arith.constant 0 : i32
        scf.yield %scan3A_402 : i32
      }
      %scan3A_291 = arith.constant 32 : i32
      %dma_start3A_292 = arith.constant 0 : i32
      %dma_start3A_293 = arith.constant 0 : i32
      %dma_start3A_294 = tpu.memref_slice %arg9[%dma_start3A_292, %dma_start3A_293] : memref<50000x24xf32, #tpu.memory_space<hbm>> -> memref<50000x24xf32, #tpu.memory_space<hbm>>
      tpu.enqueue_indirect_dma source(%dma_start3A_294 : memref<50000x24xf32, #tpu.memory_space<hbm>>) target(%arg25 : memref<32x24xf32, #tpu.memory_space<vmem>>) offsets(%arg16 : memref<32xi32, #tpu.memory_space<vmem>>) semaphore(%arg31 : memref<!tpu.dma_semaphore, #tpu.memory_space<semaphore_mem>>)
      %dma_start3A_295 = arith.constant 0 : i32
      %dma_start3A_296 = arith.constant 0 : i32
      %dma_start3A_297 = tpu.memref_slice %arg10[%dma_start3A_295, %dma_start3A_296] : memref<100000x24xf32, #tpu.memory_space<hbm>> -> memref<100000x24xf32, #tpu.memory_space<hbm>>
      tpu.enqueue_indirect_dma source(%dma_start3A_297 : memref<100000x24xf32, #tpu.memory_space<hbm>>) target(%arg26 : memref<1600x24xf32, #tpu.memory_space<vmem>>) offsets(%arg22 : memref<1600xi32, #tpu.memory_space<vmem>>) semaphore(%arg31 : memref<!tpu.dma_semaphore, #tpu.memory_space<semaphore_mem>>)
      %dma_start3A_298 = arith.constant 0 : i32
      %dma_start3A_299 = arith.constant 0 : i32
      %dma_start3A_300 = tpu.memref_slice %arg11[%dma_start3A_298, %dma_start3A_299] : memref<20000x8xf32, #tpu.memory_space<hbm>> -> memref<20000x8xf32, #tpu.memory_space<hbm>>
      tpu.enqueue_indirect_dma source(%dma_start3A_300 : memref<20000x8xf32, #tpu.memory_space<hbm>>) target(%arg27 : memref<32x8xf32, #tpu.memory_space<vmem>>) offsets(%arg18 : memref<32xi32, #tpu.memory_space<vmem>>) semaphore(%arg31 : memref<!tpu.dma_semaphore, #tpu.memory_space<semaphore_mem>>)
      %dma_start3A_301 = arith.constant 0 : i32
      %dma_start3A_302 = arith.constant 0 : i32
      %dma_start3A_303 = tpu.memref_slice %arg12[%dma_start3A_301, %dma_start3A_302] : memref<100000x16xf32, #tpu.memory_space<hbm>> -> memref<100000x16xf32, #tpu.memory_space<hbm>>
      tpu.enqueue_indirect_dma source(%dma_start3A_303 : memref<100000x16xf32, #tpu.memory_space<hbm>>) target(%arg28 : memref<640x16xf32, #tpu.memory_space<vmem>>) offsets(%arg23 : memref<640xi32, #tpu.memory_space<vmem>>) semaphore(%arg31 : memref<!tpu.dma_semaphore, #tpu.memory_space<semaphore_mem>>)
      %dma_start3A_304 = arith.constant 0 : i32
      %dma_start3A_305 = arith.constant 0 : i32
      %dma_start3A_306 = tpu.memref_slice %arg13[%dma_start3A_304, %dma_start3A_305] : memref<10231x16xf32, #tpu.memory_space<hbm>> -> memref<10231x16xf32, #tpu.memory_space<hbm>>
      tpu.enqueue_indirect_dma source(%dma_start3A_306 : memref<10231x16xf32, #tpu.memory_space<hbm>>) target(%arg29 : memref<512x16xf32, #tpu.memory_space<vmem>>) offsets(%arg24 : memref<512xi32, #tpu.memory_space<vmem>>) semaphore(%arg31 : memref<!tpu.dma_semaphore, #tpu.memory_space<semaphore_mem>>)
      %dma_wait3A_307 = arith.constant 0 : i32
      %dma_wait3A_308 = arith.constant 0 : i32
      %dma_wait3A_309 = tpu.memref_slice %arg9[%dma_wait3A_307, %dma_wait3A_308] : memref<50000x24xf32, #tpu.memory_space<hbm>> -> memref<50000x24xf32, #tpu.memory_space<hbm>>
      tpu.wait_indirect_dma semaphore(%arg31 : memref<!tpu.dma_semaphore, #tpu.memory_space<semaphore_mem>>) src(%dma_wait3A_309 : memref<50000x24xf32, #tpu.memory_space<hbm>>) dst(%arg25 : memref<32x24xf32, #tpu.memory_space<vmem>>)
      %dma_wait3A_310 = arith.constant 0 : i32
      %dma_wait3A_311 = arith.constant 0 : i32
      %dma_wait3A_312 = tpu.memref_slice %arg10[%dma_wait3A_310, %dma_wait3A_311] : memref<100000x24xf32, #tpu.memory_space<hbm>> -> memref<100000x24xf32, #tpu.memory_space<hbm>>
      tpu.wait_indirect_dma semaphore(%arg31 : memref<!tpu.dma_semaphore, #tpu.memory_space<semaphore_mem>>) src(%dma_wait3A_312 : memref<100000x24xf32, #tpu.memory_space<hbm>>) dst(%arg26 : memref<1600x24xf32, #tpu.memory_space<vmem>>)
      %dma_wait3A_313 = arith.constant 0 : i32
      %dma_wait3A_314 = arith.constant 0 : i32
      %dma_wait3A_315 = tpu.memref_slice %arg11[%dma_wait3A_313, %dma_wait3A_314] : memref<20000x8xf32, #tpu.memory_space<hbm>> -> memref<20000x8xf32, #tpu.memory_space<hbm>>
      tpu.wait_indirect_dma semaphore(%arg31 : memref<!tpu.dma_semaphore, #tpu.memory_space<semaphore_mem>>) src(%dma_wait3A_315 : memref<20000x8xf32, #tpu.memory_space<hbm>>) dst(%arg27 : memref<32x8xf32, #tpu.memory_space<vmem>>)
      %dma_wait3A_316 = arith.constant 0 : i32
      %dma_wait3A_317 = arith.constant 0 : i32
      %dma_wait3A_318 = tpu.memref_slice %arg12[%dma_wait3A_316, %dma_wait3A_317] : memref<100000x16xf32, #tpu.memory_space<hbm>> -> memref<100000x16xf32, #tpu.memory_space<hbm>>
      tpu.wait_indirect_dma semaphore(%arg31 : memref<!tpu.dma_semaphore, #tpu.memory_space<semaphore_mem>>) src(%dma_wait3A_318 : memref<100000x16xf32, #tpu.memory_space<hbm>>) dst(%arg28 : memref<640x16xf32, #tpu.memory_space<vmem>>)
      %dma_wait3A_319 = arith.constant 0 : i32
      %dma_wait3A_320 = arith.constant 0 : i32
      %dma_wait3A_321 = tpu.memref_slice %arg13[%dma_wait3A_319, %dma_wait3A_320] : memref<10231x16xf32, #tpu.memory_space<hbm>> -> memref<10231x16xf32, #tpu.memory_space<hbm>>
      tpu.wait_indirect_dma semaphore(%arg31 : memref<!tpu.dma_semaphore, #tpu.memory_space<semaphore_mem>>) src(%dma_wait3A_321 : memref<10231x16xf32, #tpu.memory_space<hbm>>) dst(%arg29 : memref<512x16xf32, #tpu.memory_space<vmem>>)
      %scan3A_322 = arith.constant 0 : i32
      %scan3A_323 = arith.constant 0 : i32
      %scan3A_324 = arith.constant 32 : i32
      %scan3A_325 = arith.addi %scan3A_323, %scan3A_324 : i32
      %scan3A_326 = arith.constant 1 : i32
      %scan3A_327 = scf.for %scan3A_333 = %scan3A_323 to %scan3A_325 step %scan3A_326 iter_args(%scan3A_334 = %scan3A_322) -> (i32)  : i32 {
        %broadcast_in_dim3A_335 = vector.broadcast %scan3A_333 : i32 to vector<16xi32>
        %broadcast_in_dim3A_336 = arith.constant 1 : i32
        %broadcast_in_dim3A_337 = vector.broadcast %broadcast_in_dim3A_336 : i32 to vector<16xi32>
        %gather3A = tpu.vector_load_idx %arg25[%broadcast_in_dim3A_335, %iota3A] : memref<32x24xf32, #tpu.memory_space<vmem>>[vector<16xi32>, vector<16xi32>], vector<16xf32>,
        %swap3A_338 = arith.index_cast %scan3A_333 : i32 to index
        %swap3A_339 = arith.constant 0 : index
        %swap3A_340 = tpu.vector_load %arg30[%swap3A_338, %swap3A_339] {strides = array<i32>} : memref<32x112xf32, #tpu.memory_space<vmem>>, vector<16xf32>,
        tpu.vector_store %arg30[%swap3A_338, %swap3A_339], %gather3A {strides = array<i32>} : memref<32x112xf32, #tpu.memory_space<vmem>>, vector<16xf32>,
        %gather3A_341 = tpu.vector_load_idx %arg25[%broadcast_in_dim3A_335, %add3A_5] : memref<32x24xf32, #tpu.memory_space<vmem>>[vector<16xi32>, vector<16xi32>], vector<16xf32>,
        %swap3A_342 = arith.index_cast %scan3A_333 : i32 to index
        %swap3A_343 = arith.constant 4 : index
        %swap3A_344 = tpu.vector_load %arg30[%swap3A_342, %swap3A_343] {strides = array<i32>} : memref<32x112xf32, #tpu.memory_space<vmem>>, vector<16xf32>,
        tpu.vector_store %arg30[%swap3A_342, %swap3A_343], %gather3A_341 {strides = array<i32>} : memref<32x112xf32, #tpu.memory_space<vmem>>, vector<16xf32>,
        %mul3A_345 = arith.constant 50 : i32
        %mul3A_346 = arith.muli %scan3A_333, %mul3A_345 : i32
        %broadcast_in_dim3A_347 = vector.broadcast %mul3A_346 : i32 to vector<16xi32>
        %gather3A_348 = tpu.vector_load_idx %arg26[%broadcast_in_dim3A_347, %iota3A] : memref<1600x24xf32, #tpu.memory_space<vmem>>[vector<16xi32>, vector<16xi32>], vector<16xf32>,
        %add3A_349 = arith.addf %broadcast_in_dim3A_11, %gather3A_348 : vector<16xf32>
        %gather3A_350 = tpu.vector_load_idx %arg26[%broadcast_in_dim3A_347, %add3A_5] : memref<1600x24xf32, #tpu.memory_space<vmem>>[vector<16xi32>, vector<16xi32>], vector<16xf32>,
        %add3A_351 = arith.addf %broadcast_in_dim3A_11, %gather3A_350 : vector<16xf32>
        %add3A_352 = arith.addi %broadcast_in_dim3A_347, %broadcast_in_dim3A_337 : vector<16xi32>
        %gather3A_353 = tpu.vector_load_idx %arg26[%add3A_352, %iota3A] : memref<1600x24xf32, #tpu.memory_space<vmem>>[vector<16xi32>, vector<16xi32>], vector<16xf32>,
        %add3A_354 = arith.addf %add3A_349, %gather3A_353 : vector<16xf32>
        %gather3A_355 = tpu.vector_load_idx %arg26[%add3A_352, %add3A_5] : memref<1600x24xf32, #tpu.memory_space<vmem>>[vector<16xi32>, vector<16xi32>], vector<16xf32>,
        %add3A_356 = arith.addf %add3A_351, %gather3A_355 : vector<16xf32>
        %add3A_357 = arith.addi %add3A_352, %broadcast_in_dim3A_337 : vector<16xi32>
        %gather3A_358 = tpu.vector_load_idx %arg26[%add3A_357, %iota3A] : memref<1600x24xf32, #tpu.memory_space<vmem>>[vector<16xi32>, vector<16xi32>], vector<16xf32>,
        %add3A_359 = arith.addf %add3A_354, %gather3A_358 : vector<16xf32>
        %gather3A_360 = tpu.vector_load_idx %arg26[%add3A_357, %add3A_5] : memref<1600x24xf32, #tpu.memory_space<vmem>>[vector<16xi32>, vector<16xi32>], vector<16xf32>,
        %add3A_361 = arith.addf %add3A_356, %gather3A_360 : vector<16xf32>
        %add3A_362 = arith.addi %add3A_357, %broadcast_in_dim3A_337 : vector<16xi32>
        %gather3A_363 = tpu.vector_load_idx %arg26[%add3A_362, %iota3A] : memref<1600x24xf32, #tpu.memory_space<vmem>>[vector<16xi32>, vector<16xi32>], vector<16xf32>,
        %add3A_364 = arith.addf %add3A_359, %gather3A_363 : vector<16xf32>
        %gather3A_365 = tpu.vector_load_idx %arg26[%add3A_362, %add3A_5] : memref<1600x24xf32, #tpu.memory_space<vmem>>[vector<16xi32>, vector<16xi32>], vector<16xf32>,
        %add3A_366 = arith.addf %add3A_361, %gather3A_365 : vector<16xf32>
        %add3A_367 = arith.addi %add3A_362, %broadcast_in_dim3A_337 : vector<16xi32>
        %gather3A_368 = tpu.vector_load_idx %arg26[%add3A_367, %iota3A] : memref<1600x24xf32, #tpu.memory_space<vmem>>[vector<16xi32>, vector<16xi32>], vector<16xf32>,
        %add3A_369 = arith.addf %add3A_364, %gather3A_368 : vector<16xf32>
        %gather3A_370 = tpu.vector_load_idx %arg26[%add3A_367, %add3A_5] : memref<1600x24xf32, #tpu.memory_space<vmem>>[vector<16xi32>, vector<16xi32>], vector<16xf32>,
        %add3A_371 = arith.addf %add3A_366, %gather3A_370 : vector<16xf32>
        %add3A_372 = arith.addi %add3A_367, %broadcast_in_dim3A_337 : vector<16xi32>
        %gather3A_373 = tpu.vector_load_idx %arg26[%add3A_372, %iota3A] : memref<1600x24xf32, #tpu.memory_space<vmem>>[vector<16xi32>, vector<16xi32>], vector<16xf32>,
        %add3A_374 = arith.addf %add3A_369, %gather3A_373 : vector<16xf32>
        %gather3A_375 = tpu.vector_load_idx %arg26[%add3A_372, %add3A_5] : memref<1600x24xf32, #tpu.memory_space<vmem>>[vector<16xi32>, vector<16xi32>], vector<16xf32>,
        %add3A_376 = arith.addf %add3A_371, %gather3A_375 : vector<16xf32>
        %add3A_377 = arith.addi %add3A_372, %broadcast_in_dim3A_337 : vector<16xi32>
        %gather3A_378 = tpu.vector_load_idx %arg26[%add3A_377, %iota3A] : memref<1600x24xf32, #tpu.memory_space<vmem>>[vector<16xi32>, vector<16xi32>], vector<16xf32>,
        %add3A_379 = arith.addf %add3A_374, %gather3A_378 : vector<16xf32>
        %gather3A_380 = tpu.vector_load_idx %arg26[%add3A_377, %add3A_5] : memref<1600x24xf32, #tpu.memory_space<vmem>>[vector<16xi32>, vector<16xi32>], vector<16xf32>,
        %add3A_381 = arith.addf %add3A_376, %gather3A_380 : vector<16xf32>
        %add3A_382 = arith.addi %add3A_377, %broadcast_in_dim3A_337 : vector<16xi32>
        %gather3A_383 = tpu.vector_load_idx %arg26[%add3A_382, %iota3A] : memref<1600x24xf32, #tpu.memory_space<vmem>>[vector<16xi32>, vector<16xi32>], vector<16xf32>,
        %add3A_384 = arith.addf %add3A_379, %gather3A_383 : vector<16xf32>
        %gather3A_385 = tpu.vector_load_idx %arg26[%add3A_382, %add3A_5] : memref<1600x24xf32, #tpu.memory_space<vmem>>[vector<16xi32>, vector<16xi32>], vector<16xf32>,
        %add3A_386 = arith.addf %add3A_381, %gather3A_385 : vector<16xf32>
        %add3A_387 = arith.addi %add3A_382, %broadcast_in_dim3A_337 : vector<16xi32>
        %gather3A_388 = tpu.vector_load_idx %arg26[%add3A_387, %iota3A] : memref<1600x24xf32, #tpu.memory_space<vmem>>[vector<16xi32>, vector<16xi32>], vector<16xf32>,
        %add3A_389 = arith.addf %add3A_384, %gather3A_388 : vector<16xf32>
        %gather3A_390 = tpu.vector_load_idx %arg26[%add3A_387, %add3A_5] : memref<1600x24xf32, #tpu.memory_space<vmem>>[vector<16xi32>, vector<16xi32>], vector<16xf32>,
        %add3A_391 = arith.addf %add3A_386, %gather3A_390 : vector<16xf32>
        %add3A_392 = arith.addi %add3A_387, %broadcast_in_dim3A_337 : vector<16xi32>
        %gather3A_393 = tpu.vector_load_idx %arg26[%add3A_392, %iota3A] : memref<1600x24xf32, #tpu.memory_space<vmem>>[vector<16xi32>, vector<16xi32>], vector<16xf32>,
        %add3A_394 = arith.addf %add3A_389, %gather3A_393 : vector<16xf32>
        %gather3A_395 = tpu.vector_load_idx %arg26[%add3A_392, %add3A_5] : memref<1600x24xf32, #tpu.memory_space<vmem>>[vector<16xi32>, vector<16xi32>], vector<16xf32>,
        %add3A_396 = arith.addf %add3A_391, %gather3A_395 : vector<16xf32>
        %add3A_397 = arith.addi %add3A_392, %broadcast_in_dim3A_337 : vector<16xi32>
        %gather3A_398 = tpu.vector_load_idx %arg26[%add3A_397, %iota3A] : memref<1600x24xf32, #tpu.memory_space<vmem>>[vector<16xi32>, vector<16xi32>], vector<16xf32>,
        %add3A_399 = arith.addf %add3A_394, %gather3A_398 : vector<16xf32>
        %gather3A_400 = tpu.vector_load_idx %arg26[%add3A_397, %add3A_5] : memref<1600x24xf32, #tpu.memory_space<vmem>>[vector<16xi32>, vector<16xi32>], vector<16xf32>,
        %add3A_401 = arith.addf %add3A_396, %gather3A_400 : vector<16xf32>
        %add3A_402 = arith.addi %add3A_397, %broadcast_in_dim3A_337 : vector<16xi32>
        %gather3A_403 = tpu.vector_load_idx %arg26[%add3A_402, %iota3A] : memref<1600x24xf32, #tpu.memory_space<vmem>>[vector<16xi32>, vector<16xi32>], vector<16xf32>,
        %add3A_404 = arith.addf %add3A_399, %gather3A_403 : vector<16xf32>
        %gather3A_405 = tpu.vector_load_idx %arg26[%add3A_402, %add3A_5] : memref<1600x24xf32, #tpu.memory_space<vmem>>[vector<16xi32>, vector<16xi32>], vector<16xf32>,
        %add3A_406 = arith.addf %add3A_401, %gather3A_405 : vector<16xf32>
        %add3A_407 = arith.addi %add3A_402, %broadcast_in_dim3A_337 : vector<16xi32>
        %gather3A_408 = tpu.vector_load_idx %arg26[%add3A_407, %iota3A] : memref<1600x24xf32, #tpu.memory_space<vmem>>[vector<16xi32>, vector<16xi32>], vector<16xf32>,
        %add3A_409 = arith.addf %add3A_404, %gather3A_408 : vector<16xf32>
        %gather3A_410 = tpu.vector_load_idx %arg26[%add3A_407, %add3A_5] : memref<1600x24xf32, #tpu.memory_space<vmem>>[vector<16xi32>, vector<16xi32>], vector<16xf32>,
        %add3A_411 = arith.addf %add3A_406, %gather3A_410 : vector<16xf32>
        %add3A_412 = arith.addi %add3A_407, %broadcast_in_dim3A_337 : vector<16xi32>
        %gather3A_413 = tpu.vector_load_idx %arg26[%add3A_412, %iota3A] : memref<1600x24xf32, #tpu.memory_space<vmem>>[vector<16xi32>, vector<16xi32>], vector<16xf32>,
        %add3A_414 = arith.addf %add3A_409, %gather3A_413 : vector<16xf32>
        %gather3A_415 = tpu.vector_load_idx %arg26[%add3A_412, %add3A_5] : memref<1600x24xf32, #tpu.memory_space<vmem>>[vector<16xi32>, vector<16xi32>], vector<16xf32>,
        %add3A_416 = arith.addf %add3A_411, %gather3A_415 : vector<16xf32>
        %add3A_417 = arith.addi %add3A_412, %broadcast_in_dim3A_337 : vector<16xi32>
        %gather3A_418 = tpu.vector_load_idx %arg26[%add3A_417, %iota3A] : memref<1600x24xf32, #tpu.memory_space<vmem>>[vector<16xi32>, vector<16xi32>], vector<16xf32>,
        %add3A_419 = arith.addf %add3A_414, %gather3A_418 : vector<16xf32>
        %gather3A_420 = tpu.vector_load_idx %arg26[%add3A_417, %add3A_5] : memref<1600x24xf32, #tpu.memory_space<vmem>>[vector<16xi32>, vector<16xi32>], vector<16xf32>,
        %add3A_421 = arith.addf %add3A_416, %gather3A_420 : vector<16xf32>
        %add3A_422 = arith.addi %add3A_417, %broadcast_in_dim3A_337 : vector<16xi32>
        %gather3A_423 = tpu.vector_load_idx %arg26[%add3A_422, %iota3A] : memref<1600x24xf32, #tpu.memory_space<vmem>>[vector<16xi32>, vector<16xi32>], vector<16xf32>,
        %add3A_424 = arith.addf %add3A_419, %gather3A_423 : vector<16xf32>
        %gather3A_425 = tpu.vector_load_idx %arg26[%add3A_422, %add3A_5] : memref<1600x24xf32, #tpu.memory_space<vmem>>[vector<16xi32>, vector<16xi32>], vector<16xf32>,
        %add3A_426 = arith.addf %add3A_421, %gather3A_425 : vector<16xf32>
        %add3A_427 = arith.addi %add3A_422, %broadcast_in_dim3A_337 : vector<16xi32>
        %gather3A_428 = tpu.vector_load_idx %arg26[%add3A_427, %iota3A] : memref<1600x24xf32, #tpu.memory_space<vmem>>[vector<16xi32>, vector<16xi32>], vector<16xf32>,
        %add3A_429 = arith.addf %add3A_424, %gather3A_428 : vector<16xf32>
        %gather3A_430 = tpu.vector_load_idx %arg26[%add3A_427, %add3A_5] : memref<1600x24xf32, #tpu.memory_space<vmem>>[vector<16xi32>, vector<16xi32>], vector<16xf32>,
        %add3A_431 = arith.addf %add3A_426, %gather3A_430 : vector<16xf32>
        %add3A_432 = arith.addi %add3A_427, %broadcast_in_dim3A_337 : vector<16xi32>
        %gather3A_433 = tpu.vector_load_idx %arg26[%add3A_432, %iota3A] : memref<1600x24xf32, #tpu.memory_space<vmem>>[vector<16xi32>, vector<16xi32>], vector<16xf32>,
        %add3A_434 = arith.addf %add3A_429, %gather3A_433 : vector<16xf32>
        %gather3A_435 = tpu.vector_load_idx %arg26[%add3A_432, %add3A_5] : memref<1600x24xf32, #tpu.memory_space<vmem>>[vector<16xi32>, vector<16xi32>], vector<16xf32>,
        %add3A_436 = arith.addf %add3A_431, %gather3A_435 : vector<16xf32>
        %add3A_437 = arith.addi %add3A_432, %broadcast_in_dim3A_337 : vector<16xi32>
        %gather3A_438 = tpu.vector_load_idx %arg26[%add3A_437, %iota3A] : memref<1600x24xf32, #tpu.memory_space<vmem>>[vector<16xi32>, vector<16xi32>], vector<16xf32>,
        %add3A_439 = arith.addf %add3A_434, %gather3A_438 : vector<16xf32>
        %gather3A_440 = tpu.vector_load_idx %arg26[%add3A_437, %add3A_5] : memref<1600x24xf32, #tpu.memory_space<vmem>>[vector<16xi32>, vector<16xi32>], vector<16xf32>,
        %add3A_441 = arith.addf %add3A_436, %gather3A_440 : vector<16xf32>
        %add3A_442 = arith.addi %add3A_437, %broadcast_in_dim3A_337 : vector<16xi32>
        %gather3A_443 = tpu.vector_load_idx %arg26[%add3A_442, %iota3A] : memref<1600x24xf32, #tpu.memory_space<vmem>>[vector<16xi32>, vector<16xi32>], vector<16xf32>,
        %add3A_444 = arith.addf %add3A_439, %gather3A_443 : vector<16xf32>
        %gather3A_445 = tpu.vector_load_idx %arg26[%add3A_442, %add3A_5] : memref<1600x24xf32, #tpu.memory_space<vmem>>[vector<16xi32>, vector<16xi32>], vector<16xf32>,
        %add3A_446 = arith.addf %add3A_441, %gather3A_445 : vector<16xf32>
        %add3A_447 = arith.addi %add3A_442, %broadcast_in_dim3A_337 : vector<16xi32>
        %gather3A_448 = tpu.vector_load_idx %arg26[%add3A_447, %iota3A] : memref<1600x24xf32, #tpu.memory_space<vmem>>[vector<16xi32>, vector<16xi32>], vector<16xf32>,
        %add3A_449 = arith.addf %add3A_444, %gather3A_448 : vector<16xf32>
        %gather3A_450 = tpu.vector_load_idx %arg26[%add3A_447, %add3A_5] : memref<1600x24xf32, #tpu.memory_space<vmem>>[vector<16xi32>, vector<16xi32>], vector<16xf32>,
        %add3A_451 = arith.addf %add3A_446, %gather3A_450 : vector<16xf32>
        %add3A_452 = arith.addi %add3A_447, %broadcast_in_dim3A_337 : vector<16xi32>
        %gather3A_453 = tpu.vector_load_idx %arg26[%add3A_452, %iota3A] : memref<1600x24xf32, #tpu.memory_space<vmem>>[vector<16xi32>, vector<16xi32>], vector<16xf32>,
        %add3A_454 = arith.addf %add3A_449, %gather3A_453 : vector<16xf32>
        %gather3A_455 = tpu.vector_load_idx %arg26[%add3A_452, %add3A_5] : memref<1600x24xf32, #tpu.memory_space<vmem>>[vector<16xi32>, vector<16xi32>], vector<16xf32>,
        %add3A_456 = arith.addf %add3A_451, %gather3A_455 : vector<16xf32>
        %add3A_457 = arith.addi %add3A_452, %broadcast_in_dim3A_337 : vector<16xi32>
        %gather3A_458 = tpu.vector_load_idx %arg26[%add3A_457, %iota3A] : memref<1600x24xf32, #tpu.memory_space<vmem>>[vector<16xi32>, vector<16xi32>], vector<16xf32>,
        %add3A_459 = arith.addf %add3A_454, %gather3A_458 : vector<16xf32>
        %gather3A_460 = tpu.vector_load_idx %arg26[%add3A_457, %add3A_5] : memref<1600x24xf32, #tpu.memory_space<vmem>>[vector<16xi32>, vector<16xi32>], vector<16xf32>,
        %add3A_461 = arith.addf %add3A_456, %gather3A_460 : vector<16xf32>
        %add3A_462 = arith.addi %add3A_457, %broadcast_in_dim3A_337 : vector<16xi32>
        %gather3A_463 = tpu.vector_load_idx %arg26[%add3A_462, %iota3A] : memref<1600x24xf32, #tpu.memory_space<vmem>>[vector<16xi32>, vector<16xi32>], vector<16xf32>,
        %add3A_464 = arith.addf %add3A_459, %gather3A_463 : vector<16xf32>
        %gather3A_465 = tpu.vector_load_idx %arg26[%add3A_462, %add3A_5] : memref<1600x24xf32, #tpu.memory_space<vmem>>[vector<16xi32>, vector<16xi32>], vector<16xf32>,
        %add3A_466 = arith.addf %add3A_461, %gather3A_465 : vector<16xf32>
        %add3A_467 = arith.addi %add3A_462, %broadcast_in_dim3A_337 : vector<16xi32>
        %gather3A_468 = tpu.vector_load_idx %arg26[%add3A_467, %iota3A] : memref<1600x24xf32, #tpu.memory_space<vmem>>[vector<16xi32>, vector<16xi32>], vector<16xf32>,
        %add3A_469 = arith.addf %add3A_464, %gather3A_468 : vector<16xf32>
        %gather3A_470 = tpu.vector_load_idx %arg26[%add3A_467, %add3A_5] : memref<1600x24xf32, #tpu.memory_space<vmem>>[vector<16xi32>, vector<16xi32>], vector<16xf32>,
        %add3A_471 = arith.addf %add3A_466, %gather3A_470 : vector<16xf32>
        %add3A_472 = arith.addi %add3A_467, %broadcast_in_dim3A_337 : vector<16xi32>
        %gather3A_473 = tpu.vector_load_idx %arg26[%add3A_472, %iota3A] : memref<1600x24xf32, #tpu.memory_space<vmem>>[vector<16xi32>, vector<16xi32>], vector<16xf32>,
        %add3A_474 = arith.addf %add3A_469, %gather3A_473 : vector<16xf32>
        %gather3A_475 = tpu.vector_load_idx %arg26[%add3A_472, %add3A_5] : memref<1600x24xf32, #tpu.memory_space<vmem>>[vector<16xi32>, vector<16xi32>], vector<16xf32>,
        %add3A_476 = arith.addf %add3A_471, %gather3A_475 : vector<16xf32>
        %add3A_477 = arith.addi %add3A_472, %broadcast_in_dim3A_337 : vector<16xi32>
        %gather3A_478 = tpu.vector_load_idx %arg26[%add3A_477, %iota3A] : memref<1600x24xf32, #tpu.memory_space<vmem>>[vector<16xi32>, vector<16xi32>], vector<16xf32>,
        %add3A_479 = arith.addf %add3A_474, %gather3A_478 : vector<16xf32>
        %gather3A_480 = tpu.vector_load_idx %arg26[%add3A_477, %add3A_5] : memref<1600x24xf32, #tpu.memory_space<vmem>>[vector<16xi32>, vector<16xi32>], vector<16xf32>,
        %add3A_481 = arith.addf %add3A_476, %gather3A_480 : vector<16xf32>
        %add3A_482 = arith.addi %add3A_477, %broadcast_in_dim3A_337 : vector<16xi32>
        %gather3A_483 = tpu.vector_load_idx %arg26[%add3A_482, %iota3A] : memref<1600x24xf32, #tpu.memory_space<vmem>>[vector<16xi32>, vector<16xi32>], vector<16xf32>,
        %add3A_484 = arith.addf %add3A_479, %gather3A_483 : vector<16xf32>
        %gather3A_485 = tpu.vector_load_idx %arg26[%add3A_482, %add3A_5] : memref<1600x24xf32, #tpu.memory_space<vmem>>[vector<16xi32>, vector<16xi32>], vector<16xf32>,
        %add3A_486 = arith.addf %add3A_481, %gather3A_485 : vector<16xf32>
        %add3A_487 = arith.addi %add3A_482, %broadcast_in_dim3A_337 : vector<16xi32>
        %gather3A_488 = tpu.vector_load_idx %arg26[%add3A_487, %iota3A] : memref<1600x24xf32, #tpu.memory_space<vmem>>[vector<16xi32>, vector<16xi32>], vector<16xf32>,
        %add3A_489 = arith.addf %add3A_484, %gather3A_488 : vector<16xf32>
        %gather3A_490 = tpu.vector_load_idx %arg26[%add3A_487, %add3A_5] : memref<1600x24xf32, #tpu.memory_space<vmem>>[vector<16xi32>, vector<16xi32>], vector<16xf32>,
        %add3A_491 = arith.addf %add3A_486, %gather3A_490 : vector<16xf32>
        %add3A_492 = arith.addi %add3A_487, %broadcast_in_dim3A_337 : vector<16xi32>
        %gather3A_493 = tpu.vector_load_idx %arg26[%add3A_492, %iota3A] : memref<1600x24xf32, #tpu.memory_space<vmem>>[vector<16xi32>, vector<16xi32>], vector<16xf32>,
        %add3A_494 = arith.addf %add3A_489, %gather3A_493 : vector<16xf32>
        %gather3A_495 = tpu.vector_load_idx %arg26[%add3A_492, %add3A_5] : memref<1600x24xf32, #tpu.memory_space<vmem>>[vector<16xi32>, vector<16xi32>], vector<16xf32>,
        %add3A_496 = arith.addf %add3A_491, %gather3A_495 : vector<16xf32>
        %add3A_497 = arith.addi %add3A_492, %broadcast_in_dim3A_337 : vector<16xi32>
        %gather3A_498 = tpu.vector_load_idx %arg26[%add3A_497, %iota3A] : memref<1600x24xf32, #tpu.memory_space<vmem>>[vector<16xi32>, vector<16xi32>], vector<16xf32>,
        %add3A_499 = arith.addf %add3A_494, %gather3A_498 : vector<16xf32>
        %gather3A_500 = tpu.vector_load_idx %arg26[%add3A_497, %add3A_5] : memref<1600x24xf32, #tpu.memory_space<vmem>>[vector<16xi32>, vector<16xi32>], vector<16xf32>,
        %add3A_501 = arith.addf %add3A_496, %gather3A_500 : vector<16xf32>
        %add3A_502 = arith.addi %add3A_497, %broadcast_in_dim3A_337 : vector<16xi32>
        %gather3A_503 = tpu.vector_load_idx %arg26[%add3A_502, %iota3A] : memref<1600x24xf32, #tpu.memory_space<vmem>>[vector<16xi32>, vector<16xi32>], vector<16xf32>,
        %add3A_504 = arith.addf %add3A_499, %gather3A_503 : vector<16xf32>
        %gather3A_505 = tpu.vector_load_idx %arg26[%add3A_502, %add3A_5] : memref<1600x24xf32, #tpu.memory_space<vmem>>[vector<16xi32>, vector<16xi32>], vector<16xf32>,
        %add3A_506 = arith.addf %add3A_501, %gather3A_505 : vector<16xf32>
        %add3A_507 = arith.addi %add3A_502, %broadcast_in_dim3A_337 : vector<16xi32>
        %gather3A_508 = tpu.vector_load_idx %arg26[%add3A_507, %iota3A] : memref<1600x24xf32, #tpu.memory_space<vmem>>[vector<16xi32>, vector<16xi32>], vector<16xf32>,
        %add3A_509 = arith.addf %add3A_504, %gather3A_508 : vector<16xf32>
        %gather3A_510 = tpu.vector_load_idx %arg26[%add3A_507, %add3A_5] : memref<1600x24xf32, #tpu.memory_space<vmem>>[vector<16xi32>, vector<16xi32>], vector<16xf32>,
        %add3A_511 = arith.addf %add3A_506, %gather3A_510 : vector<16xf32>
        %add3A_512 = arith.addi %add3A_507, %broadcast_in_dim3A_337 : vector<16xi32>
        %gather3A_513 = tpu.vector_load_idx %arg26[%add3A_512, %iota3A] : memref<1600x24xf32, #tpu.memory_space<vmem>>[vector<16xi32>, vector<16xi32>], vector<16xf32>,
        %add3A_514 = arith.addf %add3A_509, %gather3A_513 : vector<16xf32>
        %gather3A_515 = tpu.vector_load_idx %arg26[%add3A_512, %add3A_5] : memref<1600x24xf32, #tpu.memory_space<vmem>>[vector<16xi32>, vector<16xi32>], vector<16xf32>,
        %add3A_516 = arith.addf %add3A_511, %gather3A_515 : vector<16xf32>
        %add3A_517 = arith.addi %add3A_512, %broadcast_in_dim3A_337 : vector<16xi32>
        %gather3A_518 = tpu.vector_load_idx %arg26[%add3A_517, %iota3A] : memref<1600x24xf32, #tpu.memory_space<vmem>>[vector<16xi32>, vector<16xi32>], vector<16xf32>,
        %add3A_519 = arith.addf %add3A_514, %gather3A_518 : vector<16xf32>
        %gather3A_520 = tpu.vector_load_idx %arg26[%add3A_517, %add3A_5] : memref<1600x24xf32, #tpu.memory_space<vmem>>[vector<16xi32>, vector<16xi32>], vector<16xf32>,
        %add3A_521 = arith.addf %add3A_516, %gather3A_520 : vector<16xf32>
        %add3A_522 = arith.addi %add3A_517, %broadcast_in_dim3A_337 : vector<16xi32>
        %gather3A_523 = tpu.vector_load_idx %arg26[%add3A_522, %iota3A] : memref<1600x24xf32, #tpu.memory_space<vmem>>[vector<16xi32>, vector<16xi32>], vector<16xf32>,
        %add3A_524 = arith.addf %add3A_519, %gather3A_523 : vector<16xf32>
        %gather3A_525 = tpu.vector_load_idx %arg26[%add3A_522, %add3A_5] : memref<1600x24xf32, #tpu.memory_space<vmem>>[vector<16xi32>, vector<16xi32>], vector<16xf32>,
        %add3A_526 = arith.addf %add3A_521, %gather3A_525 : vector<16xf32>
        %add3A_527 = arith.addi %add3A_522, %broadcast_in_dim3A_337 : vector<16xi32>
        %gather3A_528 = tpu.vector_load_idx %arg26[%add3A_527, %iota3A] : memref<1600x24xf32, #tpu.memory_space<vmem>>[vector<16xi32>, vector<16xi32>], vector<16xf32>,
        %add3A_529 = arith.addf %add3A_524, %gather3A_528 : vector<16xf32>
        %gather3A_530 = tpu.vector_load_idx %arg26[%add3A_527, %add3A_5] : memref<1600x24xf32, #tpu.memory_space<vmem>>[vector<16xi32>, vector<16xi32>], vector<16xf32>,
        %add3A_531 = arith.addf %add3A_526, %gather3A_530 : vector<16xf32>
        %add3A_532 = arith.addi %add3A_527, %broadcast_in_dim3A_337 : vector<16xi32>
        %gather3A_533 = tpu.vector_load_idx %arg26[%add3A_532, %iota3A] : memref<1600x24xf32, #tpu.memory_space<vmem>>[vector<16xi32>, vector<16xi32>], vector<16xf32>,
        %add3A_534 = arith.addf %add3A_529, %gather3A_533 : vector<16xf32>
        %gather3A_535 = tpu.vector_load_idx %arg26[%add3A_532, %add3A_5] : memref<1600x24xf32, #tpu.memory_space<vmem>>[vector<16xi32>, vector<16xi32>], vector<16xf32>,
        %add3A_536 = arith.addf %add3A_531, %gather3A_535 : vector<16xf32>
        %add3A_537 = arith.addi %add3A_532, %broadcast_in_dim3A_337 : vector<16xi32>
        %gather3A_538 = tpu.vector_load_idx %arg26[%add3A_537, %iota3A] : memref<1600x24xf32, #tpu.memory_space<vmem>>[vector<16xi32>, vector<16xi32>], vector<16xf32>,
        %add3A_539 = arith.addf %add3A_534, %gather3A_538 : vector<16xf32>
        %gather3A_540 = tpu.vector_load_idx %arg26[%add3A_537, %add3A_5] : memref<1600x24xf32, #tpu.memory_space<vmem>>[vector<16xi32>, vector<16xi32>], vector<16xf32>,
        %add3A_541 = arith.addf %add3A_536, %gather3A_540 : vector<16xf32>
        %add3A_542 = arith.addi %add3A_537, %broadcast_in_dim3A_337 : vector<16xi32>
        %gather3A_543 = tpu.vector_load_idx %arg26[%add3A_542, %iota3A] : memref<1600x24xf32, #tpu.memory_space<vmem>>[vector<16xi32>, vector<16xi32>], vector<16xf32>,
        %add3A_544 = arith.addf %add3A_539, %gather3A_543 : vector<16xf32>
        %gather3A_545 = tpu.vector_load_idx %arg26[%add3A_542, %add3A_5] : memref<1600x24xf32, #tpu.memory_space<vmem>>[vector<16xi32>, vector<16xi32>], vector<16xf32>,
        %add3A_546 = arith.addf %add3A_541, %gather3A_545 : vector<16xf32>
        %add3A_547 = arith.addi %add3A_542, %broadcast_in_dim3A_337 : vector<16xi32>
        %gather3A_548 = tpu.vector_load_idx %arg26[%add3A_547, %iota3A] : memref<1600x24xf32, #tpu.memory_space<vmem>>[vector<16xi32>, vector<16xi32>], vector<16xf32>,
        %add3A_549 = arith.addf %add3A_544, %gather3A_548 : vector<16xf32>
        %gather3A_550 = tpu.vector_load_idx %arg26[%add3A_547, %add3A_5] : memref<1600x24xf32, #tpu.memory_space<vmem>>[vector<16xi32>, vector<16xi32>], vector<16xf32>,
        %add3A_551 = arith.addf %add3A_546, %gather3A_550 : vector<16xf32>
        %add3A_552 = arith.addi %add3A_547, %broadcast_in_dim3A_337 : vector<16xi32>
        %gather3A_553 = tpu.vector_load_idx %arg26[%add3A_552, %iota3A] : memref<1600x24xf32, #tpu.memory_space<vmem>>[vector<16xi32>, vector<16xi32>], vector<16xf32>,
        %add3A_554 = arith.addf %add3A_549, %gather3A_553 : vector<16xf32>
        %gather3A_555 = tpu.vector_load_idx %arg26[%add3A_552, %add3A_5] : memref<1600x24xf32, #tpu.memory_space<vmem>>[vector<16xi32>, vector<16xi32>], vector<16xf32>,
        %add3A_556 = arith.addf %add3A_551, %gather3A_555 : vector<16xf32>
        %add3A_557 = arith.addi %add3A_552, %broadcast_in_dim3A_337 : vector<16xi32>
        %gather3A_558 = tpu.vector_load_idx %arg26[%add3A_557, %iota3A] : memref<1600x24xf32, #tpu.memory_space<vmem>>[vector<16xi32>, vector<16xi32>], vector<16xf32>,
        %add3A_559 = arith.addf %add3A_554, %gather3A_558 : vector<16xf32>
        %gather3A_560 = tpu.vector_load_idx %arg26[%add3A_557, %add3A_5] : memref<1600x24xf32, #tpu.memory_space<vmem>>[vector<16xi32>, vector<16xi32>], vector<16xf32>,
        %add3A_561 = arith.addf %add3A_556, %gather3A_560 : vector<16xf32>
        %add3A_562 = arith.addi %add3A_557, %broadcast_in_dim3A_337 : vector<16xi32>
        %gather3A_563 = tpu.vector_load_idx %arg26[%add3A_562, %iota3A] : memref<1600x24xf32, #tpu.memory_space<vmem>>[vector<16xi32>, vector<16xi32>], vector<16xf32>,
        %add3A_564 = arith.addf %add3A_559, %gather3A_563 : vector<16xf32>
        %gather3A_565 = tpu.vector_load_idx %arg26[%add3A_562, %add3A_5] : memref<1600x24xf32, #tpu.memory_space<vmem>>[vector<16xi32>, vector<16xi32>], vector<16xf32>,
        %add3A_566 = arith.addf %add3A_561, %gather3A_565 : vector<16xf32>
        %add3A_567 = arith.addi %add3A_562, %broadcast_in_dim3A_337 : vector<16xi32>
        %gather3A_568 = tpu.vector_load_idx %arg26[%add3A_567, %iota3A] : memref<1600x24xf32, #tpu.memory_space<vmem>>[vector<16xi32>, vector<16xi32>], vector<16xf32>,
        %add3A_569 = arith.addf %add3A_564, %gather3A_568 : vector<16xf32>
        %gather3A_570 = tpu.vector_load_idx %arg26[%add3A_567, %add3A_5] : memref<1600x24xf32, #tpu.memory_space<vmem>>[vector<16xi32>, vector<16xi32>], vector<16xf32>,
        %add3A_571 = arith.addf %add3A_566, %gather3A_570 : vector<16xf32>
        %add3A_572 = arith.addi %add3A_567, %broadcast_in_dim3A_337 : vector<16xi32>
        %gather3A_573 = tpu.vector_load_idx %arg26[%add3A_572, %iota3A] : memref<1600x24xf32, #tpu.memory_space<vmem>>[vector<16xi32>, vector<16xi32>], vector<16xf32>,
        %add3A_574 = arith.addf %add3A_569, %gather3A_573 : vector<16xf32>
        %gather3A_575 = tpu.vector_load_idx %arg26[%add3A_572, %add3A_5] : memref<1600x24xf32, #tpu.memory_space<vmem>>[vector<16xi32>, vector<16xi32>], vector<16xf32>,
        %add3A_576 = arith.addf %add3A_571, %gather3A_575 : vector<16xf32>
        %add3A_577 = arith.addi %add3A_572, %broadcast_in_dim3A_337 : vector<16xi32>
        %gather3A_578 = tpu.vector_load_idx %arg26[%add3A_577, %iota3A] : memref<1600x24xf32, #tpu.memory_space<vmem>>[vector<16xi32>, vector<16xi32>], vector<16xf32>,
        %add3A_579 = arith.addf %add3A_574, %gather3A_578 : vector<16xf32>
        %gather3A_580 = tpu.vector_load_idx %arg26[%add3A_577, %add3A_5] : memref<1600x24xf32, #tpu.memory_space<vmem>>[vector<16xi32>, vector<16xi32>], vector<16xf32>,
        %add3A_581 = arith.addf %add3A_576, %gather3A_580 : vector<16xf32>
        %add3A_582 = arith.addi %add3A_577, %broadcast_in_dim3A_337 : vector<16xi32>
        %gather3A_583 = tpu.vector_load_idx %arg26[%add3A_582, %iota3A] : memref<1600x24xf32, #tpu.memory_space<vmem>>[vector<16xi32>, vector<16xi32>], vector<16xf32>,
        %add3A_584 = arith.addf %add3A_579, %gather3A_583 : vector<16xf32>
        %gather3A_585 = tpu.vector_load_idx %arg26[%add3A_582, %add3A_5] : memref<1600x24xf32, #tpu.memory_space<vmem>>[vector<16xi32>, vector<16xi32>], vector<16xf32>,
        %add3A_586 = arith.addf %add3A_581, %gather3A_585 : vector<16xf32>
        %add3A_587 = arith.addi %add3A_582, %broadcast_in_dim3A_337 : vector<16xi32>
        %gather3A_588 = tpu.vector_load_idx %arg26[%add3A_587, %iota3A] : memref<1600x24xf32, #tpu.memory_space<vmem>>[vector<16xi32>, vector<16xi32>], vector<16xf32>,
        %add3A_589 = arith.addf %add3A_584, %gather3A_588 : vector<16xf32>
        %gather3A_590 = tpu.vector_load_idx %arg26[%add3A_587, %add3A_5] : memref<1600x24xf32, #tpu.memory_space<vmem>>[vector<16xi32>, vector<16xi32>], vector<16xf32>,
        %add3A_591 = arith.addf %add3A_586, %gather3A_590 : vector<16xf32>
        %add3A_592 = arith.addi %add3A_587, %broadcast_in_dim3A_337 : vector<16xi32>
        %gather3A_593 = tpu.vector_load_idx %arg26[%add3A_592, %iota3A] : memref<1600x24xf32, #tpu.memory_space<vmem>>[vector<16xi32>, vector<16xi32>], vector<16xf32>,
        %add3A_594 = arith.addf %add3A_589, %gather3A_593 : vector<16xf32>
        %gather3A_595 = tpu.vector_load_idx %arg26[%add3A_592, %add3A_5] : memref<1600x24xf32, #tpu.memory_space<vmem>>[vector<16xi32>, vector<16xi32>], vector<16xf32>,
        %add3A_596 = arith.addf %add3A_591, %gather3A_595 : vector<16xf32>
        %div3A = arith.constant 5.000000e+01 : f32
        %div3A_597 = vector.broadcast %div3A : f32 to vector<16xf32>
        %div3A_598 = arith.divf %add3A_594, %div3A_597 : vector<16xf32>
        %swap3A_599 = arith.index_cast %scan3A_333 : i32 to index
        %swap3A_600 = arith.constant 20 : index
        %swap3A_601 = tpu.vector_load %arg30[%swap3A_599, %swap3A_600] {strides = array<i32>} : memref<32x112xf32, #tpu.memory_space<vmem>>, vector<16xf32>,
        tpu.vector_store %arg30[%swap3A_599, %swap3A_600], %div3A_598 {strides = array<i32>} : memref<32x112xf32, #tpu.memory_space<vmem>>, vector<16xf32>,
        %div3A_602 = arith.constant 5.000000e+01 : f32
        %div3A_603 = vector.broadcast %div3A_602 : f32 to vector<16xf32>
        %div3A_604 = arith.divf %add3A_596, %div3A_603 : vector<16xf32>
        %swap3A_605 = arith.index_cast %scan3A_333 : i32 to index
        %swap3A_606 = arith.constant 24 : index
        %swap3A_607 = tpu.vector_load %arg30[%swap3A_605, %swap3A_606] {strides = array<i32>} : memref<32x112xf32, #tpu.memory_space<vmem>>, vector<16xf32>,
        tpu.vector_store %arg30[%swap3A_605, %swap3A_606], %div3A_604 {strides = array<i32>} : memref<32x112xf32, #tpu.memory_space<vmem>>, vector<16xf32>,
        %gather3A_608 = tpu.vector_load_idx %arg27[%broadcast_in_dim3A_335, %and3A_7] : memref<32x8xf32, #tpu.memory_space<vmem>>[vector<16xi32>, vector<16xi32>], vector<16xf32>,
        %swap3A_609 = arith.index_cast %scan3A_333 : i32 to index
        %swap3A_610 = arith.constant 40 : index
        %swap3A_611 = tpu.vector_load %arg30[%swap3A_609, %swap3A_610] {strides = array<i32>} : memref<32x112xf32, #tpu.memory_space<vmem>>, vector<16xf32>,
        tpu.vector_store %arg30[%swap3A_609, %swap3A_610], %gather3A_608 {strides = array<i32>} : memref<32x112xf32, #tpu.memory_space<vmem>>, vector<16xf32>,
        %mul3A_612 = arith.constant 20 : i32
        %mul3A_613 = arith.muli %scan3A_333, %mul3A_612 : i32
        %broadcast_in_dim3A_614 = vector.broadcast %mul3A_613 : i32 to vector<16xi32>
        %gather3A_615 = tpu.vector_load_idx %arg28[%broadcast_in_dim3A_614, %iota3A] : memref<640x16xf32, #tpu.memory_space<vmem>>[vector<16xi32>, vector<16xi32>], vector<16xf32>,
        %add3A_616 = arith.addi %broadcast_in_dim3A_614, %broadcast_in_dim3A_337 : vector<16xi32>
        %gather3A_617 = tpu.vector_load_idx %arg28[%add3A_616, %iota3A] : memref<640x16xf32, #tpu.memory_space<vmem>>[vector<16xi32>, vector<16xi32>], vector<16xf32>,
        %add3A_618 = arith.addf %gather3A_615, %gather3A_617 : vector<16xf32>
        %add3A_619 = arith.addi %add3A_616, %broadcast_in_dim3A_337 : vector<16xi32>
        %gather3A_620 = tpu.vector_load_idx %arg28[%add3A_619, %iota3A] : memref<640x16xf32, #tpu.memory_space<vmem>>[vector<16xi32>, vector<16xi32>], vector<16xf32>,
        %add3A_621 = arith.addf %add3A_618, %gather3A_620 : vector<16xf32>
        %add3A_622 = arith.addi %add3A_619, %broadcast_in_dim3A_337 : vector<16xi32>
        %gather3A_623 = tpu.vector_load_idx %arg28[%add3A_622, %iota3A] : memref<640x16xf32, #tpu.memory_space<vmem>>[vector<16xi32>, vector<16xi32>], vector<16xf32>,
        %add3A_624 = arith.addf %add3A_621, %gather3A_623 : vector<16xf32>
        %add3A_625 = arith.addi %add3A_622, %broadcast_in_dim3A_337 : vector<16xi32>
        %gather3A_626 = tpu.vector_load_idx %arg28[%add3A_625, %iota3A] : memref<640x16xf32, #tpu.memory_space<vmem>>[vector<16xi32>, vector<16xi32>], vector<16xf32>,
        %add3A_627 = arith.addf %add3A_624, %gather3A_626 : vector<16xf32>
        %add3A_628 = arith.addi %add3A_625, %broadcast_in_dim3A_337 : vector<16xi32>
        %gather3A_629 = tpu.vector_load_idx %arg28[%add3A_628, %iota3A] : memref<640x16xf32, #tpu.memory_space<vmem>>[vector<16xi32>, vector<16xi32>], vector<16xf32>,
        %add3A_630 = arith.addf %add3A_627, %gather3A_629 : vector<16xf32>
        %add3A_631 = arith.addi %add3A_628, %broadcast_in_dim3A_337 : vector<16xi32>
        %gather3A_632 = tpu.vector_load_idx %arg28[%add3A_631, %iota3A] : memref<640x16xf32, #tpu.memory_space<vmem>>[vector<16xi32>, vector<16xi32>], vector<16xf32>,
        %add3A_633 = arith.addf %add3A_630, %gather3A_632 : vector<16xf32>
        %add3A_634 = arith.addi %add3A_631, %broadcast_in_dim3A_337 : vector<16xi32>
        %gather3A_635 = tpu.vector_load_idx %arg28[%add3A_634, %iota3A] : memref<640x16xf32, #tpu.memory_space<vmem>>[vector<16xi32>, vector<16xi32>], vector<16xf32>,
        %add3A_636 = arith.addf %add3A_633, %gather3A_635 : vector<16xf32>
        %add3A_637 = arith.addi %add3A_634, %broadcast_in_dim3A_337 : vector<16xi32>
        %gather3A_638 = tpu.vector_load_idx %arg28[%add3A_637, %iota3A] : memref<640x16xf32, #tpu.memory_space<vmem>>[vector<16xi32>, vector<16xi32>], vector<16xf32>,
        %add3A_639 = arith.addf %add3A_636, %gather3A_638 : vector<16xf32>
        %add3A_640 = arith.addi %add3A_637, %broadcast_in_dim3A_337 : vector<16xi32>
        %gather3A_641 = tpu.vector_load_idx %arg28[%add3A_640, %iota3A] : memref<640x16xf32, #tpu.memory_space<vmem>>[vector<16xi32>, vector<16xi32>], vector<16xf32>,
        %add3A_642 = arith.addf %add3A_639, %gather3A_641 : vector<16xf32>
        %add3A_643 = arith.addi %add3A_640, %broadcast_in_dim3A_337 : vector<16xi32>
        %gather3A_644 = tpu.vector_load_idx %arg28[%add3A_643, %iota3A] : memref<640x16xf32, #tpu.memory_space<vmem>>[vector<16xi32>, vector<16xi32>], vector<16xf32>,
        %add3A_645 = arith.addf %add3A_642, %gather3A_644 : vector<16xf32>
        %add3A_646 = arith.addi %add3A_643, %broadcast_in_dim3A_337 : vector<16xi32>
        %gather3A_647 = tpu.vector_load_idx %arg28[%add3A_646, %iota3A] : memref<640x16xf32, #tpu.memory_space<vmem>>[vector<16xi32>, vector<16xi32>], vector<16xf32>,
        %add3A_648 = arith.addf %add3A_645, %gather3A_647 : vector<16xf32>
        %add3A_649 = arith.addi %add3A_646, %broadcast_in_dim3A_337 : vector<16xi32>
        %gather3A_650 = tpu.vector_load_idx %arg28[%add3A_649, %iota3A] : memref<640x16xf32, #tpu.memory_space<vmem>>[vector<16xi32>, vector<16xi32>], vector<16xf32>,
        %add3A_651 = arith.addf %add3A_648, %gather3A_650 : vector<16xf32>
        %add3A_652 = arith.addi %add3A_649, %broadcast_in_dim3A_337 : vector<16xi32>
        %gather3A_653 = tpu.vector_load_idx %arg28[%add3A_652, %iota3A] : memref<640x16xf32, #tpu.memory_space<vmem>>[vector<16xi32>, vector<16xi32>], vector<16xf32>,
        %add3A_654 = arith.addf %add3A_651, %gather3A_653 : vector<16xf32>
        %add3A_655 = arith.addi %add3A_652, %broadcast_in_dim3A_337 : vector<16xi32>
        %gather3A_656 = tpu.vector_load_idx %arg28[%add3A_655, %iota3A] : memref<640x16xf32, #tpu.memory_space<vmem>>[vector<16xi32>, vector<16xi32>], vector<16xf32>,
        %add3A_657 = arith.addf %add3A_654, %gather3A_656 : vector<16xf32>
        %add3A_658 = arith.addi %add3A_655, %broadcast_in_dim3A_337 : vector<16xi32>
        %gather3A_659 = tpu.vector_load_idx %arg28[%add3A_658, %iota3A] : memref<640x16xf32, #tpu.memory_space<vmem>>[vector<16xi32>, vector<16xi32>], vector<16xf32>,
        %add3A_660 = arith.addf %add3A_657, %gather3A_659 : vector<16xf32>
        %add3A_661 = arith.addi %add3A_658, %broadcast_in_dim3A_337 : vector<16xi32>
        %gather3A_662 = tpu.vector_load_idx %arg28[%add3A_661, %iota3A] : memref<640x16xf32, #tpu.memory_space<vmem>>[vector<16xi32>, vector<16xi32>], vector<16xf32>,
        %add3A_663 = arith.addf %add3A_660, %gather3A_662 : vector<16xf32>
        %add3A_664 = arith.addi %add3A_661, %broadcast_in_dim3A_337 : vector<16xi32>
        %gather3A_665 = tpu.vector_load_idx %arg28[%add3A_664, %iota3A] : memref<640x16xf32, #tpu.memory_space<vmem>>[vector<16xi32>, vector<16xi32>], vector<16xf32>,
        %add3A_666 = arith.addf %add3A_663, %gather3A_665 : vector<16xf32>
        %add3A_667 = arith.addi %add3A_664, %broadcast_in_dim3A_337 : vector<16xi32>
        %gather3A_668 = tpu.vector_load_idx %arg28[%add3A_667, %iota3A] : memref<640x16xf32, #tpu.memory_space<vmem>>[vector<16xi32>, vector<16xi32>], vector<16xf32>,
        %add3A_669 = arith.addf %add3A_666, %gather3A_668 : vector<16xf32>
        %add3A_670 = arith.addi %add3A_667, %broadcast_in_dim3A_337 : vector<16xi32>
        %gather3A_671 = tpu.vector_load_idx %arg28[%add3A_670, %iota3A] : memref<640x16xf32, #tpu.memory_space<vmem>>[vector<16xi32>, vector<16xi32>], vector<16xf32>,
        %add3A_672 = arith.addf %add3A_669, %gather3A_671 : vector<16xf32>
        %div3A_673 = arith.constant 2.000000e+01 : f32
        %div3A_674 = vector.broadcast %div3A_673 : f32 to vector<16xf32>
        %div3A_675 = arith.divf %add3A_672, %div3A_674 : vector<16xf32>
        %swap3A_676 = arith.index_cast %scan3A_333 : i32 to index
        %swap3A_677 = arith.constant 48 : index
        %swap3A_678 = tpu.vector_load %arg30[%swap3A_676, %swap3A_677] {strides = array<i32>} : memref<32x112xf32, #tpu.memory_space<vmem>>, vector<16xf32>,
        tpu.vector_store %arg30[%swap3A_676, %swap3A_677], %div3A_675 {strides = array<i32>} : memref<32x112xf32, #tpu.memory_space<vmem>>, vector<16xf32>,
        %mul3A_679 = arith.constant 16 : i32
        %mul3A_680 = arith.muli %scan3A_333, %mul3A_679 : i32
        %broadcast_in_dim3A_681 = vector.broadcast %mul3A_680 : i32 to vector<16xi32>
        %gather3A_682 = tpu.vector_load_idx %arg29[%broadcast_in_dim3A_681, %iota3A] : memref<512x16xf32, #tpu.memory_space<vmem>>[vector<16xi32>, vector<16xi32>], vector<16xf32>,
        %add3A_683 = arith.addi %broadcast_in_dim3A_681, %broadcast_in_dim3A_337 : vector<16xi32>
        %gather3A_684 = tpu.vector_load_idx %arg29[%add3A_683, %iota3A] : memref<512x16xf32, #tpu.memory_space<vmem>>[vector<16xi32>, vector<16xi32>], vector<16xf32>,
        %add3A_685 = arith.addf %gather3A_682, %gather3A_684 : vector<16xf32>
        %add3A_686 = arith.addi %add3A_683, %broadcast_in_dim3A_337 : vector<16xi32>
        %gather3A_687 = tpu.vector_load_idx %arg29[%add3A_686, %iota3A] : memref<512x16xf32, #tpu.memory_space<vmem>>[vector<16xi32>, vector<16xi32>], vector<16xf32>,
        %add3A_688 = arith.addf %add3A_685, %gather3A_687 : vector<16xf32>
        %add3A_689 = arith.addi %add3A_686, %broadcast_in_dim3A_337 : vector<16xi32>
        %gather3A_690 = tpu.vector_load_idx %arg29[%add3A_689, %iota3A] : memref<512x16xf32, #tpu.memory_space<vmem>>[vector<16xi32>, vector<16xi32>], vector<16xf32>,
        %add3A_691 = arith.addf %add3A_688, %gather3A_690 : vector<16xf32>
        %add3A_692 = arith.addi %add3A_689, %broadcast_in_dim3A_337 : vector<16xi32>
        %gather3A_693 = tpu.vector_load_idx %arg29[%add3A_692, %iota3A] : memref<512x16xf32, #tpu.memory_space<vmem>>[vector<16xi32>, vector<16xi32>], vector<16xf32>,
        %add3A_694 = arith.addf %add3A_691, %gather3A_693 : vector<16xf32>
        %div3A_695 = arith.constant 5.000000e+00 : f32
        %div3A_696 = vector.broadcast %div3A_695 : f32 to vector<16xf32>
        %div3A_697 = arith.divf %add3A_694, %div3A_696 : vector<16xf32>
        %swap3A_698 = arith.index_cast %scan3A_333 : i32 to index
        %swap3A_699 = arith.constant 58 : index
        %swap3A_700 = tpu.vector_load %arg30[%swap3A_698, %swap3A_699] {strides = array<i32>} : memref<32x112xf32, #tpu.memory_space<vmem>>, vector<16xf32>,
        tpu.vector_store %arg30[%swap3A_698, %swap3A_699], %div3A_697 {strides = array<i32>} : memref<32x112xf32, #tpu.memory_space<vmem>>, vector<16xf32>,
        %add3A_701 = arith.addi %add3A_692, %broadcast_in_dim3A_337 : vector<16xi32>
        %gather3A_702 = tpu.vector_load_idx %arg29[%add3A_701, %iota3A] : memref<512x16xf32, #tpu.memory_space<vmem>>[vector<16xi32>, vector<16xi32>], vector<16xf32>,
        %add3A_703 = arith.addf %broadcast_in_dim3A_11, %gather3A_702 : vector<16xf32>
        %add3A_704 = arith.addi %add3A_701, %broadcast_in_dim3A_337 : vector<16xi32>
        %gather3A_705 = tpu.vector_load_idx %arg29[%add3A_704, %iota3A] : memref<512x16xf32, #tpu.memory_space<vmem>>[vector<16xi32>, vector<16xi32>], vector<16xf32>,
        %add3A_706 = arith.addf %add3A_703, %gather3A_705 : vector<16xf32>
        %add3A_707 = arith.addi %add3A_704, %broadcast_in_dim3A_337 : vector<16xi32>
        %gather3A_708 = tpu.vector_load_idx %arg29[%add3A_707, %iota3A] : memref<512x16xf32, #tpu.memory_space<vmem>>[vector<16xi32>, vector<16xi32>], vector<16xf32>,
        %add3A_709 = arith.addf %add3A_706, %gather3A_708 : vector<16xf32>
        %add3A_710 = arith.addi %add3A_707, %broadcast_in_dim3A_337 : vector<16xi32>
        %gather3A_711 = tpu.vector_load_idx %arg29[%add3A_710, %iota3A] : memref<512x16xf32, #tpu.memory_space<vmem>>[vector<16xi32>, vector<16xi32>], vector<16xf32>,
        %add3A_712 = arith.addf %add3A_709, %gather3A_711 : vector<16xf32>
        %add3A_713 = arith.addi %add3A_710, %broadcast_in_dim3A_337 : vector<16xi32>
        %gather3A_714 = tpu.vector_load_idx %arg29[%add3A_713, %iota3A] : memref<512x16xf32, #tpu.memory_space<vmem>>[vector<16xi32>, vector<16xi32>], vector<16xf32>,
        %add3A_715 = arith.addf %add3A_712, %gather3A_714 : vector<16xf32>
        %div3A_716 = arith.constant 5.000000e+00 : f32
        %div3A_717 = vector.broadcast %div3A_716 : f32 to vector<16xf32>
        %div3A_718 = arith.divf %add3A_715, %div3A_717 : vector<16xf32>
        %swap3A_719 = arith.index_cast %scan3A_333 : i32 to index
        %swap3A_720 = arith.constant 73 : index
        %swap3A_721 = tpu.vector_load %arg30[%swap3A_719, %swap3A_720] {strides = array<i32>} : memref<32x112xf32, #tpu.memory_space<vmem>>, vector<16xf32>,
        tpu.vector_store %arg30[%swap3A_719, %swap3A_720], %div3A_718 {strides = array<i32>} : memref<32x112xf32, #tpu.memory_space<vmem>>, vector<16xf32>,
        %add3A_722 = arith.addi %add3A_713, %broadcast_in_dim3A_337 : vector<16xi32>
        %gather3A_723 = tpu.vector_load_idx %arg29[%add3A_722, %iota3A] : memref<512x16xf32, #tpu.memory_space<vmem>>[vector<16xi32>, vector<16xi32>], vector<16xf32>,
        %add3A_724 = arith.addf %broadcast_in_dim3A_11, %gather3A_723 : vector<16xf32>
        %add3A_725 = arith.addi %add3A_722, %broadcast_in_dim3A_337 : vector<16xi32>
        %gather3A_726 = tpu.vector_load_idx %arg29[%add3A_725, %iota3A] : memref<512x16xf32, #tpu.memory_space<vmem>>[vector<16xi32>, vector<16xi32>], vector<16xf32>,
        %add3A_727 = arith.addf %add3A_724, %gather3A_726 : vector<16xf32>
        %add3A_728 = arith.addi %add3A_725, %broadcast_in_dim3A_337 : vector<16xi32>
        %gather3A_729 = tpu.vector_load_idx %arg29[%add3A_728, %iota3A] : memref<512x16xf32, #tpu.memory_space<vmem>>[vector<16xi32>, vector<16xi32>], vector<16xf32>,
        %add3A_730 = arith.addf %add3A_727, %gather3A_729 : vector<16xf32>
        %div3A_731 = arith.constant 3.000000e+00 : f32
        %div3A_732 = vector.broadcast %div3A_731 : f32 to vector<16xf32>
        %div3A_733 = arith.divf %add3A_730, %div3A_732 : vector<16xf32>
        %swap3A_734 = arith.index_cast %scan3A_333 : i32 to index
        %swap3A_735 = arith.constant 83 : index
        %swap3A_736 = tpu.vector_load %arg30[%swap3A_734, %swap3A_735] {strides = array<i32>} : memref<32x112xf32, #tpu.memory_space<vmem>>, vector<16xf32>,
        tpu.vector_store %arg30[%swap3A_734, %swap3A_735], %div3A_733 {strides = array<i32>} : memref<32x112xf32, #tpu.memory_space<vmem>>, vector<16xf32>,
        %gather3A_737 = tpu.vector_load_idx %arg21[%broadcast_in_dim3A_335, %and3A_10] : memref<32x8xf32, #tpu.memory_space<vmem>>[vector<16xi32>, vector<16xi32>], vector<16xf32>,
        %swap3A_738 = arith.index_cast %scan3A_333 : i32 to index
        %swap3A_739 = arith.constant 93 : index
        %swap3A_740 = tpu.vector_load %arg30[%swap3A_738, %swap3A_739] {strides = array<i32>} : memref<32x112xf32, #tpu.memory_space<vmem>>, vector<16xf32>,
        tpu.vector_store %arg30[%swap3A_738, %swap3A_739], %gather3A_737 {strides = array<i32>} : memref<32x112xf32, #tpu.memory_space<vmem>>, vector<16xf32>,
        %scan3A_741 = arith.constant 0 : i32
        scf.yield %scan3A_741 : i32
      }
      %scan3A_328 = arith.constant 32 : i32
      %mul3A_329 = arith.constant 32 : i32
      %mul3A_330 = arith.muli %scan3A_239, %mul3A_329 : i32
      %add3A_331 = arith.addi %mul3A_2, %mul3A_330 : i32
      "tpu.region"() ({
        %run_scoped3A = tpu.sem_alloc : memref<!tpu.dma_semaphore, #tpu.memory_space<semaphore_mem>>
        %dma_start3A_333 = arith.constant 0 : i32
        %dma_start3A_334 = tpu.memref_slice %arg14[%add3A_331, %dma_start3A_333] : memref<16384x112xf32, #tpu.memory_space<hbm>> -> memref<32x112xf32, #tpu.memory_space<hbm>>
        %dma_start3A_335 = arith.constant 0 : i32
        %dma_start3A_336 = tpu.memref_slice %arg14[%add3A_331, %dma_start3A_335] : memref<16384x112xf32, #tpu.memory_space<hbm>> -> memref<32x112xf32, #tpu.memory_space<hbm>>
        tpu.enqueue_dma source(%arg30 : memref<32x112xf32, #tpu.memory_space<vmem>>) target(%dma_start3A_336 : memref<32x112xf32, #tpu.memory_space<hbm>>) target_semaphore(%run_scoped3A : memref<!tpu.dma_semaphore, #tpu.memory_space<semaphore_mem>>)
        %dma_wait3A_337 = arith.constant 0 : i32
        %dma_wait3A_338 = tpu.memref_slice %arg14[%add3A_331, %dma_wait3A_337] : memref<16384x112xf32, #tpu.memory_space<hbm>> -> memref<32x112xf32, #tpu.memory_space<hbm>>
        %dma_wait3A_339 = arith.constant 0 : i32
        %dma_wait3A_340 = tpu.memref_slice %arg14[%add3A_331, %dma_wait3A_339] : memref<16384x112xf32, #tpu.memory_space<hbm>> -> memref<32x112xf32, #tpu.memory_space<hbm>>
        tpu.wait_dma2 semaphore(%run_scoped3A : memref<!tpu.dma_semaphore, #tpu.memory_space<semaphore_mem>>) src(%arg30 : memref<32x112xf32, #tpu.memory_space<vmem>>) dst(%dma_wait3A_340 : memref<32x112xf32, #tpu.memory_space<hbm>>)
        tpu.yield
      }) : () -> ()
      %scan3A_332 = arith.constant 0 : i32
      scf.yield %scan3A_332 : i32
    }
    %scan3A_238 = arith.constant 16 : i32
    return
  }
}

</mosaic_0001>

<sc_bundles>
// kernel: kernel.3.cloned.1.call-start
scs
__scs_entry_jumppad:
0x0: {  	(pc) =	sbr.rel $0x88, $3  }
0x1: {  	(tag) =	ssettag $0x0;
	lr =	simm.s32 $0x1  }
0x2: {  	[smem:$0x3F91] =	sst lr;
	_ =	strace $0xD0000000  }
0x3: {  	_ = 	snop  }
0x4: {  	_ = 	snop  }
0x5: {  	_ = 	snop  }
0x6: {  	_ = 	snop  }
0x7: {  	_ = 	snop  }
__scs_overlays_trampoline_lowered:
0x8: {  	[smem:$0x3FA0] =	sst s0  }
0x9: {  	[smem:$0x3FA1] =	sst s1  }
0xa: {  	[smem:$0x3FA2] =	sst s2  }
0xb: {  	[smem:$0x3FA3] =	sst s3  }
0xc: {  	[smem:$0x3FA4] =	sst s4  }
0xd: {  	[smem:$0x3FA5] =	sst s5  }
0xe: {  	[smem:$0x3FA6] =	sst s6  }
0xf: {  	[smem:$0x3FA7] =	sst s7  }
0x10: {  	[smem:$0x3FA8] =	sst s8  }
0x11: {  	[smem:$0x3FA9] =	sst s9;
	s0 =	simm.s32 @!p0 $0x0  }
0x12: {  	s1 =	sld [smem:$0x3F8F];
	s0 =	simm.s32 @p0 $0x1  }
0x13: {  	[smem:$0x3FAA] =	sst s0;
	s0 =	simm.s32 @!p1 $0x0  }
0x14: {  	s2 =	sld [smem:$0x3F8E];
	s0 =	simm.s32 @p1 $0x1  }
0x15: {  	[smem:$0x3FAB] =	sst s0;
	s0 =	simm.s32 @!p2 $0x0  }
0x16: {  	s3 =	sld [smem:$0x3FDB];
	s0 =	simm.s32 @p2 $0x1  }
0x17: {  	s4 =	simm.s32 $0x1BF5;
	[smem:$0x3FAD] =	sst s0  }
0x18: {  	s0 =	sld [smem:$0x3F90];
	_ =	swait.ge [sflag:s4], $0x0  }
0x19: {  	s7 =	sld [smem:$0x3F91]  }
0x1a: {  	s8 =	sadd.s32 $0xFFFFE003, lr  }
0x1b: {  	s9 =	sadd.s32 $0xFFFFFEF7, lr;
	s5 =	simm.s32 $0xFFFFFFFF;
	p2 =	slt.u32 s8, $0xFFFFF086  }
0x1c: {  	p1 =	slt.u32 s9, $0xF7A;
	s5 =	simm.s32 @!p2 $0x0  }
0x1d: {  	s5 =	simm.s32 @p1 $0x1;
	p0 =	seq.s32 s7, s2  }
0x1e: {  	s7 =	smul.u32 @!p0 $0xF7A, s2;
	p2 =	seq.s32 @!p0 s5, $0x0  }
0x1f: {  	s9 =	smul.u32 $0xF7A, s1;
	s8 =	simm.s32 @!p0 $0x1BF5;
	p2 =	por !p2, p0  }
0x20: {  	[sflag:s8] =	ssyncset.s32 @!p0 $0xFFFFF086;
	s6 =	sadd.s32 @!p0 s3, s7;
	s7 =	simm.s32 @!p0 $0x108  }
0x21: {  	s3 =	sadd.s32 s3, s9;
	s6 =	sadd.s32 @!p0 $0x88, s6;
	s7 =	simm.s32 @p2 $0x1082  }
0x22: {  	[simem:s7], [sflag:s8] =	dma.local @!p0 [hbm:s6], $0xF7A  }
0x23: {  	s9 =	sor.u32 $0xD0000000, s2;
	s6 =	simm.s32 $0x108;
	_ =	swait.ge @!p0 [sflag:s8], $0x0  }
0x24: {  	s3 =	sadd.s32 $0x88, s3;
	s6 =	simm.s32 @!p1 $0x1082;
	[sflag:s4] =	ssyncset.s32 $0xFFFFF086  }
0x25: {  	[simem:s6], [sflag:s4] =	dma.local [hbm:s3], $0xF7A  }
0x26: {  	[smem:$0x3F91] =	sst s1;
	(tag) =	ssettag s2;
	_ =	strace s9  }
0x27: {  	s1 =	sld [smem:$0x3FA1]  }
0x28: {  	s2 =	sld [smem:$0x3FA2]  }
0x29: {  	s4 =	sld [smem:$0x3FA4]  }
0x2a: {  	p0 =	seq.s32 s5, $0x0;
	s5 =	sld [smem:$0x3FA5]  }
0x2b: {  	s6 =	sld [smem:$0x3FA6]  }
0x2c: {  	s7 =	sld [smem:$0x3FA7]  }
0x2d: {  	s3 =	simm.s32 $0x108;
	s8 =	sld [smem:$0x3FA8]  }
0x2e: {  	s3 =	simm.s32 @!p0 $0x1082;
	s9 =	sld [smem:$0x3FA9]  }
0x2f: {  	lr =	sadd.s32 s0, s3;
	s0 =	sld [smem:$0x3FA0]  }
0x30: {  	s3 =	sld [smem:$0x3FA3]  }
0x31: {  	[smem:$0x3FAC] =	sst s10  }
0x32: {  	s10 =	sld [smem:$0x3FAA];
	_ =	sdelay $0x3  }
0x33: {  	p0 =	seq.s32 s10, $0x1;
	s10 =	sld [smem:$0x3FAC];
	_ =	sdelay $0x3  }
0x34: {  	[smem:$0x3FAC] =	sst s10  }
0x35: {  	s10 =	sld [smem:$0x3FAB];
	_ =	sdelay $0x3  }
0x36: {  	p1 =	seq.s32 s10, $0x1;
	s10 =	sld [smem:$0x3FAC];
	_ =	sdelay $0x3  }
0x37: {  	[smem:$0x3FAC] =	sst s10  }
0x38: {  	s10 =	sld [smem:$0x3FAD]  }
0x39: {  	_ = 	snop;
	(pc) =	sbr.ind lr, $3  }
0x3a: {  	_ = 	snop  }
0x3b: {  	_ = 	snop  }
0x3c: {  	p2 =	seq.s32 s10, $0x1;
	s10 =	sld [smem:$0x3FAC]  }
0x3d: {  	_ =	shalt  }
0x3e: {  	_ =	shalt  }
0x3f: {  	_ =	shalt  }
0x40: {  	_ =	shalt  }
0x41: {  	_ =	shalt  }
0x42: {  	_ =	shalt  }
0x43: {  	_ =	shalt  }
0x44: {  	_ =	shalt  }
0x45: {  	_ =	shalt  }
0x46: {  	_ =	shalt  }
0x47: {  	_ =	shalt  }
0x48: {  	_ =	shalt  }
0x49: {  	_ =	shalt  }
0x4a: {  	_ =	shalt  }
0x4b: {  	_ =	shalt  }
0x4c: {  	_ =	shalt  }
0x4d: {  	_ =	shalt  }
0x4e: {  	_ =	shalt  }
0x4f: {  	_ =	shalt  }
0x50: {  	_ =	shalt  }
0x51: {  	_ =	shalt  }
0x52: {  	_ =	shalt  }
0x53: {  	_ =	shalt  }
0x54: {  	_ =	shalt  }
0x55: {  	_ =	shalt  }
0x56: {  	_ =	shalt  }
0x57: {  	_ =	shalt  }
0x58: {  	_ =	shalt  }
0x59: {  	_ =	shalt  }
0x5a: {  	_ =	shalt  }
0x5b: {  	_ =	shalt  }
0x5c: {  	_ =	shalt  }
0x5d: {  	_ =	shalt  }
0x5e: {  	_ =	shalt  }
0x5f: {  	_ =	shalt  }
0x60: {  	_ =	shalt  }
0x61: {  	_ =	shalt  }
0x62: {  	_ =	shalt  }
0x63: {  	_ =	shalt  }
0x64: {  	_ =	shalt  }
0x65: {  	_ =	shalt  }
0x66: {  	_ =	shalt  }
0x67: {  	_ =	shalt  }
0x68: {  	_ =	shalt  }
0x69: {  	_ =	shalt  }
0x6a: {  	_ =	shalt  }
0x6b: {  	_ =	shalt  }
0x6c: {  	_ =	shalt  }
0x6d: {  	_ =	shalt  }
0x6e: {  	_ =	shalt  }
0x6f: {  	_ =	shalt  }
0x70: {  	_ =	shalt  }
0x71: {  	_ =	shalt  }
0x72: {  	_ =	shalt  }
0x73: {  	_ =	shalt  }
0x74: {  	_ =	shalt  }
0x75: {  	_ =	shalt  }
0x76: {  	_ =	shalt  }
0x77: {  	_ =	shalt  }
0x78: {  	_ =	shalt  }
0x79: {  	_ =	shalt  }
0x7a: {  	_ =	shalt  }
0x7b: {  	_ =	shalt  }
0x7c: {  	_ =	shalt  }
0x7d: {  	_ =	shalt  }
0x7e: {  	_ =	shalt  }
0x7f: {  	_ =	shalt  }
0x80: {  	_ =	shalt  }
0x81: {  	_ =	shalt  }
0x82: {  	_ =	shalt  }
0x83: {  	_ =	shalt  }
0x84: {  	_ =	shalt  }
0x85: {  	_ =	shalt  }
0x86: {  	_ =	shalt  }
0x87: {  	_ =	shalt  }
.Lfunc_end0:
.L_simem_size_0:
called_computation_lowered:
.L_overlay_start_0:
0x88: {  	s2 =	sld [smem:$0x3FD9]  }
0x89: {  	s3 =	sld [smem:$0x3FFE];
	_ =	sdelay $0x1  }
0x8a: {  	s1 =	srdreg.scid  }
0x8b: {  	s0 =	sand.u32 $0x1, s1  }
0x8c: {  	s17 =	sshll.u32 s0, $0xA;
	s2 =	sadd.s32 s3, s2  }
0x8d: {  	s2 =	sadd.s32 s2, s17  }
0x8e: {  	[smem:$0x3FB8] =	sst s2  }
0x8f: {  	_ = 	snop  }
0x90: {  	s2 =	sld [smem:$0x3FC9]  }
0x91: {  	s18 =	sld [smem:$0x3FC8]  }
0x92: {  	s4 =	sld [smem:$0x3FC6]  }
0x93: {  	s5 =	sld [smem:$0x3FD0];
	(tm) =	ssettm $0x1  }
0x94: {  	s6 =	sld [smem:$0x3FFB];
	_ =	sdelay $0x3  }
0x95: {  	_ =	strace s6  }
0x96: {  	s6 =	sld [smem:$0x3FFC];
	_ =	sdelay $0x3  }
0x97: {  	_ =	strace s6  }
0x98: {  	s6 =	sld [smem:$0x3FFD];
	_ =	sdelay $0x3  }
0x99: {  	_ =	strace s6  }
0x9a: {  	_ =	strace $0x8FFFFFFF  }
0x9b: {  	s19 =	sld [smem:$0x3FDB];
	_ =	sdelay $0x1  }
0x9c: {  	s7 =	simm.s32 $_scs_section_size  }
0x9d: {  	s8 =	simm.s32 $_size__tile_overlayer_lowered;
	s9 =	simm.s32 $_tile_overlayer_lowered  }
0x9e: {  	s22 =	simm.s32 $0x1BFF;
	s21 =	sshll.u32 s9, $0x1;
	s6 =	sadd.s32 s7, s19  }
0x9f: {  	s10 =	simm.s32 $0x0;
	s20 =	sshll.u32 s8, $0x1;
	s8 =	sadd.s32 s21, s6  }
0xa0: {  	[timem:s10], [sflag:s22] =	dma.local [hbm:s8], s20  }
0xa1: {  	_ =	swait.ge [sflag:s22], s20  }
0xa2: {  	s7 =	ssub.s32 $0x0, s20;
	[sflag:s22] =	ssyncset.done $0x0  }
0xa3: {  	[sflag:s22] =	ssyncadd.s32 s7;
	_ =	sdelay $0x1  }
0xa4: {  	s23 =	simm.s32 $0x1B8B  }
0xa5: {  	_ =	swait.ge [sflag:s23], $0x1  }
0xa6: {  	[sflag:s23] =	ssyncset.done $0x0  }
0xa7: {  	s25 =	simm.s32 $0x1B8E;
	s24 =	sld [smem:$0x3FFE];
	[sflag:s23] =	ssyncadd.s32 $0xFFFFFFFF  }
0xa8: {  	s26 =	simm.s32 $execute0_lowered;
	[smem:$0x3FD2] =	sst s25  }
0xa9: {  	s8 =	sshll.u32 s26, $0x1;
	_ =	strace $0x80000046;
	[dreg:$0x1] =	wrdreg $0xFFFFFFFF  }
0xaa: {  	s28 =	simm.s32 $_size_execute0_lowered;
	s6 =	sadd.s32 s6, s8;
	[dreg:$0x0] =	wrdreg $0x0  }
0xab: {  	s8 =	sshll.u32 s28, $0x1;
	[dreg:$0x2] =	wrdreg s6  }
0xac: {  	[dreg:$0x3] =	wrdreg s8  }
0xad: {  	[dreg:$0x4] =	wrdreg $0xC0  }
0xae: {  	_ =	task [dreg:s10], $0x5FFFF  }
0xaf: {  	[dreg:$0x1] =	wrdreg $0xFFFFFFFF  }
0xb0: {  	[dreg:$0x0] =	wrdreg $0x60  }
0xb1: {  	[dreg:$0x2] =	wrdreg s2  }
0xb2: {  	[dreg:$0x3] =	wrdreg s18  }
0xb3: {  	[dreg:$0x4] =	wrdreg s24  }
0xb4: {  	[dreg:$0x5] =	wrdreg s4  }
0xb5: {  	[dreg:$0x6] =	wrdreg s5  }
0xb6: {  	[dreg:$0x7] =	wrdreg $0x9  }
0xb7: {  	_ =	task.clear_ibuf [dreg:s10], $0x8FFFF;
	_ =	strace $0x90000046  }
0xb8: {  	s29 =	simm.s32 $0x9;
	_ =	strace $0x80000048  }
0xb9: {  	_ =	swait.ge [sflag:s29], $0x1  }
0xba: {  	[sflag:s29] =	ssyncadd.s32 $0xFFFFFFFF  }
0xbb: {  	_ =	strace $0x90000048  }
0xbc: {  	_ =	sfence  }
0xbd: {  	s30 =	sld [smem:$0x0];
	_ =	sdelay $0x2  }
0xbe: {  	s31 =	sshll.u32 s1, $0xD;
	s1 =	sshrl.u32 s1, $0x2  }
0xbf: {  	s3 =	sand.u32 $0x4000, s31;
	s1 =	sadd.s32 s1, s30  }
0xc0: {  	s0 =	sor.u32 s3, s0;
	s1 =	sshll.u32 s1, $0x11  }
0xc1: {  	s0 =	sor.u32 s1, s0  }
0xc2: {  	s0 =	sadd.s32 $0x8F2B, s0  }
0xc3: {  	[sflag:s0] =	ssyncadd.remote.s32 $0x1  }
0xc4: {  	_ =	sfence.sel $0xFFFF  }
0xc5: {  	[dreg:$0x0] =	wrdreg $0xFFFFFFFF;
	(pc) =	sbr.abs _section_cstart, $3  }
0xc6: {  	[dreg:$0x1] =	wrdreg $0xFFFFFFFF  }
0xc7: {  	_ =	task.clear_ibuf [dreg:s10], $0x2FFFF;
	_ =	strace $0x9FFFFFFF  }
0xc8: {  	(tm) =	ssettm $0x7FFFFFFF  }
0xc9: {  	_ =	shalt  }
tec
execute0_lowered:
.L_overlay_start_1:
0x0: {  	(tag) =	ssettag $0x1  }
0x1: {  	s0 =	rddreg [dreg:$0x0];
	s2 =	simm.s32 $0x0  }
0x2: {  	[smem:$0x7FF] =	sst s2  }
0x3: {  	s1 =	rddreg [dreg:$0x2];
	v0 =	vimm.f32 $5.000000000e+01;
	_ =	strace $0x80000047  }
0x4: {  	(erf) = vrcp.f32 v0;
	v0 =	vimm.f32 $2.000000000e+01  }
0x5: {  	(erf) = vrcp.f32 v0;
	v0 =	vimm.f32 $5.000000000e+00  }
0x6: {  	(erf) = vrcp.f32 v0;
	v0 =	vlaneseq.u32  }
0x7: {  	v3 =	vadd.s32 $0x214, v0  }
0x8: {  	v12 =	vadd.s32 $0x22, v0;
	[tilespmem:$0x1FE40] =	vst v3  }
0x9: {  	v22 =	vadd.s32 $0x7C, v0;
	[tilespmem:$0x1FF10] =	vst v12  }
0xa: {  	v25 =	vadd.s32 $0x94, v0;
	[tilespmem:$0x1FF30] =	vst v22  }
0xb: {  	v26 =	vadd.s32 $0xA8, v0;
	[tilespmem:$0x1FF40] =	vst v25  }
0xc: {  	v32 =	vadd.s32 $0xC4, v0;
	[tilespmem:$0x1FF50] =	vst v26  }
0xd: {  	v31 =	vadd.s32 $0xAC, v0;
	[tilespmem:$0x1FF60] =	vst v32  }
0xe: {  	v62 =	vadd.s32 $0x13C, v0;
	[tilespmem:$0x1FF70] =	vst v31  }
0xf: {  	v18 =	vadd.s32 $0x16C, v0;
	[tilespmem:$0x1FF80] =	vst v62  }
0x10: {  	v13 =	vadd.s32 $0xDC, v0;
	[tilespmem:$0x1FF90] =	vst v18  }
0x11: {  	v1 =	vimm.f32 $3.000000000e+00;
	v17 =	vadd.s32 $0x108, v0;
	[tilespmem:$0x1FFA0] =	vst v13  }
0x12: {  	(erf) = vrcp.f32 v1;
	v36 =	vadd.s32 $0x78, v0;
	[tilespmem:$0x1FFB0] =	vst v17  }
0x13: {  	v37 =	vadd.s32 $0xD8, v0;
	[tilespmem:$0x1FFC0] =	vst v36  }
0x14: {  	s20 =	simm.s32 $0x200;
	s21 =	simm.s32 $0x220;
	s22 =	simm.s32 $0x920;
	v3 =	vadd.s32 $0x228, v0;
	[tilespmem:$0x1FFD0] =	vst v37  }
0x15: {  	s30 =	simm.s32 $0x1D00;
	s31 =	simm.s32 $0xB300;
	v1 =	vor.u32 $0x10, v0;
	v14 =	vadd.s32 $0xF4, v0;
	[tilespmem:$0x1FE50] =	vst v3;
	v3 =	vadd.s32 $0x22C, v0  }
0x16: {  	s16 =	simm.s32 $0xB400;
	s24 =	sadd.s32 $0x172200, s1;
	v2 =	vor.u32 $0x20, v0;
	v4 =	vadd.s32 $0x4, v0;
	v53 =	vadd.s32 $0x124, v0;
	[tilespmem:$0x1FFE0] =	vst v14  }
0x17: {  	s23 =	sadd.s32 $0x3C00, s1;
	s7 =	sadd.s32 $0xF8000, s1;
	v34 =	vadd.s32 $0x18, v0;
	v35 =	vadd.s32 $0x1C, v0;
	v7 =	vor.u32 $0x30, v0;
	[tilespmem:$0x1FFF0] =	vst v53;
	v48 =	vpop (erf)  }
0x18: {  	s8 =	sadd.s32 $0x18AA00, s1;
	v28 =	vadd.s32 $0x34, v0;
	v29 =	vadd.s32 $0x48, v0;
	v30 =	vadd.s32 $0x4C, v0;
	[tilespmem:$0x1FE60] =	vst v3;
	v3 =	vpop (erf)  }
0x19: {  	s3 =	stileid.u32;
	s10 =	sadd.s32 $0x1AF400, s1;
	v11 =	vor.u32 $0x60, v0;
	v33 =	vadd.s32 $0x64, v0;
	[tilespmem:$0x1FE70] =	vst v3;
	v3 =	vor.u32 $0x240, v0  }
0x1a: {  	s11 =	sadd.s32 $0xAEC00, s1;
	s3 =	sshll.u32 s3, $0xA;
	v15 =	vor.u32 $0x90, v0;
	v19 =	vor.u32 $0xC0, v0;
	v56 =	vpop (erf);
	[tilespmem:$0x1FE80] =	vst v3;
	v3 =	vadd.s32 $0x244, v0  }
0x1b: {  	s12 =	sadd.s32 $0x141400, s1;
	v23 =	vor.u32 $0xF0, v0;
	v54 =	vadd.s32 $0x10C, v0;
	v27 =	vor.u32 $0x120, v0;
	v47 =	vpop (erf);
	[tilespmem:$0x1FE90] =	vst v3  }
0x1c: {  	s25 =	srdreg.scid;
	s18 =	simm.s32 $0x2;
	s14 =	sadd.s32 $0x1B4400, s1;
	v52 =	vadd.s32 $0x138, v0;
	v39 =	vor.u32 $0x150, v0;
	v3 =	vadd.s32 $0x258, v0;
	[tilespmem:$0x1FF20] =	vst v47  }
0x1d: {  	s19 =	simm.s32 $0x20;
	s2 =	sand.u32 $0x1, s25;
	s15 =	sadd.s32 $0x1B9400, s1;
	v51 =	vadd.s32 $0x154, v0;
	v38 =	vadd.s32 $0x168, v0;
	[tilespmem:$0x1FEA0] =	vst v3;
	v3 =	vadd.s32 $0x25C, v0  }
0x1e: {  	s25 =	simm.s32 $0x1;
	s1 =	simm.s32 $0xDC00;
	s4 =	sshll.u32 s2, $0x9;
	v63 =	vor.u32 $0x180, v0;
	v50 =	vadd.s32 $0x184, v0;
	[tilespmem:$0x1FEB0] =	vst v3;
	v3 =	vor.u32 $0x270, v0  }
0x1f: {  	[dreg:$0x6] =	wrdreg s23;
	s2 =	ssub.s32 $0x2, s2;
	s13 =	sor.u32 s4, s3;
	v55 =	vadd.s32 $0x198, v0;
	v44 =	vadd.s32 $0x19C, v0;
	[tilespmem:$0x1FEC0] =	vst v3;
	v3 =	vadd.s32 $0x274, v0  }
0x20: {  	[dreg:$0x7] =	wrdreg s24;
	s26 =	sshrl.u32 s2, $0x1;
	s4 =	sshrl.u32 s13, $0x3;
	v45 =	vor.u32 $0x1B0, v0;
	v46 =	vadd.s32 $0x1B4, v0;
	[tilespmem:$0x1FED0] =	vst v3;
	v3 =	vadd.s32 $0x288, v0  }
0x21: {  	s23 =	simm.s32 $0x940;
	s28 =	ssub.s32 s2, s26;
	s0 =	sadd.s32 s0, s4;
	v43 =	vadd.s32 $0x1C8, v0;
	v60 =	vadd.s32 $0x1CC, v0;
	[tilespmem:$0x1FEE0] =	vst v3;
	v3 =	vadd.s32 $0x28C, v0  }
0x22: {  	s24 =	simm.s32 $0xE40;
	s29 =	smax.u32 s28, $0x1;
	[dreg:$0x8] =	wrdreg s0;
	v59 =	vor.u32 $0x1E0, v0;
	v42 =	vadd.s32 $0x1E4, v0;
	[tilespmem:$0x1FEF0] =	vst v3;
	v3 =	vor.u32 $0x2A0, v0  }
0x23: {  	s26 =	simm.s32 $0x1A00;
	s2 =	simm.s32 $0x0;
	[dreg:$0x9] =	wrdreg s29;
	v58 =	vadd.s32 $0x1F8, v0;
	v41 =	vadd.s32 $0x1FC, v0;
	v57 =	vor.u32 $0x210, v0;
	[tilespmem:$0x1FF00] =	vst v3  }
.LBB2_1:
0x24: {  	[dreg:$0xa] =	wrdreg s2  }
0x25: {  	s0 =	simm.s32 $0x0;
	s29 =	rddreg [dreg:$0x8]  }
0x26: {  	[tilespmem:s0], [sflag:$0x2] =	stream.linear.gather [hbm4b:s29+s0], $0x200, $0x38;
	[tilespmem:$0x10A00] =	vst v63  }
0x27: {  	_ =	swait.ge [sflag:s18], $0x200  }
0x28: {  	[sflag:s18] =	ssyncset.done $0x0  }
0x29: {  	[sflag:s18] =	ssyncadd.s32 $0xFFFFFE00  }
0x2a: {  	v3 =	vld [tilespmem:$0x0]  }
0x2b: {  	v5 =	vld [tilespmem:$0x10]  }
0x2c: {  	v6 =	vld [tilespmem:$0x20]  }
0x2d: {  	v8 =	vld [tilespmem:$0x30]  }
0x2e: {  	v9 =	vld [tilespmem:$0x40]  }
0x2f: {  	v10 =	vld [tilespmem:$0x50];
	v3 =	vadd.s32 $0xFFFFFFFF, v3  }
0x30: {  	[tilespmem:$0x0] =	vst v3;
	v3 =	vadd.s32 $0xFFFFFFFF, v5;
	v5 =	vld [tilespmem:$0x60]  }
0x31: {  	[tilespmem:$0x10] =	vst v3;
	v3 =	vadd.s32 $0xFFFFFFFF, v6;
	v6 =	vld [tilespmem:$0x70]  }
0x32: {  	[tilespmem:$0x20] =	vst v3;
	v3 =	vadd.s32 $0xFFFFFFFF, v8;
	v8 =	vld [tilespmem:$0x80]  }
0x33: {  	[tilespmem:$0x30] =	vst v3;
	v3 =	vadd.s32 $0xFFFFFFFF, v9;
	v9 =	vld [tilespmem:$0x90]  }
0x34: {  	[tilespmem:$0x40] =	vst v3;
	v3 =	vadd.s32 $0xFFFFFFFF, v10;
	v10 =	vld [tilespmem:$0xA0]  }
0x35: {  	[tilespmem:$0x50] =	vst v3;
	v3 =	vadd.s32 $0xFFFFFFFF, v5;
	v5 =	vld [tilespmem:$0xB0]  }
0x36: {  	[tilespmem:$0x60] =	vst v3;
	v3 =	vadd.s32 $0xFFFFFFFF, v6;
	v6 =	vld [tilespmem:$0xC0]  }
0x37: {  	[tilespmem:$0x70] =	vst v3;
	v3 =	vadd.s32 $0xFFFFFFFF, v8;
	v8 =	vld [tilespmem:$0xD0]  }
0x38: {  	[tilespmem:$0x80] =	vst v3;
	v3 =	vadd.s32 $0xFFFFFFFF, v9;
	v9 =	vld [tilespmem:$0xE0]  }
0x39: {  	[tilespmem:$0x90] =	vst v3;
	v3 =	vadd.s32 $0xFFFFFFFF, v10;
	v10 =	vld [tilespmem:$0xF0]  }
0x3a: {  	[tilespmem:$0xA0] =	vst v3;
	v3 =	vadd.s32 $0xFFFFFFFF, v5;
	v5 =	vld [tilespmem:$0x100]  }
0x3b: {  	[tilespmem:$0xB0] =	vst v3;
	v3 =	vadd.s32 $0xFFFFFFFF, v6;
	v6 =	vld [tilespmem:$0x110]  }
0x3c: {  	[tilespmem:$0xC0] =	vst v3;
	v3 =	vadd.s32 $0xFFFFFFFF, v8;
	v8 =	vld [tilespmem:$0x120]  }
0x3d: {  	[tilespmem:$0xD0] =	vst v3;
	v3 =	vadd.s32 $0xFFFFFFFF, v9;
	v9 =	vld [tilespmem:$0x130]  }
0x3e: {  	[tilespmem:$0xE0] =	vst v3;
	v3 =	vadd.s32 $0xFFFFFFFF, v10;
	v10 =	vld [tilespmem:$0x140]  }
0x3f: {  	[tilespmem:$0xF0] =	vst v3;
	v3 =	vadd.s32 $0xFFFFFFFF, v5;
	v5 =	vld [tilespmem:$0x150]  }
0x40: {  	[tilespmem:$0x100] =	vst v3;
	v3 =	vadd.s32 $0xFFFFFFFF, v6;
	v6 =	vld [tilespmem:$0x160]  }
0x41: {  	[tilespmem:$0x110] =	vst v3;
	v3 =	vadd.s32 $0xFFFFFFFF, v8;
	v8 =	vld [tilespmem:$0x170]  }
0x42: {  	[tilespmem:$0x120] =	vst v3;
	v3 =	vadd.s32 $0xFFFFFFFF, v9;
	v9 =	vld [tilespmem:$0x180]  }
0x43: {  	[tilespmem:$0x130] =	vst v3;
	v3 =	vadd.s32 $0xFFFFFFFF, v10;
	v10 =	vld [tilespmem:$0x190]  }
0x44: {  	[tilespmem:$0x140] =	vst v3;
	v3 =	vadd.s32 $0xFFFFFFFF, v5;
	v5 =	vld [tilespmem:$0x1A0]  }
0x45: {  	[tilespmem:$0x150] =	vst v3;
	v3 =	vadd.s32 $0xFFFFFFFF, v6;
	v6 =	vld [tilespmem:$0x1B0]  }
0x46: {  	[tilespmem:$0x160] =	vst v3;
	v3 =	vadd.s32 $0xFFFFFFFF, v8;
	v8 =	vld [tilespmem:$0x1C0]  }
0x47: {  	[tilespmem:$0x170] =	vst v3;
	v3 =	vadd.s32 $0xFFFFFFFF, v9;
	v9 =	vld [tilespmem:$0x1D0]  }
0x48: {  	[tilespmem:$0x180] =	vst v3;
	v3 =	vadd.s32 $0xFFFFFFFF, v10;
	v10 =	vld [tilespmem:$0x1E0]  }
0x49: {  	[tilespmem:$0x190] =	vst v3;
	v3 =	vadd.s32 $0xFFFFFFFF, v5;
	v5 =	vld [tilespmem:$0x1F0]  }
0x4a: {  	[tilespmem:$0x1A0] =	vst v3;
	v3 =	vadd.s32 $0xFFFFFFFF, v6  }
0x4b: {  	[tilespmem:$0x1B0] =	vst v3;
	v3 =	vadd.s32 $0xFFFFFFFF, v8  }
0x4c: {  	[tilespmem:$0x1C0] =	vst v3;
	v3 =	vadd.s32 $0xFFFFFFFF, v9  }
0x4d: {  	[tilespmem:$0x1D0] =	vst v3;
	v3 =	vadd.s32 $0xFFFFFFFF, v10  }
0x4e: {  	[tilespmem:$0x1E0] =	vst v3;
	v3 =	vadd.s32 $0xFFFFFFFF, v5  }
0x4f: {  	s3 =	simm.s32 $0x0;
	[tilespmem:$0x1F0] =	vst v3  }
.LBB2_2:
0x50: {  	s4 =	sshll.u32 s3, $0x5;
	s0 =	rddreg [dreg:$0x1]  }
0x51: {  	[tilespmem:s20], [sflag:$0x1] =	stream.indirect.gather [hbm4b:s0+s19], $0x1, s4, s19, $0xb8;
	[tilespmem:$0x10A00] =	vst v63  }
0x52: {  	s2 =	rddreg [dreg:$0x6]  }
0x53: {  	[tilespmem:s21], [sflag:$0x1] =	stream.indirect.gather [hbm4b:s2+s19], $0x38, s4, s19, $0xb8;
	[tilespmem:$0x10A00] =	vst v63  }
0x54: {  	s5 =	rddreg [dreg:$0x3]  }
0x55: {  	[tilespmem:s22], [sflag:$0x1] =	stream.indirect.gather [hbm4b:s5+s19], $0x1, s4, s19, $0xb8;
	[tilespmem:$0x10A00] =	vst v63  }
0x56: {  	_ = 	snop  }
0x57: {  	[tilespmem:s23], [sflag:$0x1] =	stream.indirect.gather [hbm4b:s7+s19], $0x18, s4, s19, $0xb8;
	[tilespmem:$0x10A00] =	vst v63  }
0x58: {  	s0 =	simm.s32 $0xC40;
	s2 =	rddreg [dreg:$0x4]  }
0x59: {  	[tilespmem:s0], [sflag:$0x1] =	stream.indirect.gather [hbm4b:s2+s19], $0x10, s4, s19, $0xb8;
	[tilespmem:$0x10A00] =	vst v63  }
0x5a: {  	s6 =	rddreg [dreg:$0x7]  }
0x5b: {  	[tilespmem:s24], [sflag:$0x1] =	stream.indirect.gather [hbm4b:s6+s19], $0x8, s4, s19, $0xb8;
	[tilespmem:$0x10A00] =	vst v63  }
0x5c: {  	_ =	swait.ge [sflag:s25], $0x20  }
0x5d: {  	[sflag:s25] =	ssyncset.done $0x0  }
0x5e: {  	[sflag:s25] =	ssyncadd.s32 $0xFFFFFFE0  }
0x5f: {  	_ =	swait.ge [sflag:s25], $0x700  }
0x60: {  	[sflag:s25] =	ssyncset.done $0x0  }
0x61: {  	[sflag:s25] =	ssyncadd.s32 $0xFFFFF900  }
0x62: {  	_ =	swait.ge [sflag:s25], $0x20  }
0x63: {  	[sflag:s25] =	ssyncset.done $0x0  }
0x64: {  	[sflag:s25] =	ssyncadd.s32 $0xFFFFFFE0  }
0x65: {  	s9 =	simm.s32 $0x0;
	_ =	swait.ge [sflag:s25], $0x300  }
0x66: {  	v3 =	vmov s9;
	[sflag:s25] =	ssyncset.done $0x0  }
0x67: {  	v5 =	vmul.u32 $0x38, v3;
	[sflag:s25] =	ssyncadd.s32 $0xFFFFFD00  }
0x68: {  	_ =	swait.ge [sflag:s25], $0x200  }
0x69: {  	v6 =	vadd.s32 v0, v5;
	[sflag:s25] =	ssyncset.done $0x0  }
0x6a: {  	[sflag:s25] =	ssyncadd.s32 $0xFFFFFE00  }
0x6b: {  	_ =	swait.ge [sflag:s25], $0x100  }
0x6c: {  	[sflag:s25] =	ssyncset.done $0x0  }
0x6d: {  	[sflag:s25] =	ssyncadd.s32 $0xFFFFFF00  }
0x6e: {  	v6 =	vld.idx.msk [tilespmem:v6+s21+$0x0], $0xffff  }
0x6f: {  	v8 =	vadd.s32 v1, v5;
	_ =	sdelay $0x2  }
0x70: {  	s5 =	simm.s32 $0xF40  }
0x71: {  	[tilespmem:s5+$0x0] =	vst v6  }
0x72: {  	v6 =	vld.idx.msk [tilespmem:v8+s21+$0x0], $0xffff  }
0x73: {  	v8 =	vadd.s32 v2, v5;
	_ =	sdelay $0x2  }
0x74: {  	s2 =	sand.u32 $0x7FE, s9  }
0x75: {  	[tilespmem:s2+$0xF50] =	vst v6  }
0x76: {  	v6 =	vld.idx.msk [tilespmem:v8+s21+$0x0], $0xffff  }
0x77: {  	v5 =	vadd.s32 v12, v5;
	_ =	sdelay $0x3  }
0x78: {  	v3 =	vmul.u32 $0x18, v3;
	[tilespmem:s2+$0xF60] =	vst v6  }
0x79: {  	v5 =	vld.idx.msk [tilespmem:v5+s21+$0x0], $0xffff  }
0x7a: {  	v6 =	vadd.s32 v0, v3;
	_ =	sdelay $0x3  }
0x7b: {  	[tilespmem:s5+$0x22] =	vst v5  }
0x7c: {  	v5 =	vld.idx.msk [tilespmem:v6+s23+$0x0], $0xffff  }
0x7d: {  	v3 =	vadd.s32 v4, v3;
	_ =	sdelay $0x2  }
0x7e: {  	s17 =	simm.s32 $0x1584  }
0x7f: {  	[tilespmem:s17+$0xFFFFFFFC] =	vst v5  }
0x80: {  	v6 =	vld.idx.msk [tilespmem:v3+s23+$0x0], $0xffff;
	_ =	sdelay $0x3  }
0x81: {  	s28 =	simm.s32 $0x1  }
0x82: {  	v3 =	vmov s28;
	[tilespmem:s17+$0x0] =	vst v6  }
0x83: {  	v5 =	vmul.u32 $0x38, v3;
	v8 =	vld [tilespmem:s0+$0x0];
	_ =	sdelay $0x1  }
0x84: {  	v6 =	vadd.s32 v0, v5  }
0x85: {  	s29 =	simm.s32 $0x2;
	s9 =	simm.s32 $0xF72  }
0x86: {  	v40 =	vmov v17;
	v61 =	vmov v14;
	v49 =	vmov v13;
	s2 =	simm.s32 $0x1800;
	s5 =	simm.s32 $0x1598;
	s17 =	simm.s32 $0x32  }
.LBB2_3:
0x87: {  	[tilespmem:s2+$0x0] =	vst v8;
	s2 =	sadd.s32 $0x10, s2  }
0x88: {  	s0 =	sadd.s32 $0x10, s0;
	s6 =	smov.u32 s29;
	s28 =	sadd.s32 $0x1, s29  }
0x89: {  	p0 =	sne.s32 s29, $0x1F;
	v6 =	vld.idx.msk [tilespmem:v6+s21+$0x0], $0xffff;
	_ =	sdelay $0x1  }
0x8a: {  	v8 =	vadd.s32 v1, v5;
	_ =	sdelay $0x3  }
0x8b: {  	[tilespmem:s9+$0x0] =	vst v6  }
0x8c: {  	v6 =	vld.idx.msk [tilespmem:v8+s21+$0x0], $0xffff;
	_ =	sdelay $0x1  }
0x8d: {  	v8 =	vadd.s32 v2, v5;
	_ =	sdelay $0x2  }
0x8e: {  	s29 =	sand.u32 $0x7FE, s17  }
0x8f: {  	[tilespmem:s29+$0xF50] =	vst v6  }
0x90: {  	v6 =	vld.idx.msk [tilespmem:v8+s21+$0x0], $0xffff;
	_ =	sdelay $0x1  }
0x91: {  	v5 =	vadd.s32 v12, v5;
	_ =	sdelay $0x3  }
0x92: {  	[tilespmem:s29+$0xF60] =	vst v6  }
0x93: {  	v3 =	vmul.u32 $0x18, v3;
	v5 =	vld.idx.msk [tilespmem:v5+s21+$0x0], $0xffff;
	_ =	sdelay $0x1  }
0x94: {  	v6 =	vadd.s32 v0, v3;
	_ =	sdelay $0x3  }
0x95: {  	[tilespmem:s9+$0x22] =	vst v5  }
0x96: {  	v5 =	vld.idx.msk [tilespmem:v6+s23+$0x0], $0xffff;
	_ =	sdelay $0x1  }
0x97: {  	v3 =	vadd.s32 v4, v3;
	_ =	sdelay $0x3  }
0x98: {  	[tilespmem:s5+$0xFFFFFFFC] =	vst v5  }
0x99: {  	v6 =	vld.idx.msk [tilespmem:v3+s23+$0x0], $0xffff;
	_ =	sdelay $0x4  }
0x9a: {  	v3 =	vmov s6  }
0x9b: {  	v5 =	vmul.u32 $0x38, v3;
	[tilespmem:s5+$0x0] =	vst v6  }
.Ltmp0:
0x9c: {  	v8 =	vld [tilespmem:s0+$0x0];
	(pc) =	sbr.rel @p0 .LBB2_3-.Ltmp0, $3  }
0x9d: {  	v6 =	vadd.s32 v0, v5;
	_ =	sdelay $0x1  }
0x9e: {  	s17 =	sadd.s32 $0x32, s17  }
0x9f: {  	s29 =	smov.u32 s28;
	s9 =	sadd.s32 $0x32, s9;
	s5 =	sadd.s32 $0x14, s5  }
0xa0: {  	_ =	sdelay $0x2  }
0xa1: {  	[tilespmem:s2+$0x0] =	vst v8  }
0xa2: {  	v6 =	vld.idx.msk [tilespmem:v6+s21+$0x0], $0xffff  }
0xa3: {  	v8 =	vadd.s32 v1, v5;
	_ =	sdelay $0x3  }
0xa4: {  	[tilespmem:s9+$0x0] =	vst v6  }
0xa5: {  	v6 =	vld.idx.msk [tilespmem:v8+s21+$0x0], $0xffff  }
0xa6: {  	v8 =	vadd.s32 v2, v5;
	_ =	sdelay $0x2  }
0xa7: {  	s6 =	sand.u32 $0x7FE, s17  }
0xa8: {  	[tilespmem:s6+$0xF50] =	vst v6  }
0xa9: {  	v6 =	vld.idx.msk [tilespmem:v8+s21+$0x0], $0xffff  }
0xaa: {  	v5 =	vadd.s32 v12, v5;
	_ =	sdelay $0x3  }
0xab: {  	v3 =	vmul.u32 $0x18, v3;
	[tilespmem:s6+$0xF60] =	vst v6  }
0xac: {  	v5 =	vld.idx.msk [tilespmem:v5+s21+$0x0], $0xffff  }
0xad: {  	v6 =	vadd.s32 v0, v3;
	_ =	sdelay $0x3  }
0xae: {  	[tilespmem:s9+$0x22] =	vst v5  }
0xaf: {  	v5 =	vld.idx.msk [tilespmem:v6+s23+$0x0], $0xffff  }
0xb0: {  	v3 =	vadd.s32 v4, v3;
	_ =	sdelay $0x3  }
0xb1: {  	[tilespmem:s5+$0xFFFFFFFC] =	vst v5  }
0xb2: {  	v3 =	vld.idx.msk [tilespmem:v3+s23+$0x0], $0xffff;
	_ =	sdelay $0x4  }
0xb3: {  	s0 =	sadd.s32 $0x10, s0;
	[tilespmem:s5+$0x0] =	vst v3  }
0xb4: {  	v3 =	vld [tilespmem:s0+$0x0];
	_ =	sdelay $0x3  }
0xb5: {  	s6 =	sadd.s32 $0x10, s2  }
0xb6: {  	[tilespmem:s6+$0x0] =	vst v3  }
0xb7: {  	[tilespmem:s26], [sflag:$0x1] =	stream.indirect.gather [hbm4b:s8+s19], $0x18, s20, s19, $0xb8;
	[tilespmem:$0x10A00] =	vst v63  }
0xb8: {  	s17 =	simm.s32 $0xF40;
	s9 =	simm.s32 $0x640  }
0xb9: {  	[tilespmem:s30], [sflag:$0x1] =	stream.indirect.gather [hbm4b:s11+s9], $0x18, s17, s9, $0xb8;
	[tilespmem:$0x10A00] =	vst v63  }
0xba: {  	_ = 	snop  }
0xbb: {  	[tilespmem:s31], [sflag:$0x1] =	stream.indirect.gather [hbm4b:s10+s19], $0x8, s22, s19, $0xb8;
	[tilespmem:$0x10A00] =	vst v63  }
0xbc: {  	s5 =	simm.s32 $0x280;
	s6 =	simm.s32 $0x1580  }
0xbd: {  	[tilespmem:s16], [sflag:$0x1] =	stream.indirect.gather [hbm4b:s12+s5], $0x10, s6, s5, $0xb8;
	[tilespmem:$0x10A00] =	vst v63  }
0xbe: {  	s9 =	simm.s32 $0x1800  }
0xbf: {  	[tilespmem:s1], [sflag:$0x1] =	stream.indirect.gather [hbm4b:s14+s20], $0x10, s9, s20, $0xb8;
	[tilespmem:$0x10A00] =	vst v63  }
0xc0: {  	_ =	swait.ge [sflag:s25], $0x300  }
0xc1: {  	[sflag:s25] =	ssyncset.done $0x0  }
0xc2: {  	[sflag:s25] =	ssyncadd.s32 $0xFFFFFD00  }
0xc3: {  	_ =	swait.ge [sflag:s25], $0x9600  }
0xc4: {  	[sflag:s25] =	ssyncset.done $0x0  }
0xc5: {  	[sflag:s25] =	ssyncadd.s32 $0xFFFF6A00  }
0xc6: {  	s28 =	simm.s32 $0x0;
	_ =	swait.ge [sflag:s25], $0x100  }
0xc7: {  	v3 =	vmov s28;
	[sflag:s25] =	ssyncset.done $0x0  }
0xc8: {  	v5 =	vmul.u32 $0x18, v3;
	[sflag:s25] =	ssyncadd.s32 $0xFFFFFF00  }
0xc9: {  	_ =	swait.ge [sflag:s25], $0x2800  }
0xca: {  	v6 =	vadd.s32 v0, v5;
	[sflag:s25] =	ssyncset.done $0x0  }
0xcb: {  	[sflag:s25] =	ssyncadd.s32 $0xFFFFD800  }
0xcc: {  	_ =	swait.ge [sflag:s25], $0x2000  }
0xcd: {  	[sflag:s25] =	ssyncset.done $0x0  }
0xce: {  	[sflag:s25] =	ssyncadd.s32 $0xFFFFE000  }
0xcf: {  	v6 =	vld.idx.msk [tilespmem:v6+s26+$0x0], $0xffff  }
0xd0: {  	v8 =	vadd.s32 v4, v5  }
0xd1: {  	v5 =	vmov s28  }
0xd2: {  	v9 =	vmul.u32 $0x18, v5  }
0xd3: {  	s29 =	simm.s32 $0xFC30  }
0xd4: {  	[tilespmem:s29+$0xFFFFFFD0] =	vst v6;
	v6 =	vbroadcast v9, $0x0  }
0xd5: {  	v8 =	vld.idx.msk [tilespmem:v8+s26+$0x0], $0xffff  }
0xd6: {  	v9 =	vor.u32 v0, v6  }
0xd7: {  	v10 =	vadd.s32 v4, v6  }
0xd8: {  	v12 =	vadd.s32 v34, v6  }
0xd9: {  	v13 =	vadd.s32 v35, v6  }
0xda: {  	v14 =	vadd.s32 v28, v6;
	[tilespmem:s29+$0xFFFFFFD4] =	vst v8  }
0xdb: {  	v8 =	vadd.s32 v7, v6;
	v9 =	vld.idx.msk [tilespmem:v9+s30+$0x0], $0xffff  }
0xdc: {  	v16 =	vadd.s32 v29, v6;
	v10 =	vld.idx.msk [tilespmem:v10+s30+$0x0], $0xffff  }
0xdd: {  	v17 =	vadd.s32 v30, v6;
	v12 =	vld.idx.msk [tilespmem:v12+s30+$0x0], $0xffff  }
0xde: {  	v18 =	vadd.s32 v11, v6;
	v13 =	vld.idx.msk [tilespmem:v13+s30+$0x0], $0xffff  }
0xdf: {  	v20 =	vadd.s32 v33, v6;
	v14 =	vld.idx.msk [tilespmem:v14+s30+$0x0], $0xffff  }
0xe0: {  	v21 =	vadd.s32 v36, v6;
	v8 =	vld.idx.msk [tilespmem:v8+s30+$0x0], $0xffff  }
0xe1: {  	v22 =	vadd.s32 v22, v6;
	v16 =	vld.idx.msk [tilespmem:v16+s30+$0x0], $0xffff;
	v9 =	vadd.f32 $0.0e+00, v9  }
0xe2: {  	v24 =	vadd.s32 v15, v6;
	v17 =	vld.idx.msk [tilespmem:v17+s30+$0x0], $0xffff;
	v10 =	vadd.f32 $0.0e+00, v10  }
0xe3: {  	v9 =	vadd.f32 v12, v9;
	v12 =	vld.idx.msk [tilespmem:v18+s30+$0x0], $0xffff;
	v18 =	vadd.s32 v25, v6  }
0xe4: {  	v10 =	vadd.f32 v13, v10;
	v13 =	vld.idx.msk [tilespmem:v20+s30+$0x0], $0xffff;
	v20 =	vadd.s32 v26, v6  }
0xe5: {  	v8 =	vadd.f32 v8, v9;
	v9 =	vld.idx.msk [tilespmem:v21+s30+$0x0], $0xffff;
	v21 =	vadd.s32 v31, v6  }
0xe6: {  	v10 =	vadd.f32 v14, v10;
	v14 =	vld.idx.msk [tilespmem:v22+s30+$0x0], $0xffff;
	v22 =	vadd.s32 v19, v6  }
0xe7: {  	v8 =	vadd.f32 v16, v8;
	v16 =	vld.idx.msk [tilespmem:v24+s30+$0x0], $0xffff  }
0xe8: {  	v24 =	vadd.s32 v32, v6;
	v10 =	vadd.f32 v17, v10;
	v17 =	vld.idx.msk [tilespmem:v18+s30+$0x0], $0xffff  }
0xe9: {  	v18 =	vadd.s32 v37, v6;
	v8 =	vadd.f32 v12, v8;
	v12 =	vld.idx.msk [tilespmem:v20+s30+$0x0], $0xffff  }
0xea: {  	v20 =	vadd.s32 v49, v6;
	v10 =	vadd.f32 v13, v10;
	v13 =	vld.idx.msk [tilespmem:v21+s30+$0x0], $0xffff  }
0xeb: {  	v21 =	vadd.s32 v23, v6;
	v8 =	vadd.f32 v9, v8;
	v9 =	vld.idx.msk [tilespmem:v22+s30+$0x0], $0xffff  }
0xec: {  	v49 =	vmov v61;
	v22 =	vadd.s32 v61, v6;
	v61 =	vld [tilespmem:$0x1FF90]  }
0xed: {  	v10 =	vadd.f32 v14, v10;
	v14 =	vld.idx.msk [tilespmem:v24+s30+$0x0], $0xffff;
	v24 =	vadd.s32 v40, v6  }
0xee: {  	v8 =	vadd.f32 v16, v8;
	v16 =	vld.idx.msk [tilespmem:v18+s30+$0x0], $0xffff;
	v18 =	vadd.s32 v54, v6  }
0xef: {  	v10 =	vadd.f32 v17, v10;
	v17 =	vld.idx.msk [tilespmem:v20+s30+$0x0], $0xffff;
	v20 =	vadd.s32 v27, v6  }
0xf0: {  	v8 =	vadd.f32 v12, v8;
	v12 =	vld.idx.msk [tilespmem:v21+s30+$0x0], $0xffff;
	v21 =	vadd.s32 v53, v6  }
0xf1: {  	v10 =	vadd.f32 v13, v10;
	v13 =	vld.idx.msk [tilespmem:v22+s30+$0x0], $0xffff;
	v22 =	vadd.s32 v52, v6  }
0xf2: {  	v8 =	vadd.f32 v9, v8;
	v9 =	vld.idx.msk [tilespmem:v24+s30+$0x0], $0xffff;
	v24 =	vadd.s32 v62, v6  }
0xf3: {  	v10 =	vadd.f32 v14, v10;
	v14 =	vld.idx.msk [tilespmem:v18+s30+$0x0], $0xffff;
	v18 =	vadd.s32 v39, v6  }
0xf4: {  	v8 =	vadd.f32 v16, v8;
	v16 =	vld.idx.msk [tilespmem:v20+s30+$0x0], $0xffff;
	v20 =	vadd.s32 v51, v6  }
0xf5: {  	v10 =	vadd.f32 v17, v10;
	v17 =	vld.idx.msk [tilespmem:v21+s30+$0x0], $0xffff;
	v21 =	vadd.s32 v38, v6  }
0xf6: {  	v8 =	vadd.f32 v12, v8;
	v12 =	vld.idx.msk [tilespmem:v22+s30+$0x0], $0xffff;
	v22 =	vadd.s32 v61, v6  }
0xf7: {  	v10 =	vadd.f32 v13, v10;
	v13 =	vld.idx.msk [tilespmem:v24+s30+$0x0], $0xffff;
	v24 =	vadd.s32 v63, v6  }
0xf8: {  	v8 =	vadd.f32 v9, v8;
	v9 =	vld.idx.msk [tilespmem:v18+s30+$0x0], $0xffff;
	v18 =	vadd.s32 v50, v6  }
0xf9: {  	v10 =	vadd.f32 v14, v10;
	v14 =	vld.idx.msk [tilespmem:v20+s30+$0x0], $0xffff;
	v20 =	vadd.s32 v55, v6  }
0xfa: {  	v8 =	vadd.f32 v16, v8;
	v16 =	vld.idx.msk [tilespmem:v21+s30+$0x0], $0xffff;
	v21 =	vadd.s32 v44, v6  }
0xfb: {  	v10 =	vadd.f32 v17, v10;
	v17 =	vld.idx.msk [tilespmem:v22+s30+$0x0], $0xffff  }
0xfc: {  	v22 =	vadd.s32 v45, v6;
	v8 =	vadd.f32 v12, v8;
	v12 =	vld.idx.msk [tilespmem:v24+s30+$0x0], $0xffff  }
0xfd: {  	v24 =	vadd.s32 v46, v6;
	v10 =	vadd.f32 v13, v10;
	v13 =	vld.idx.msk [tilespmem:v18+s30+$0x0], $0xffff  }
0xfe: {  	v18 =	vadd.s32 v43, v6;
	v8 =	vadd.f32 v9, v8;
	v9 =	vld.idx.msk [tilespmem:v20+s30+$0x0], $0xffff  }
0xff: {  	v10 =	vadd.f32 v14, v10;
	v14 =	vld.idx.msk [tilespmem:v21+s30+$0x0], $0xffff;
	v21 =	vadd.s32 v59, v6  }
0x100: {  	v8 =	vadd.f32 v16, v8  }
0x101: {  	v16 =	vld.idx.msk [tilespmem:v22+s30+$0x0], $0xffff;
	v22 =	vadd.s32 v42, v6  }
0x102: {  	v10 =	vadd.f32 v17, v10;
	v17 =	vld.idx.msk [tilespmem:v24+s30+$0x0], $0xffff;
	v8 =	vadd.f32 v12, v8  }
0x103: {  	v20 =	vadd.s32 v60, v6;
	v12 =	vld.idx.msk [tilespmem:v18+s30+$0x0], $0xffff  }
0x104: {  	v24 =	vadd.s32 v58, v6;
	v10 =	vadd.f32 v13, v10;
	v8 =	vadd.f32 v9, v8;
	v9 =	vld.idx.msk [tilespmem:v21+s30+$0x0], $0xffff  }
0x105: {  	v21 =	vld [tilespmem:$0x1FE40]  }
0x106: {  	v18 =	vadd.s32 v41, v6;
	v10 =	vadd.f32 v14, v10;
	v14 =	vld.idx.msk [tilespmem:v22+s30+$0x0], $0xffff  }
0x107: {  	v22 =	vld [tilespmem:$0x1FE50]  }
0x108: {  	v13 =	vld.idx.msk [tilespmem:v20+s30+$0x0], $0xffff;
	v20 =	vadd.s32 v57, v6  }
0x109: {  	v8 =	vadd.f32 v16, v8;
	v16 =	vld.idx.msk [tilespmem:v24+s30+$0x0], $0xffff  }
0x10a: {  	v24 =	vld [tilespmem:$0x1FE60];
	v21 =	vadd.s32 v21, v6  }
0x10b: {  	v10 =	vadd.f32 v17, v10;
	v17 =	vld.idx.msk [tilespmem:v18+s30+$0x0], $0xffff  }
0x10c: {  	v18 =	vld [tilespmem:$0x1FE80];
	v22 =	vadd.s32 v22, v6  }
0x10d: {  	v8 =	vadd.f32 v12, v8;
	v12 =	vld.idx.msk [tilespmem:v20+s30+$0x0], $0xffff  }
0x10e: {  	v20 =	vld [tilespmem:$0x1FE90]  }
0x10f: {  	v10 =	vadd.f32 v13, v10;
	v24 =	vadd.s32 v24, v6;
	v13 =	vld.idx.msk [tilespmem:v21+s30+$0x0], $0xffff  }
0x110: {  	v21 =	vld [tilespmem:$0x1FEA0]  }
0x111: {  	v8 =	vadd.f32 v9, v8;
	v18 =	vadd.s32 v18, v6;
	v9 =	vld.idx.msk [tilespmem:v22+s30+$0x0], $0xffff  }
0x112: {  	v22 =	vld [tilespmem:$0x1FEB0]  }
0x113: {  	v20 =	vadd.s32 v20, v6  }
0x114: {  	v10 =	vadd.f32 v14, v10;
	v14 =	vld.idx.msk [tilespmem:v24+s30+$0x0], $0xffff  }
0x115: {  	v24 =	vld [tilespmem:$0x1FEC0];
	v21 =	vadd.s32 v21, v6  }
0x116: {  	v8 =	vadd.f32 v16, v8;
	v16 =	vld.idx.msk [tilespmem:v18+s30+$0x0], $0xffff  }
0x117: {  	v18 =	vld [tilespmem:$0x1FED0];
	v22 =	vadd.s32 v22, v6  }
0x118: {  	v10 =	vadd.f32 v17, v10;
	v17 =	vld.idx.msk [tilespmem:v20+s30+$0x0], $0xffff  }
0x119: {  	v20 =	vld [tilespmem:$0x1FEE0]  }
0x11a: {  	v8 =	vadd.f32 v12, v8;
	v12 =	vld.idx.msk [tilespmem:v21+s30+$0x0], $0xffff  }
0x11b: {  	v21 =	vld [tilespmem:$0x1FEF0]  }
0x11c: {  	v10 =	vadd.f32 v13, v10;
	v13 =	vld.idx.msk [tilespmem:v22+s30+$0x0], $0xffff  }
0x11d: {  	v22 =	vld [tilespmem:$0x1FF00]  }
0x11e: {  	v24 =	vadd.s32 v24, v6  }
0x11f: {  	v18 =	vadd.s32 v18, v6  }
0x120: {  	v47 =	vadd.s32 $0x2B8, v0;
	v20 =	vadd.s32 v20, v6  }
0x121: {  	[tilespmem:$0x1FB30] =	vst v47;
	v32 =	vadd.s32 $0x2A4, v0;
	v21 =	vadd.s32 v21, v6  }
0x122: {  	[tilespmem:$0x1FB20] =	vst v32;
	v62 =	vor.u32 $0x2D0, v0;
	v22 =	vadd.s32 v22, v6  }
0x123: {  	v8 =	vadd.f32 v9, v8;
	v10 =	vadd.f32 v14, v10;
	v9 =	vld.idx.msk [tilespmem:v24+s30+$0x0], $0xffff;
	v24 =	vadd.s32 v32, v6  }
0x124: {  	v40 =	vmovc v57;
	v53 =	vadd.s32 $0x2BC, v0;
	[tilespmem:$0x1FB50] =	vst v62;
	v32 =	vadd.s32 $0x2D4, v0;
	v14 =	vld.idx.msk [tilespmem:v18+s30+$0x0], $0xffff;
	v18 =	vadd.s32 v47, v6  }
0x125: {  	v8 =	vadd.f32 v16, v8;
	v10 =	vadd.f32 v17, v10;
	v16 =	vld.idx.msk [tilespmem:v20+s30+$0x0], $0xffff;
	v20 =	vadd.s32 v53, v6  }
0x126: {  	v57 =	vmov v41;
	[tilespmem:$0x1FB60] =	vst v32;
	v25 =	vadd.s32 v32, v6;
	v17 =	vld.idx.msk [tilespmem:v21+s30+$0x0], $0xffff;
	v21 =	vadd.s32 v62, v6  }
0x127: {  	v8 =	vadd.f32 v12, v8;
	v32 =	vmovc v46;
	v46 =	vmovc v51;
	v51 =	vmov v58;
	v12 =	vld.idx.msk [tilespmem:v22+s30+$0x0], $0xffff;
	v22 =	vadd.s32 $0x2E8, v0  }
0x128: {  	v10 =	vadd.f32 v13, v10;
	v13 =	vld.idx.msk [tilespmem:v24+s30+$0x0], $0xffff;
	[tilespmem:$0x1FB70] =	vst v22;
	v26 =	vadd.s32 v22, v6;
	v22 =	vadd.s32 $0x2EC, v0  }
0x129: {  	v8 =	vadd.f32 v9, v8;
	v9 =	vld.idx.msk [tilespmem:v18+s30+$0x0], $0xffff;
	[tilespmem:$0x1FB80] =	vst v22;
	v18 =	vadd.s32 v22, v6;
	v22 =	vor.u32 $0x300, v0  }
0x12a: {  	v10 =	vadd.f32 v14, v10;
	v14 =	vld.idx.msk [tilespmem:v20+s30+$0x0], $0xffff;
	[tilespmem:$0x1FB90] =	vst v22;
	v20 =	vadd.s32 v22, v6;
	v22 =	vadd.s32 $0x304, v0  }
0x12b: {  	v8 =	vadd.f32 v16, v8;
	v16 =	vld.idx.msk [tilespmem:v21+s30+$0x0], $0xffff;
	[tilespmem:$0x1FBA0] =	vst v22;
	v21 =	vadd.s32 v22, v6;
	v22 =	vadd.s32 $0x318, v0  }
0x12c: {  	v10 =	vadd.f32 v17, v10;
	v17 =	vld.idx.msk [tilespmem:v25+s30+$0x0], $0xffff;
	[tilespmem:$0x1FBB0] =	vst v22;
	v31 =	vadd.s32 v22, v6;
	v22 =	vadd.s32 $0x31C, v0  }
0x12d: {  	v8 =	vadd.f32 v12, v8;
	v12 =	vld.idx.msk [tilespmem:v26+s30+$0x0], $0xffff;
	[tilespmem:$0x1FBC0] =	vst v22;
	v47 =	vadd.s32 v22, v6;
	v22 =	vor.u32 $0x330, v0  }
0x12e: {  	v10 =	vadd.f32 v13, v10;
	v13 =	vld.idx.msk [tilespmem:v18+s30+$0x0], $0xffff;
	[tilespmem:$0x1FBD0] =	vst v22;
	v18 =	vadd.s32 v22, v6;
	v22 =	vadd.s32 $0x334, v0  }
0x12f: {  	v8 =	vadd.f32 v9, v8;
	v9 =	vld.idx.msk [tilespmem:v20+s30+$0x0], $0xffff;
	[tilespmem:$0x1FBE0] =	vst v22;
	v20 =	vadd.s32 v22, v6;
	v22 =	vadd.s32 $0x348, v0  }
0x130: {  	v10 =	vadd.f32 v14, v10;
	v14 =	vld.idx.msk [tilespmem:v21+s30+$0x0], $0xffff;
	[tilespmem:$0x1FBF0] =	vst v22;
	v21 =	vadd.s32 v22, v6;
	v22 =	vadd.s32 $0x34C, v0  }
0x131: {  	v8 =	vadd.f32 v16, v8;
	v16 =	vld.idx.msk [tilespmem:v31+s30+$0x0], $0xffff;
	[tilespmem:$0x1FC00] =	vst v22;
	v62 =	vadd.s32 v22, v6;
	v22 =	vor.u32 $0x360, v0  }
0x132: {  	v10 =	vadd.f32 v17, v10;
	v17 =	vld.idx.msk [tilespmem:v47+s30+$0x0], $0xffff;
	[tilespmem:$0x1FC10] =	vst v22;
	v47 =	vadd.s32 v22, v6;
	v22 =	vadd.s32 $0x364, v0  }
0x133: {  	v8 =	vadd.f32 v12, v8;
	v12 =	vld.idx.msk [tilespmem:v18+s30+$0x0], $0xffff;
	[tilespmem:$0x1FC20] =	vst v22;
	v18 =	vadd.s32 v22, v6;
	v22 =	vadd.s32 $0x378, v0  }
0x134: {  	v10 =	vadd.f32 v13, v10;
	v13 =	vld.idx.msk [tilespmem:v20+s30+$0x0], $0xffff;
	[tilespmem:$0x1FC30] =	vst v22;
	v20 =	vadd.s32 v22, v6;
	v22 =	vadd.s32 $0x37C, v0  }
0x135: {  	v8 =	vadd.f32 v9, v8;
	v9 =	vld.idx.msk [tilespmem:v21+s30+$0x0], $0xffff;
	[tilespmem:$0x1FC40] =	vst v22;
	v21 =	vadd.s32 v22, v6;
	v22 =	vor.u32 $0x390, v0  }
0x136: {  	v24 =	vadd.s32 $0x394, v0;
	v10 =	vadd.f32 v14, v10;
	v14 =	vld.idx.msk [tilespmem:v62+s30+$0x0], $0xffff;
	[tilespmem:$0x1FC50] =	vst v22;
	v22 =	vadd.s32 v22, v6  }
0x137: {  	[tilespmem:$0x1FC60] =	vst v24;
	v24 =	vadd.s32 v24, v6;
	v25 =	vadd.s32 $0x3A8, v0;
	v8 =	vadd.f32 v16, v8;
	v16 =	vld.idx.msk [tilespmem:v47+s30+$0x0], $0xffff  }
0x138: {  	[tilespmem:$0x1FC70] =	vst v25;
	v10 =	vadd.f32 v17, v10;
	v17 =	vld.idx.msk [tilespmem:v18+s30+$0x0], $0xffff;
	v18 =	vadd.s32 v25, v6;
	v25 =	vadd.s32 $0x3AC, v0  }
0x139: {  	v8 =	vadd.f32 v12, v8;
	v12 =	vld.idx.msk [tilespmem:v20+s30+$0x0], $0xffff;
	[tilespmem:$0x1FC80] =	vst v25;
	v20 =	vadd.s32 v25, v6;
	v25 =	vor.u32 $0x3C0, v0  }
0x13a: {  	v10 =	vadd.f32 v13, v10;
	v13 =	vld.idx.msk [tilespmem:v21+s30+$0x0], $0xffff;
	[tilespmem:$0x1FC90] =	vst v25;
	v21 =	vadd.s32 v25, v6;
	v25 =	vadd.s32 $0x3C4, v0  }
0x13b: {  	v8 =	vadd.f32 v9, v8;
	v9 =	vld.idx.msk [tilespmem:v22+s30+$0x0], $0xffff;
	[tilespmem:$0x1FCA0] =	vst v25;
	v22 =	vadd.s32 v25, v6;
	v25 =	vadd.s32 $0x3D8, v0  }
0x13c: {  	v10 =	vadd.f32 v14, v10;
	v14 =	vld.idx.msk [tilespmem:v24+s30+$0x0], $0xffff;
	v24 =	vadd.s32 $0x3DC, v0;
	[tilespmem:$0x1FCB0] =	vst v25;
	v47 =	vadd.s32 v25, v6  }
0x13d: {  	v8 =	vadd.f32 v16, v8;
	[tilespmem:$0x1FCC0] =	vst v24;
	v16 =	vld.idx.msk [tilespmem:v18+s30+$0x0], $0xffff;
	v18 =	vadd.s32 v24, v6;
	v24 =	vor.u32 $0x3F0, v0  }
0x13e: {  	v10 =	vadd.f32 v17, v10;
	v17 =	vld.idx.msk [tilespmem:v20+s30+$0x0], $0xffff;
	[tilespmem:$0x1FCD0] =	vst v24;
	v20 =	vadd.s32 v24, v6;
	v24 =	vadd.s32 $0x3F4, v0  }
0x13f: {  	v8 =	vadd.f32 v12, v8;
	v12 =	vld.idx.msk [tilespmem:v21+s30+$0x0], $0xffff;
	[tilespmem:$0x1FCE0] =	vst v24;
	v21 =	vadd.s32 v24, v6;
	v24 =	vadd.s32 $0x408, v0  }
0x140: {  	v10 =	vadd.f32 v13, v10;
	v13 =	vld.idx.msk [tilespmem:v22+s30+$0x0], $0xffff;
	[tilespmem:$0x1FCF0] =	vst v24;
	v22 =	vadd.s32 v24, v6;
	v24 =	vadd.s32 $0x40C, v0  }
0x141: {  	v25 =	vor.u32 $0x420, v0;
	v8 =	vadd.f32 v9, v8;
	v9 =	vld.idx.msk [tilespmem:v47+s30+$0x0], $0xffff;
	[tilespmem:$0x1FD00] =	vst v24;
	v24 =	vadd.s32 v24, v6  }
0x142: {  	[tilespmem:$0x1FD10] =	vst v25;
	v10 =	vadd.f32 v14, v10;
	v14 =	vld.idx.msk [tilespmem:v18+s30+$0x0], $0xffff;
	v18 =	vadd.s32 v25, v6;
	v25 =	vadd.s32 $0x424, v0  }
0x143: {  	v8 =	vadd.f32 v16, v8;
	v16 =	vld.idx.msk [tilespmem:v20+s30+$0x0], $0xffff;
	[tilespmem:$0x1FD20] =	vst v25;
	v20 =	vadd.s32 v25, v6;
	v25 =	vadd.s32 $0x438, v0  }
0x144: {  	v10 =	vadd.f32 v17, v10;
	v17 =	vld.idx.msk [tilespmem:v21+s30+$0x0], $0xffff;
	[tilespmem:$0x1FD30] =	vst v25;
	v21 =	vadd.s32 v25, v6;
	v25 =	vadd.s32 $0x43C, v0  }
0x145: {  	v8 =	vadd.f32 v12, v8;
	v12 =	vor.u32 $0x450, v0;
	v31 =	vld.idx.msk [tilespmem:v22+s30+$0x0], $0xffff;
	[tilespmem:$0x1FD40] =	vst v25;
	v22 =	vadd.s32 v25, v6  }
0x146: {  	v10 =	vadd.f32 v13, v10;
	[tilespmem:$0x1FD50] =	vst v12;
	v25 =	vld.idx.msk [tilespmem:v24+s30+$0x0], $0xffff;
	v24 =	vadd.s32 v12, v6;
	v12 =	vadd.s32 $0x454, v0  }
0x147: {  	v8 =	vadd.f32 v9, v8;
	v9 =	vld.idx.msk [tilespmem:v18+s30+$0x0], $0xffff;
	[tilespmem:$0x1FD60] =	vst v12;
	v18 =	vadd.s32 v12, v6;
	v12 =	vadd.s32 $0x468, v0  }
0x148: {  	v10 =	vadd.f32 v14, v10;
	v26 =	vld.idx.msk [tilespmem:v20+s30+$0x0], $0xffff;
	[tilespmem:$0x1FD70] =	vst v12;
	v20 =	vadd.s32 v12, v6;
	v12 =	vadd.s32 $0x46C, v0  }
0x149: {  	v62 =	vmovc v43;
	v43 =	vmovc v55;
	v55 =	vmov v50;
	v8 =	vadd.f32 v16, v8;
	v16 =	vor.u32 $0x480, v0  }
0x14a: {  	v47 =	vadd.s32 $0x498, v0;
	v50 =	vld.idx.msk [tilespmem:v21+s30+$0x0], $0xffff;
	[tilespmem:$0x1FD80] =	vst v12;
	v21 =	vadd.s32 v12, v6;
	v10 =	vadd.f32 v17, v10  }
0x14b: {  	v17 =	vld.idx.msk [tilespmem:v22+s30+$0x0], $0xffff;
	v22 =	vadd.s32 v16, v6;
	v8 =	vadd.f32 v31, v8;
	v12 =	vmovc v51;
	v51 =	vadd.s32 $0x484, v0  }
0x14c: {  	[tilespmem:$0x1FD90] =	vst v16;
	v31 =	vld.idx.msk [tilespmem:v24+s30+$0x0], $0xffff;
	v16 =	vmov v57;
	v10 =	vadd.f32 v25, v10;
	v57 =	vadd.s32 v51, v6  }
0x14d: {  	v25 =	vadd.s32 $0x49C, v0;
	v24 =	vld.idx.msk [tilespmem:v18+s30+$0x0], $0xffff;
	v18 =	vadd.s32 v47, v6;
	v8 =	vadd.f32 v9, v8  }
0x14e: {  	v6 =	vadd.s32 v25, v6;
	v9 =	vld.idx.msk [tilespmem:v20+s30+$0x0], $0xffff;
	v10 =	vadd.f32 v26, v10  }
0x14f: {  	v20 =	vld.idx.msk [tilespmem:v21+s30+$0x0], $0xffff;
	v8 =	vadd.f32 v50, v8  }
0x150: {  	v21 =	vld.idx.msk [tilespmem:v22+s30+$0x0], $0xffff;
	v10 =	vadd.f32 v17, v10  }
0x151: {  	v8 =	vadd.f32 v31, v8;
	v17 =	vld.idx.msk [tilespmem:v57+s30+$0x0], $0xffff  }
0x152: {  	v18 =	vld.idx.msk [tilespmem:v18+s30+$0x0], $0xffff;
	v10 =	vadd.f32 v24, v10  }
0x153: {  	v6 =	vld.idx.msk [tilespmem:v6+s30+$0x0], $0xffff;
	v8 =	vadd.f32 v9, v8  }
0x154: {  	v9 =	vadd.f32 v20, v10  }
0x155: {  	v8 =	vadd.f32 v21, v8  }
0x156: {  	v9 =	vadd.f32 v17, v9  }
0x157: {  	v13 =	vmovc v32;
	v32 =	vshll.u32 v3, $0x3;
	v3 =	vadd.f32 v18, v8;
	v8 =	vand.u32 $0x7, v0  }
0x158: {  	[tilespmem:$0x1FDD0] =	vst v8;
	v8 =	vor.u32 v8, v32;
	v6 =	vadd.f32 v6, v9  }
0x159: {  	v3 =	vmul.f32 v3, v48  }
0x15a: {  	v6 =	vmul.f32 v6, v48  }
0x15b: {  	[tilespmem:s29+$0xFFFFFFE4] =	vst v3;
	v3 =	vshll.u32 v5, $0x4  }
0x15c: {  	v18 =	vbroadcast v3, $0x0;
	[tilespmem:s29+$0xFFFFFFE8] =	vst v6  }
0x15d: {  	v41 =	vmovc v52;
	v52 =	vmov v54;
	v54 =	vmov v37;
	v37 =	vmov v42;
	v3 =	vld.idx.msk [tilespmem:v8+s31+$0x0], $0xffff  }
0x15e: {  	[tilespmem:$0x1FDB0] =	vst v47;
	v47 =	vmov v37;
	v37 =	vor.u32 v0, v18  }
0x15f: {  	v58 =	vmov v38;
	v38 =	vor.u32 v1, v18;
	_ =	sdelay $0x1  }
0x160: {  	v50 =	vor.u32 v2, v18  }
0x161: {  	[tilespmem:s29+$0xFFFFFFF8] =	vst v3  }
0x162: {  	[tilespmem:$0x1FDA0] =	vst v51;
	v51 =	vor.u32 v7, v18;
	v3 =	vld.idx.msk [tilespmem:v37+s16+$0x0], $0xffff  }
0x163: {  	v10 =	vor.u32 $0x40, v0;
	v6 =	vld.idx.msk [tilespmem:v38+s16+$0x0], $0xffff  }
0x164: {  	v8 =	vadd.s32 v10, v18  }
0x165: {  	v5 =	vor.u32 $0x50, v0;
	v9 =	vld.idx.msk [tilespmem:v50+s16+$0x0], $0xffff  }
0x166: {  	v17 =	vadd.s32 v5, v18  }
0x167: {  	v21 =	vld.idx.msk [tilespmem:v51+s16+$0x0], $0xffff  }
0x168: {  	v22 =	vadd.s32 v11, v18;
	v3 =	vadd.f32 v6, v3  }
0x169: {  	v8 =	vld.idx.msk [tilespmem:v8+s16+$0x0], $0xffff;
	v6 =	vor.u32 $0x70, v0  }
0x16a: {  	v24 =	vadd.s32 v6, v18;
	v3 =	vadd.f32 v9, v3  }
0x16b: {  	v17 =	vld.idx.msk [tilespmem:v17+s16+$0x0], $0xffff;
	v9 =	vor.u32 $0x80, v0  }
0x16c: {  	v20 =	vadd.s32 v9, v18;
	v3 =	vadd.f32 v21, v3  }
0x16d: {  	v21 =	vld.idx.msk [tilespmem:v22+s16+$0x0], $0xffff  }
0x16e: {  	[tilespmem:$0x1FDC0] =	vst v25;
	v25 =	vadd.s32 v15, v18;
	v8 =	vadd.f32 v8, v3  }
0x16f: {  	v31 =	vld.idx.msk [tilespmem:v24+s16+$0x0], $0xffff;
	v3 =	vor.u32 $0xA0, v0  }
0x170: {  	v26 =	vadd.s32 v3, v18;
	v17 =	vadd.f32 v17, v8  }
0x171: {  	v22 =	vld.idx.msk [tilespmem:v20+s16+$0x0], $0xffff;
	v8 =	vor.u32 $0xB0, v0  }
0x172: {  	v24 =	vadd.s32 v8, v18;
	v17 =	vadd.f32 v21, v17  }
0x173: {  	v25 =	vld.idx.msk [tilespmem:v25+s16+$0x0], $0xffff  }
0x174: {  	v21 =	vadd.s32 v19, v18;
	v31 =	vadd.f32 v31, v17  }
0x175: {  	v20 =	vor.u32 $0xD0, v0;
	v17 =	vld.idx.msk [tilespmem:v26+s16+$0x0], $0xffff  }
0x176: {  	[tilespmem:$0x1FDE0] =	vst v20;
	v20 =	vadd.s32 v20, v18;
	v26 =	vadd.f32 v22, v31  }
0x177: {  	v22 =	vld.idx.msk [tilespmem:v24+s16+$0x0], $0xffff;
	v24 =	vor.u32 $0xE0, v0  }
0x178: {  	[tilespmem:$0x1FDF0] =	vst v24;
	v24 =	vadd.s32 v24, v18;
	v25 =	vadd.f32 v25, v26  }
0x179: {  	v26 =	vld.idx.msk [tilespmem:v21+s16+$0x0], $0xffff  }
0x17a: {  	v21 =	vadd.s32 v23, v18;
	v17 =	vadd.f32 v17, v25  }
0x17b: {  	v20 =	vld.idx.msk [tilespmem:v20+s16+$0x0], $0xffff;
	v25 =	vor.u32 $0x100, v0  }
0x17c: {  	v17 =	vadd.f32 v22, v17;
	v22 =	vadd.s32 v25, v18  }
0x17d: {  	[tilespmem:$0x1FE00] =	vst v25;
	v25 =	vld.idx.msk [tilespmem:v24+s16+$0x0], $0xffff;
	v24 =	vor.u32 $0x110, v0  }
0x17e: {  	[tilespmem:$0x1FE10] =	vst v24;
	v24 =	vadd.s32 v24, v18;
	v17 =	vadd.f32 v26, v17  }
0x17f: {  	v26 =	vld.idx.msk [tilespmem:v21+s16+$0x0], $0xffff  }
0x180: {  	v31 =	vadd.s32 v27, v18;
	v20 =	vadd.f32 v20, v17  }
0x181: {  	v14 =	vmov v62;
	v62 =	vld.idx.msk [tilespmem:v22+s16+$0x0], $0xffff  }
0x182: {  	v17 =	vor.u32 $0x130, v0;
	v20 =	vadd.f32 v25, v20  }
0x183: {  	v22 =	vadd.s32 v17, v18;
	v21 =	vld.idx.msk [tilespmem:v24+s16+$0x0], $0xffff  }
0x184: {  	v20 =	vadd.f32 v26, v20  }
0x185: {  	[tilespmem:$0x1FE20] =	vst v17;
	v17 =	vld.idx.msk [tilespmem:v31+s16+$0x0], $0xffff  }
0x186: {  	v20 =	vadd.f32 v62, v20;
	_ =	sdelay $0x1  }
0x187: {  	v22 =	vld.idx.msk [tilespmem:v22+s16+$0x0], $0xffff;
	v20 =	vadd.f32 v21, v20;
	_ =	sdelay $0x1  }
0x188: {  	v17 =	vadd.f32 v17, v20;
	v20 =	vld [tilespmem:$0x1FE70];
	_ =	sdelay $0x2  }
0x189: {  	v17 =	vadd.f32 v22, v17;
	_ =	sdelay $0x1  }
0x18a: {  	v17 =	vmul.f32 v17, v20;
	_ =	sdelay $0x1  }
0x18b: {  	[tilespmem:s29+$0x0] =	vst v17  }
0x18c: {  	v24 =	vld.idx.msk [tilespmem:v37+s1+$0x0], $0xffff  }
0x18d: {  	v20 =	vld.idx.msk [tilespmem:v38+s1+$0x0], $0xffff  }
0x18e: {  	v21 =	vor.u32 v10, v18  }
0x18f: {  	v22 =	vld.idx.msk [tilespmem:v50+s1+$0x0], $0xffff;
	_ =	sdelay $0x1  }
0x190: {  	v17 =	vld.idx.msk [tilespmem:v51+s1+$0x0], $0xffff  }
0x191: {  	v20 =	vadd.f32 v20, v24  }
0x192: {  	v21 =	vld.idx.msk [tilespmem:v21+s1+$0x0], $0xffff  }
0x193: {  	v20 =	vadd.f32 v22, v20;
	_ =	sdelay $0x1  }
0x194: {  	v17 =	vadd.f32 v17, v20;
	_ =	sdelay $0x1  }
0x195: {  	v20 =	vor.u32 v5, v18;
	v17 =	vadd.f32 v21, v17;
	_ =	sdelay $0x1  }
0x196: {  	v21 =	vor.u32 v11, v18;
	v17 =	vmul.f32 v17, v56;
	_ =	sdelay $0x1  }
0x197: {  	v24 =	vor.u32 v6, v18;
	[tilespmem:s29+$0xA] =	vst v17  }
0x198: {  	v17 =	vld.idx.msk [tilespmem:v20+s1+$0x0], $0xffff  }
0x199: {  	v20 =	vor.u32 v9, v18  }
0x19a: {  	v21 =	vld.idx.msk [tilespmem:v21+s1+$0x0], $0xffff  }
0x19b: {  	v22 =	vor.u32 v15, v18  }
0x19c: {  	v24 =	vld.idx.msk [tilespmem:v24+s1+$0x0], $0xffff  }
0x19d: {  	v17 =	vadd.f32 $0.0e+00, v17  }
0x19e: {  	v20 =	vld.idx.msk [tilespmem:v20+s1+$0x0], $0xffff  }
0x19f: {  	v17 =	vadd.f32 v21, v17  }
0x1a0: {  	v21 =	vld.idx.msk [tilespmem:v22+s1+$0x0], $0xffff  }
0x1a1: {  	v17 =	vadd.f32 v24, v17;
	_ =	sdelay $0x1  }
0x1a2: {  	v17 =	vadd.f32 v20, v17;
	_ =	sdelay $0x1  }
0x1a3: {  	v20 =	vor.u32 v3, v18;
	v17 =	vadd.f32 v21, v17;
	_ =	sdelay $0x1  }
0x1a4: {  	v21 =	vor.u32 v8, v18;
	v17 =	vmul.f32 v17, v56;
	_ =	sdelay $0x1  }
0x1a5: {  	v18 =	vor.u32 v19, v18;
	[tilespmem:s29+$0x19] =	vst v17  }
0x1a6: {  	v17 =	vld.idx.msk [tilespmem:v20+s1+$0x0], $0xffff;
	_ =	sdelay $0x1  }
0x1a7: {  	v20 =	vld.idx.msk [tilespmem:v21+s1+$0x0], $0xffff;
	_ =	sdelay $0x1  }
0x1a8: {  	v18 =	vld.idx.msk [tilespmem:v18+s1+$0x0], $0xffff  }
0x1a9: {  	v17 =	vadd.f32 $0.0e+00, v17;
	_ =	sdelay $0x1  }
0x1aa: {  	v17 =	vadd.f32 v20, v17;
	_ =	sdelay $0x1  }
0x1ab: {  	v17 =	vadd.f32 v18, v17;
	v18 =	vld [tilespmem:$0x1FF20];
	_ =	sdelay $0x1  }
0x1ac: {  	v20 =	vand.u32 $0x3, v0  }
0x1ad: {  	v21 =	vor.u32 v20, v32  }
0x1ae: {  	s17 =	simm.s32 $0x1  }
0x1af: {  	v62 =	vld [tilespmem:$0x1FFA0];
	[tilespmem:$0x1FE30] =	vst v20;
	v20 =	vmov s17;
	v17 =	vmul.f32 v17, v18  }
0x1b0: {  	[tilespmem:$0x1FB40] =	vst v53;
	v50 =	vld [tilespmem:$0x1FFB0];
	v18 =	vmul.u32 $0x18, v20  }
0x1b1: {  	s2 =	simm.s32 $0x2;
	v51 =	vld [tilespmem:$0x1FFF0];
	[tilespmem:s29+$0x23] =	vst v17  }
0x1b2: {  	s0 =	simm.s32 $0xFCA0;
	s9 =	simm.s32 $0x0;
	v42 =	vmovc v39;
	v53 =	vmovc v36;
	v57 =	vmov v40;
	s17 =	simm.s32 $0x32;
	v17 =	vshll.u32 v20, $0x3;
	v20 =	vadd.s32 v0, v18;
	v21 =	vld.idx.msk [tilespmem:v21+s24+$0x0], $0xffff  }
.LBB2_5:
0x1b3: {  	_ =	sdelay $0x3  }
0x1b4: {  	[tilespmem:s29+$0x2D] =	vst v21  }
0x1b5: {  	v20 =	vld.idx.msk [tilespmem:v20+s26+$0x0], $0xffff  }
0x1b6: {  	v18 =	vadd.s32 v4, v18;
	_ =	sdelay $0x1  }
0x1b7: {  	v21 =	vmov s17  }
0x1b8: {  	v21 =	vmul.u32 $0x18, v21  }
0x1b9: {  	[tilespmem:s0+$0xFFFFFFD0] =	vst v20  }
0x1ba: {  	v20 =	vld.idx.msk [tilespmem:v18+s26+$0x0], $0xffff;
	v18 =	vbroadcast v21, $0x0;
	_ =	sdelay $0x1  }
0x1bb: {  	v21 =	vor.u32 v0, v18  }
0x1bc: {  	v22 =	vadd.s32 v4, v18  }
0x1bd: {  	v24 =	vadd.s32 v34, v18  }
0x1be: {  	v25 =	vadd.s32 v35, v18  }
0x1bf: {  	v36 =	vld [tilespmem:$0x1FF30];
	[tilespmem:s0+$0xFFFFFFD4] =	vst v20;
	v20 =	vadd.s32 v7, v18  }
0x1c0: {  	v26 =	vadd.s32 v28, v18;
	v21 =	vld.idx.msk [tilespmem:v21+s30+$0x0], $0xffff  }
0x1c1: {  	v37 =	vmov v28;
	v28 =	vadd.s32 v29, v18;
	v22 =	vld.idx.msk [tilespmem:v22+s30+$0x0], $0xffff  }
0x1c2: {  	v38 =	vmov v29;
	v29 =	vadd.s32 v30, v18;
	v24 =	vld.idx.msk [tilespmem:v24+s30+$0x0], $0xffff  }
0x1c3: {  	v39 =	vmov v30;
	v30 =	vadd.s32 v11, v18;
	v25 =	vld.idx.msk [tilespmem:v25+s30+$0x0], $0xffff  }
0x1c4: {  	v31 =	vadd.s32 v33, v18;
	v20 =	vld.idx.msk [tilespmem:v20+s30+$0x0], $0xffff  }
0x1c5: {  	v40 =	vmov v33;
	v26 =	vld.idx.msk [tilespmem:v26+s30+$0x0], $0xffff;
	v21 =	vadd.f32 $0.0e+00, v21  }
0x1c6: {  	v33 =	vadd.s32 v36, v18;
	v36 =	vmovc v35;
	v35 =	vmov v34;
	v34 =	vadd.s32 v15, v18;
	v28 =	vld.idx.msk [tilespmem:v28+s30+$0x0], $0xffff  }
0x1c7: {  	v29 =	vld.idx.msk [tilespmem:v29+s30+$0x0], $0xffff;
	v22 =	vadd.f32 $0.0e+00, v22;
	v21 =	vadd.f32 v24, v21  }
0x1c8: {  	v24 =	vld.idx.msk [tilespmem:v30+s30+$0x0], $0xffff  }
0x1c9: {  	v32 =	vadd.s32 v53, v18;
	v22 =	vadd.f32 v25, v22;
	v25 =	vld.idx.msk [tilespmem:v31+s30+$0x0], $0xffff;
	v20 =	vadd.f32 v20, v21  }
0x1ca: {  	v31 =	vld [tilespmem:$0x1FF50]  }
0x1cb: {  	v20 =	vadd.f32 v28, v20;
	v28 =	vld.idx.msk [tilespmem:v34+s30+$0x0], $0xffff  }
0x1cc: {  	v34 =	vld [tilespmem:$0x1FF60]  }
0x1cd: {  	v30 =	vld [tilespmem:$0x1FF40]  }
0x1ce: {  	v21 =	vld.idx.msk [tilespmem:v32+s30+$0x0], $0xffff  }
0x1cf: {  	v32 =	vld [tilespmem:$0x1FF70];
	v31 =	vadd.s32 v31, v18  }
0x1d0: {  	v22 =	vadd.f32 v26, v22;
	v26 =	vld.idx.msk [tilespmem:v33+s30+$0x0], $0xffff;
	v33 =	vadd.s32 v19, v18  }
0x1d1: {  	v34 =	vadd.s32 v34, v18  }
0x1d2: {  	v22 =	vadd.f32 v29, v22  }
0x1d3: {  	v30 =	vadd.s32 v30, v18;
	v20 =	vadd.f32 v24, v20  }
0x1d4: {  	v22 =	vadd.f32 v25, v22;
	v24 =	vld.idx.msk [tilespmem:v31+s30+$0x0], $0xffff  }
0x1d5: {  	v32 =	vadd.s32 v32, v18;
	v20 =	vadd.f32 v21, v20;
	v21 =	vld.idx.msk [tilespmem:v33+s30+$0x0], $0xffff  }
0x1d6: {  	v22 =	vadd.f32 v26, v22;
	v26 =	vld.idx.msk [tilespmem:v34+s30+$0x0], $0xffff;
	v34 =	vadd.s32 v50, v18  }
0x1d7: {  	v20 =	vadd.f32 v28, v20  }
0x1d8: {  	v29 =	vld.idx.msk [tilespmem:v30+s30+$0x0], $0xffff;
	v30 =	vadd.s32 v54, v18  }
0x1d9: {  	v31 =	vadd.s32 v62, v18;
	v20 =	vadd.f32 v24, v20  }
0x1da: {  	v25 =	vld.idx.msk [tilespmem:v32+s30+$0x0], $0xffff;
	v32 =	vadd.s32 v23, v18  }
0x1db: {  	v33 =	vadd.s32 v49, v18;
	v20 =	vadd.f32 v21, v20;
	v21 =	vld.idx.msk [tilespmem:v34+s30+$0x0], $0xffff  }
0x1dc: {  	v34 =	vld [tilespmem:$0x1FF80]  }
0x1dd: {  	v28 =	vld.idx.msk [tilespmem:v30+s30+$0x0], $0xffff;
	v30 =	vadd.s32 v52, v18  }
0x1de: {  	v22 =	vadd.f32 v29, v22;
	v29 =	vld.idx.msk [tilespmem:v31+s30+$0x0], $0xffff;
	v31 =	vadd.s32 v27, v18  }
0x1df: {  	v24 =	vld.idx.msk [tilespmem:v32+s30+$0x0], $0xffff;
	v32 =	vadd.s32 v51, v18  }
0x1e0: {  	v22 =	vadd.f32 v25, v22;
	v25 =	vld.idx.msk [tilespmem:v33+s30+$0x0], $0xffff;
	v33 =	vadd.s32 v41, v18  }
0x1e1: {  	v34 =	vadd.s32 v34, v18  }
0x1e2: {  	v22 =	vadd.f32 v26, v22;
	v26 =	vld.idx.msk [tilespmem:v30+s30+$0x0], $0xffff;
	v30 =	vadd.s32 v42, v18  }
0x1e3: {  	v20 =	vadd.f32 v28, v20;
	v28 =	vld.idx.msk [tilespmem:v31+s30+$0x0], $0xffff;
	v31 =	vadd.s32 v46, v18  }
0x1e4: {  	v22 =	vadd.f32 v29, v22;
	v29 =	vld.idx.msk [tilespmem:v32+s30+$0x0], $0xffff;
	v32 =	vadd.s32 v58, v18  }
0x1e5: {  	v20 =	vadd.f32 v24, v20;
	v24 =	vld.idx.msk [tilespmem:v33+s30+$0x0], $0xffff;
	v33 =	vadd.s32 v61, v18  }
0x1e6: {  	v22 =	vadd.f32 v25, v22;
	v25 =	vld.idx.msk [tilespmem:v34+s30+$0x0], $0xffff;
	v34 =	vadd.s32 v63, v18  }
0x1e7: {  	v20 =	vadd.f32 v21, v20;
	v21 =	vld.idx.msk [tilespmem:v30+s30+$0x0], $0xffff;
	v30 =	vadd.s32 v55, v18  }
0x1e8: {  	v22 =	vadd.f32 v26, v22;
	v26 =	vld.idx.msk [tilespmem:v31+s30+$0x0], $0xffff;
	v31 =	vadd.s32 v43, v18  }
0x1e9: {  	v20 =	vadd.f32 v28, v20;
	v28 =	vld.idx.msk [tilespmem:v32+s30+$0x0], $0xffff;
	v32 =	vadd.s32 v44, v18  }
0x1ea: {  	v22 =	vadd.f32 v29, v22;
	v29 =	vld.idx.msk [tilespmem:v33+s30+$0x0], $0xffff;
	v33 =	vadd.s32 v45, v18  }
0x1eb: {  	v20 =	vadd.f32 v24, v20;
	v24 =	vld.idx.msk [tilespmem:v34+s30+$0x0], $0xffff;
	v34 =	vadd.s32 v13, v18  }
0x1ec: {  	v22 =	vadd.f32 v25, v22;
	v25 =	vld.idx.msk [tilespmem:v30+s30+$0x0], $0xffff;
	v30 =	vadd.s32 v14, v18  }
0x1ed: {  	v20 =	vadd.f32 v21, v20;
	v21 =	vld.idx.msk [tilespmem:v31+s30+$0x0], $0xffff;
	v31 =	vadd.s32 v60, v18  }
0x1ee: {  	v22 =	vadd.f32 v26, v22;
	v26 =	vld.idx.msk [tilespmem:v32+s30+$0x0], $0xffff;
	v32 =	vadd.s32 v59, v18  }
0x1ef: {  	v20 =	vadd.f32 v28, v20;
	v28 =	vld.idx.msk [tilespmem:v33+s30+$0x0], $0xffff  }
0x1f0: {  	v33 =	vadd.s32 v47, v18;
	v22 =	vadd.f32 v29, v22;
	v29 =	vld.idx.msk [tilespmem:v34+s30+$0x0], $0xffff  }
0x1f1: {  	v20 =	vadd.f32 v24, v20;
	v24 =	vld.idx.msk [tilespmem:v30+s30+$0x0], $0xffff  }
0x1f2: {  	v34 =	vadd.s32 v12, v18;
	v22 =	vadd.f32 v25, v22;
	v25 =	vld.idx.msk [tilespmem:v31+s30+$0x0], $0xffff  }
0x1f3: {  	v20 =	vadd.f32 v21, v20;
	v21 =	vld.idx.msk [tilespmem:v32+s30+$0x0], $0xffff  }
0x1f4: {  	v30 =	vadd.s32 v16, v18;
	v32 =	vld [tilespmem:$0x1FE40]  }
0x1f5: {  	v22 =	vadd.f32 v26, v22;
	v26 =	vld.idx.msk [tilespmem:v33+s30+$0x0], $0xffff  }
0x1f6: {  	v31 =	vadd.s32 v57, v18;
	v33 =	vld [tilespmem:$0x1FE50]  }
0x1f7: {  	v20 =	vadd.f32 v28, v20;
	v28 =	vld.idx.msk [tilespmem:v34+s30+$0x0], $0xffff  }
0x1f8: {  	v34 =	vld [tilespmem:$0x1FE60]  }
0x1f9: {  	v22 =	vadd.f32 v29, v22;
	v29 =	vld.idx.msk [tilespmem:v30+s30+$0x0], $0xffff;
	v32 =	vadd.s32 v32, v18  }
0x1fa: {  	v30 =	vld [tilespmem:$0x1FE80]  }
0x1fb: {  	v20 =	vadd.f32 v24, v20;
	v24 =	vld.idx.msk [tilespmem:v31+s30+$0x0], $0xffff;
	v33 =	vadd.s32 v33, v18  }
0x1fc: {  	v31 =	vld [tilespmem:$0x1FE90]  }
0x1fd: {  	v34 =	vadd.s32 v34, v18  }
0x1fe: {  	v22 =	vadd.f32 v25, v22;
	v25 =	vld.idx.msk [tilespmem:v32+s30+$0x0], $0xffff  }
0x1ff: {  	v30 =	vadd.s32 v30, v18;
	v32 =	vld [tilespmem:$0x1FEA0]  }
0x200: {  	v20 =	vadd.f32 v21, v20;
	v21 =	vld.idx.msk [tilespmem:v33+s30+$0x0], $0xffff  }
0x201: {  	v31 =	vadd.s32 v31, v18;
	v33 =	vld [tilespmem:$0x1FEB0]  }
0x202: {  	v22 =	vadd.f32 v26, v22;
	v26 =	vld.idx.msk [tilespmem:v34+s30+$0x0], $0xffff  }
0x203: {  	v34 =	vld [tilespmem:$0x1FEC0]  }
0x204: {  	v20 =	vadd.f32 v28, v20;
	v28 =	vld.idx.msk [tilespmem:v30+s30+$0x0], $0xffff;
	v32 =	vadd.s32 v32, v18  }
0x205: {  	v30 =	vld [tilespmem:$0x1FED0]  }
0x206: {  	v22 =	vadd.f32 v29, v22;
	v29 =	vld.idx.msk [tilespmem:v31+s30+$0x0], $0xffff;
	v33 =	vadd.s32 v33, v18  }
0x207: {  	v31 =	vld [tilespmem:$0x1FEE0]  }
0x208: {  	v34 =	vadd.s32 v34, v18  }
0x209: {  	v20 =	vadd.f32 v24, v20;
	v24 =	vld.idx.msk [tilespmem:v32+s30+$0x0], $0xffff  }
0x20a: {  	v30 =	vadd.s32 v30, v18;
	v32 =	vld [tilespmem:$0x1FEF0]  }
0x20b: {  	v22 =	vadd.f32 v25, v22;
	v25 =	vld.idx.msk [tilespmem:v33+s30+$0x0], $0xffff  }
0x20c: {  	v31 =	vadd.s32 v31, v18;
	v33 =	vld [tilespmem:$0x1FF00]  }
0x20d: {  	v20 =	vadd.f32 v21, v20;
	v21 =	vld.idx.msk [tilespmem:v34+s30+$0x0], $0xffff  }
0x20e: {  	v34 =	vld [tilespmem:$0x1FB20]  }
0x20f: {  	v22 =	vadd.f32 v26, v22;
	v26 =	vld.idx.msk [tilespmem:v30+s30+$0x0], $0xffff;
	v32 =	vadd.s32 v32, v18  }
0x210: {  	v30 =	vld [tilespmem:$0x1FB30]  }
0x211: {  	v20 =	vadd.f32 v28, v20;
	v28 =	vld.idx.msk [tilespmem:v31+s30+$0x0], $0xffff;
	v33 =	vadd.s32 v33, v18  }
0x212: {  	v31 =	vld [tilespmem:$0x1FB40]  }
0x213: {  	v34 =	vadd.s32 v34, v18  }
0x214: {  	v22 =	vadd.f32 v29, v22;
	v29 =	vld.idx.msk [tilespmem:v32+s30+$0x0], $0xffff  }
0x215: {  	v30 =	vadd.s32 v30, v18;
	v32 =	vld [tilespmem:$0x1FB50]  }
0x216: {  	v20 =	vadd.f32 v24, v20;
	v24 =	vld.idx.msk [tilespmem:v33+s30+$0x0], $0xffff  }
0x217: {  	v31 =	vadd.s32 v31, v18;
	v33 =	vld [tilespmem:$0x1FB60]  }
0x218: {  	v22 =	vadd.f32 v25, v22;
	v25 =	vld.idx.msk [tilespmem:v34+s30+$0x0], $0xffff  }
0x219: {  	v34 =	vld [tilespmem:$0x1FB70]  }
0x21a: {  	v20 =	vadd.f32 v21, v20;
	v21 =	vld.idx.msk [tilespmem:v30+s30+$0x0], $0xffff;
	v32 =	vadd.s32 v32, v18  }
0x21b: {  	v30 =	vld [tilespmem:$0x1FB80]  }
0x21c: {  	v22 =	vadd.f32 v26, v22;
	v26 =	vld.idx.msk [tilespmem:v31+s30+$0x0], $0xffff;
	v33 =	vadd.s32 v33, v18  }
0x21d: {  	v31 =	vld [tilespmem:$0x1FB90]  }
0x21e: {  	v34 =	vadd.s32 v34, v18  }
0x21f: {  	v20 =	vadd.f32 v28, v20;
	v28 =	vld.idx.msk [tilespmem:v32+s30+$0x0], $0xffff  }
0x220: {  	v30 =	vadd.s32 v30, v18;
	v32 =	vld [tilespmem:$0x1FBA0]  }
0x221: {  	v22 =	vadd.f32 v29, v22;
	v29 =	vld.idx.msk [tilespmem:v33+s30+$0x0], $0xffff  }
0x222: {  	v31 =	vadd.s32 v31, v18;
	v33 =	vld [tilespmem:$0x1FBB0]  }
0x223: {  	v20 =	vadd.f32 v24, v20;
	v24 =	vld.idx.msk [tilespmem:v34+s30+$0x0], $0xffff  }
0x224: {  	v34 =	vld [tilespmem:$0x1FBC0]  }
0x225: {  	v22 =	vadd.f32 v25, v22;
	v25 =	vld.idx.msk [tilespmem:v30+s30+$0x0], $0xffff;
	v32 =	vadd.s32 v32, v18  }
0x226: {  	v30 =	vld [tilespmem:$0x1FBD0]  }
0x227: {  	v20 =	vadd.f32 v21, v20;
	v21 =	vld.idx.msk [tilespmem:v31+s30+$0x0], $0xffff;
	v33 =	vadd.s32 v33, v18  }
0x228: {  	v31 =	vld [tilespmem:$0x1FBE0]  }
0x229: {  	v34 =	vadd.s32 v34, v18  }
0x22a: {  	v22 =	vadd.f32 v26, v22;
	v26 =	vld.idx.msk [tilespmem:v32+s30+$0x0], $0xffff  }
0x22b: {  	v30 =	vadd.s32 v30, v18;
	v32 =	vld [tilespmem:$0x1FBF0]  }
0x22c: {  	v20 =	vadd.f32 v28, v20;
	v28 =	vld.idx.msk [tilespmem:v33+s30+$0x0], $0xffff  }
0x22d: {  	v31 =	vadd.s32 v31, v18;
	v33 =	vld [tilespmem:$0x1FC00]  }
0x22e: {  	v22 =	vadd.f32 v29, v22;
	v29 =	vld.idx.msk [tilespmem:v34+s30+$0x0], $0xffff  }
0x22f: {  	v34 =	vld [tilespmem:$0x1FC10]  }
0x230: {  	v20 =	vadd.f32 v24, v20;
	v24 =	vld.idx.msk [tilespmem:v30+s30+$0x0], $0xffff;
	v32 =	vadd.s32 v32, v18  }
0x231: {  	v30 =	vld [tilespmem:$0x1FC20]  }
0x232: {  	v22 =	vadd.f32 v25, v22;
	v25 =	vld.idx.msk [tilespmem:v31+s30+$0x0], $0xffff;
	v33 =	vadd.s32 v33, v18  }
0x233: {  	v31 =	vld [tilespmem:$0x1FC30]  }
0x234: {  	v34 =	vadd.s32 v34, v18  }
0x235: {  	v20 =	vadd.f32 v21, v20;
	v21 =	vld.idx.msk [tilespmem:v32+s30+$0x0], $0xffff  }
0x236: {  	v30 =	vadd.s32 v30, v18;
	v32 =	vld [tilespmem:$0x1FC40]  }
0x237: {  	v22 =	vadd.f32 v26, v22;
	v26 =	vld.idx.msk [tilespmem:v33+s30+$0x0], $0xffff  }
0x238: {  	v31 =	vadd.s32 v31, v18;
	v33 =	vld [tilespmem:$0x1FC50]  }
0x239: {  	v20 =	vadd.f32 v28, v20;
	v28 =	vld.idx.msk [tilespmem:v34+s30+$0x0], $0xffff  }
0x23a: {  	v34 =	vld [tilespmem:$0x1FC60]  }
0x23b: {  	v22 =	vadd.f32 v29, v22;
	v29 =	vld.idx.msk [tilespmem:v30+s30+$0x0], $0xffff;
	v32 =	vadd.s32 v32, v18  }
0x23c: {  	v30 =	vld [tilespmem:$0x1FC70]  }
0x23d: {  	v20 =	vadd.f32 v24, v20;
	v24 =	vld.idx.msk [tilespmem:v31+s30+$0x0], $0xffff;
	v33 =	vadd.s32 v33, v18  }
0x23e: {  	v31 =	vld [tilespmem:$0x1FC80]  }
0x23f: {  	v34 =	vadd.s32 v34, v18  }
0x240: {  	v22 =	vadd.f32 v25, v22;
	v25 =	vld.idx.msk [tilespmem:v32+s30+$0x0], $0xffff  }
0x241: {  	v30 =	vadd.s32 v30, v18;
	v32 =	vld [tilespmem:$0x1FC90]  }
0x242: {  	v20 =	vadd.f32 v21, v20;
	v21 =	vld.idx.msk [tilespmem:v33+s30+$0x0], $0xffff  }
0x243: {  	v31 =	vadd.s32 v31, v18;
	v33 =	vld [tilespmem:$0x1FCA0]  }
0x244: {  	v22 =	vadd.f32 v26, v22;
	v26 =	vld.idx.msk [tilespmem:v34+s30+$0x0], $0xffff  }
0x245: {  	v34 =	vld [tilespmem:$0x1FCB0]  }
0x246: {  	v20 =	vadd.f32 v28, v20;
	v28 =	vld.idx.msk [tilespmem:v30+s30+$0x0], $0xffff;
	v32 =	vadd.s32 v32, v18  }
0x247: {  	v30 =	vld [tilespmem:$0x1FCC0]  }
0x248: {  	v22 =	vadd.f32 v29, v22;
	v29 =	vld.idx.msk [tilespmem:v31+s30+$0x0], $0xffff;
	v33 =	vadd.s32 v33, v18  }
0x249: {  	v31 =	vld [tilespmem:$0x1FCD0]  }
0x24a: {  	v34 =	vadd.s32 v34, v18  }
0x24b: {  	v20 =	vadd.f32 v24, v20;
	v24 =	vld.idx.msk [tilespmem:v32+s30+$0x0], $0xffff  }
0x24c: {  	v30 =	vadd.s32 v30, v18;
	v32 =	vld [tilespmem:$0x1FCE0]  }
0x24d: {  	v22 =	vadd.f32 v25, v22;
	v25 =	vld.idx.msk [tilespmem:v33+s30+$0x0], $0xffff  }
0x24e: {  	v31 =	vadd.s32 v31, v18;
	v33 =	vld [tilespmem:$0x1FCF0]  }
0x24f: {  	v20 =	vadd.f32 v21, v20;
	v21 =	vld.idx.msk [tilespmem:v34+s30+$0x0], $0xffff  }
0x250: {  	v34 =	vld [tilespmem:$0x1FD00]  }
0x251: {  	v22 =	vadd.f32 v26, v22;
	v26 =	vld.idx.msk [tilespmem:v30+s30+$0x0], $0xffff;
	v32 =	vadd.s32 v32, v18  }
0x252: {  	v30 =	vld [tilespmem:$0x1FD10]  }
0x253: {  	v20 =	vadd.f32 v28, v20;
	v28 =	vld.idx.msk [tilespmem:v31+s30+$0x0], $0xffff;
	v33 =	vadd.s32 v33, v18  }
0x254: {  	v31 =	vld [tilespmem:$0x1FD20]  }
0x255: {  	v34 =	vadd.s32 v34, v18  }
0x256: {  	v22 =	vadd.f32 v29, v22;
	v29 =	vld.idx.msk [tilespmem:v32+s30+$0x0], $0xffff  }
0x257: {  	v30 =	vadd.s32 v30, v18;
	v32 =	vld [tilespmem:$0x1FD30]  }
0x258: {  	v20 =	vadd.f32 v24, v20;
	v24 =	vld.idx.msk [tilespmem:v33+s30+$0x0], $0xffff  }
0x259: {  	v31 =	vadd.s32 v31, v18;
	v33 =	vld [tilespmem:$0x1FD40]  }
0x25a: {  	v22 =	vadd.f32 v25, v22;
	v25 =	vld.idx.msk [tilespmem:v34+s30+$0x0], $0xffff  }
0x25b: {  	v34 =	vld [tilespmem:$0x1FD50]  }
0x25c: {  	v20 =	vadd.f32 v21, v20;
	v21 =	vld.idx.msk [tilespmem:v30+s30+$0x0], $0xffff;
	v32 =	vadd.s32 v32, v18  }
0x25d: {  	v30 =	vld [tilespmem:$0x1FD60]  }
0x25e: {  	v22 =	vadd.f32 v26, v22;
	v26 =	vld.idx.msk [tilespmem:v31+s30+$0x0], $0xffff;
	v33 =	vadd.s32 v33, v18  }
0x25f: {  	v31 =	vld [tilespmem:$0x1FD70]  }
0x260: {  	v34 =	vadd.s32 v34, v18  }
0x261: {  	v20 =	vadd.f32 v28, v20;
	v28 =	vld.idx.msk [tilespmem:v32+s30+$0x0], $0xffff  }
0x262: {  	v30 =	vadd.s32 v30, v18;
	v32 =	vld [tilespmem:$0x1FD80]  }
0x263: {  	v22 =	vadd.f32 v29, v22;
	v29 =	vld.idx.msk [tilespmem:v33+s30+$0x0], $0xffff  }
0x264: {  	v31 =	vadd.s32 v31, v18;
	v33 =	vld [tilespmem:$0x1FD90]  }
0x265: {  	v20 =	vadd.f32 v24, v20;
	v24 =	vld.idx.msk [tilespmem:v34+s30+$0x0], $0xffff  }
0x266: {  	v34 =	vld [tilespmem:$0x1FDA0]  }
0x267: {  	v22 =	vadd.f32 v25, v22;
	v25 =	vld.idx.msk [tilespmem:v30+s30+$0x0], $0xffff  }
0x268: {  	v30 =	vld [tilespmem:$0x1FDB0]  }
0x269: {  	v20 =	vadd.f32 v21, v20;
	v21 =	vld.idx.msk [tilespmem:v31+s30+$0x0], $0xffff  }
0x26a: {  	v31 =	vld [tilespmem:$0x1FDC0]  }
0x26b: {  	v32 =	vadd.s32 v32, v18;
	_ =	sdelay $0x1  }
0x26c: {  	v34 =	vadd.s32 v34, v18  }
0x26d: {  	v22 =	vadd.f32 v26, v22  }
0x26e: {  	v33 =	vadd.s32 v33, v18;
	v30 =	vadd.s32 v30, v18;
	v18 =	vadd.s32 v31, v18  }
0x26f: {  	v26 =	vld.idx.msk [tilespmem:v32+s30+$0x0], $0xffff  }
0x270: {  	v20 =	vadd.f32 v28, v20;
	v22 =	vadd.f32 v29, v22  }
0x271: {  	v29 =	vld.idx.msk [tilespmem:v34+s30+$0x0], $0xffff  }
0x272: {  	v20 =	vadd.f32 v24, v20;
	v22 =	vadd.f32 v25, v22  }
0x273: {  	v18 =	vld.idx.msk [tilespmem:v18+s30+$0x0], $0xffff  }
0x274: {  	v20 =	vadd.f32 v21, v20;
	v28 =	vld.idx.msk [tilespmem:v33+s30+$0x0], $0xffff;
	v21 =	vadd.f32 v26, v22;
	_ =	sdelay $0x1  }
0x275: {  	v24 =	vld.idx.msk [tilespmem:v30+s30+$0x0], $0xffff;
	v21 =	vadd.f32 v29, v21;
	_ =	sdelay $0x1  }
0x276: {  	v18 =	vadd.f32 v18, v21;
	v21 =	vld [tilespmem:$0x1FDD0]  }
0x277: {  	v20 =	vadd.f32 v28, v20;
	_ =	sdelay $0x1  }
0x278: {  	v20 =	vadd.f32 v24, v20;
	_ =	sdelay $0x1  }
0x279: {  	v20 =	vmul.f32 v20, v48;
	v21 =	vor.u32 v21, v17  }
0x27a: {  	s9 =	sadd.s32 $0x14, s9;
	v18 =	vmul.f32 v18, v48  }
0x27b: {  	[tilespmem:s0+$0xFFFFFFE4] =	vst v20;
	v20 =	vmov s9  }
0x27c: {  	[tilespmem:s0+$0xFFFFFFE8] =	vst v18;
	v18 =	vshll.u32 v20, $0x4  }
0x27d: {  	v18 =	vbroadcast v18, $0x0  }
0x27e: {  	v20 =	vld.idx.msk [tilespmem:v21+s31+$0x0], $0xffff  }
0x27f: {  	v21 =	vor.u32 v0, v18  }
0x280: {  	v22 =	vor.u32 v1, v18;
	_ =	sdelay $0x1  }
0x281: {  	v24 =	vor.u32 v2, v18  }
0x282: {  	[tilespmem:s0+$0xFFFFFFF8] =	vst v20  }
0x283: {  	v20 =	vld.idx.msk [tilespmem:v21+s16+$0x0], $0xffff;
	v21 =	vor.u32 v7, v18  }
0x284: {  	v22 =	vld.idx.msk [tilespmem:v22+s16+$0x0], $0xffff  }
0x285: {  	v25 =	vadd.s32 v10, v18  }
0x286: {  	v24 =	vld.idx.msk [tilespmem:v24+s16+$0x0], $0xffff  }
0x287: {  	v26 =	vadd.s32 v5, v18  }
0x288: {  	v21 =	vld.idx.msk [tilespmem:v21+s16+$0x0], $0xffff  }
0x289: {  	v28 =	vadd.s32 v11, v18;
	v20 =	vadd.f32 v22, v20  }
0x28a: {  	v22 =	vld.idx.msk [tilespmem:v25+s16+$0x0], $0xffff  }
0x28b: {  	v25 =	vadd.s32 v6, v18;
	v20 =	vadd.f32 v24, v20  }
0x28c: {  	v24 =	vld.idx.msk [tilespmem:v26+s16+$0x0], $0xffff  }
0x28d: {  	v20 =	vadd.f32 v21, v20  }
0x28e: {  	v21 =	vld.idx.msk [tilespmem:v28+s16+$0x0], $0xffff  }
0x28f: {  	v20 =	vadd.f32 v22, v20  }
0x290: {  	v22 =	vld.idx.msk [tilespmem:v25+s16+$0x0], $0xffff;
	v25 =	vadd.s32 v3, v18  }
0x291: {  	v20 =	vadd.f32 v24, v20  }
0x292: {  	v26 =	vadd.s32 v9, v18  }
0x293: {  	v20 =	vadd.f32 v21, v20  }
0x294: {  	v28 =	vadd.s32 v15, v18  }
0x295: {  	v20 =	vadd.f32 v22, v20;
	v22 =	vld.idx.msk [tilespmem:v25+s16+$0x0], $0xffff  }
0x296: {  	v25 =	vld [tilespmem:$0x1FDE0]  }
0x297: {  	v24 =	vld.idx.msk [tilespmem:v26+s16+$0x0], $0xffff;
	v26 =	vadd.s32 v8, v18;
	_ =	sdelay $0x1  }
0x298: {  	v21 =	vld.idx.msk [tilespmem:v28+s16+$0x0], $0xffff;
	_ =	sdelay $0x1  }
0x299: {  	v25 =	vadd.s32 v25, v18  }
0x29a: {  	v20 =	vadd.f32 v24, v20;
	v24 =	vld.idx.msk [tilespmem:v26+s16+$0x0], $0xffff  }
0x29b: {  	v26 =	vld [tilespmem:$0x1FDF0]  }
0x29c: {  	v20 =	vadd.f32 v21, v20  }
0x29d: {  	v28 =	vadd.s32 v19, v18  }
0x29e: {  	v20 =	vadd.f32 v22, v20;
	v22 =	vld.idx.msk [tilespmem:v25+s16+$0x0], $0xffff  }
0x29f: {  	v25 =	vld [tilespmem:$0x1FE00]  }
0x2a0: {  	v26 =	vadd.s32 v26, v18;
	_ =	sdelay $0x1  }
0x2a1: {  	v21 =	vld.idx.msk [tilespmem:v28+s16+$0x0], $0xffff;
	_ =	sdelay $0x1  }
0x2a2: {  	v25 =	vadd.s32 v25, v18  }
0x2a3: {  	v20 =	vadd.f32 v24, v20;
	v24 =	vld.idx.msk [tilespmem:v26+s16+$0x0], $0xffff  }
0x2a4: {  	v26 =	vld [tilespmem:$0x1FE10]  }
0x2a5: {  	v28 =	vadd.s32 v23, v18;
	v20 =	vadd.f32 v21, v20;
	_ =	sdelay $0x1  }
0x2a6: {  	v20 =	vadd.f32 v22, v20;
	v22 =	vld.idx.msk [tilespmem:v25+s16+$0x0], $0xffff  }
0x2a7: {  	v25 =	vld [tilespmem:$0x1FE20]  }
0x2a8: {  	v26 =	vadd.s32 v26, v18  }
0x2a9: {  	v21 =	vld.idx.msk [tilespmem:v28+s16+$0x0], $0xffff  }
0x2aa: {  	v28 =	vadd.s32 v27, v18;
	_ =	sdelay $0x1  }
0x2ab: {  	v20 =	vadd.f32 v24, v20;
	v18 =	vadd.s32 v25, v18  }
0x2ac: {  	v24 =	vld.idx.msk [tilespmem:v26+s16+$0x0], $0xffff  }
0x2ad: {  	v20 =	vadd.f32 v21, v20  }
0x2ae: {  	v21 =	vld.idx.msk [tilespmem:v28+s16+$0x0], $0xffff  }
0x2af: {  	v20 =	vadd.f32 v22, v20  }
0x2b0: {  	s28 =	sadd.s32 $0x10, s28;
	v18 =	vld.idx.msk [tilespmem:v18+s16+$0x0], $0xffff  }
0x2b1: {  	v22 =	vmov s28;
	v20 =	vadd.f32 v24, v20  }
0x2b2: {  	v34 =	vmov v35;
	v35 =	vmov v36;
	v36 =	vld [tilespmem:$0x1FE70];
	v22 =	vshll.u32 v22, $0x4  }
0x2b3: {  	v20 =	vadd.f32 v21, v20;
	v21 =	vbroadcast v22, $0x0;
	_ =	sdelay $0x1  }
0x2b4: {  	v18 =	vadd.f32 v18, v20;
	v20 =	vor.u32 v0, v21  }
0x2b5: {  	v22 =	vor.u32 v1, v21  }
0x2b6: {  	v18 =	vmul.f32 v18, v36  }
0x2b7: {  	v26 =	vor.u32 v2, v21  }
0x2b8: {  	[tilespmem:s0+$0x0] =	vst v18  }
0x2b9: {  	v28 =	vor.u32 v7, v21;
	v20 =	vld.idx.msk [tilespmem:v20+s1+$0x0], $0xffff  }
0x2ba: {  	v22 =	vld.idx.msk [tilespmem:v22+s1+$0x0], $0xffff  }
0x2bb: {  	v18 =	vor.u32 v10, v21  }
0x2bc: {  	v26 =	vld.idx.msk [tilespmem:v26+s1+$0x0], $0xffff;
	_ =	sdelay $0x1  }
0x2bd: {  	v28 =	vld.idx.msk [tilespmem:v28+s1+$0x0], $0xffff  }
0x2be: {  	v20 =	vadd.f32 v22, v20  }
0x2bf: {  	v18 =	vld.idx.msk [tilespmem:v18+s1+$0x0], $0xffff  }
0x2c0: {  	v20 =	vadd.f32 v26, v20;
	_ =	sdelay $0x1  }
0x2c1: {  	v20 =	vadd.f32 v28, v20;
	_ =	sdelay $0x1  }
0x2c2: {  	v24 =	vor.u32 v5, v21;
	v18 =	vadd.f32 v18, v20;
	_ =	sdelay $0x1  }
0x2c3: {  	v20 =	vor.u32 v11, v21;
	v18 =	vmul.f32 v18, v56;
	_ =	sdelay $0x1  }
0x2c4: {  	v22 =	vor.u32 v6, v21;
	[tilespmem:s0+$0xA] =	vst v18  }
0x2c5: {  	v24 =	vld.idx.msk [tilespmem:v24+s1+$0x0], $0xffff  }
0x2c6: {  	v26 =	vor.u32 v9, v21  }
0x2c7: {  	v20 =	vld.idx.msk [tilespmem:v20+s1+$0x0], $0xffff  }
0x2c8: {  	v18 =	vor.u32 v15, v21  }
0x2c9: {  	v22 =	vld.idx.msk [tilespmem:v22+s1+$0x0], $0xffff  }
0x2ca: {  	v24 =	vadd.f32 $0.0e+00, v24  }
0x2cb: {  	v26 =	vld.idx.msk [tilespmem:v26+s1+$0x0], $0xffff  }
0x2cc: {  	v20 =	vadd.f32 v20, v24  }
0x2cd: {  	v18 =	vld.idx.msk [tilespmem:v18+s1+$0x0], $0xffff  }
0x2ce: {  	v20 =	vadd.f32 v22, v20;
	_ =	sdelay $0x1  }
0x2cf: {  	v20 =	vadd.f32 v26, v20;
	_ =	sdelay $0x1  }
0x2d0: {  	v18 =	vadd.f32 v18, v20;
	v20 =	vor.u32 v3, v21;
	_ =	sdelay $0x1  }
0x2d1: {  	v25 =	vor.u32 v8, v21;
	v18 =	vmul.f32 v18, v56;
	_ =	sdelay $0x1  }
0x2d2: {  	[tilespmem:s0+$0x19] =	vst v18  }
0x2d3: {  	v18 =	vld.idx.msk [tilespmem:v20+s1+$0x0], $0xffff  }
0x2d4: {  	v21 =	vor.u32 v19, v21  }
0x2d5: {  	v20 =	vld.idx.msk [tilespmem:v25+s1+$0x0], $0xffff;
	_ =	sdelay $0x2  }
0x2d6: {  	v18 =	vadd.f32 $0.0e+00, v18  }
0x2d7: {  	v21 =	vld.idx.msk [tilespmem:v21+s1+$0x0], $0xffff  }
0x2d8: {  	v18 =	vadd.f32 v20, v18;
	v20 =	vld [tilespmem:$0x1FE30];
	_ =	sdelay $0x4  }
0x2d9: {  	v22 =	vor.u32 v20, v17;
	v17 =	vadd.f32 v21, v18;
	v18 =	vld [tilespmem:$0x1FF20];
	_ =	sdelay $0x2  }
0x2da: {  	p0 =	sne.s32 s2, $0x1F  }
.Ltmp1:
0x2db: {  	s5 =	smov.u32 s2;
	(pc) =	sbr.rel @p0 .LBB2_5-.Ltmp1, $4  }
0x2dc: {  	v20 =	vmov s5;
	v21 =	vmul.f32 v17, v18  }
0x2dd: {  	s6 =	sadd.s32 $0x1, s2;
	v18 =	vmul.u32 $0x18, v20  }
0x2de: {  	s2 =	smov.u32 s6;
	v33 =	vmov v40;
	[tilespmem:s0+$0x23] =	vst v21  }
0x2df: {  	s29 =	smov.u32 s0;
	s17 =	sadd.s32 $0x32, s17;
	v30 =	vmovc v39;
	v29 =	vmovc v38;
	v28 =	vmov v37;
	v17 =	vshll.u32 v20, $0x3;
	v20 =	vadd.s32 v0, v18;
	s0 =	sadd.s32 $0x70, s0;
	v21 =	vld.idx.msk [tilespmem:v22+s24+$0x0], $0xffff  }
0x2e0: {  	_ =	sdelay $0x3  }
0x2e1: {  	[tilespmem:s29+$0x2D] =	vst v21  }
0x2e2: {  	v20 =	vld.idx.msk [tilespmem:v20+s26+$0x0], $0xffff  }
0x2e3: {  	v21 =	vadd.s32 v4, v18  }
0x2e4: {  	v18 =	vmov s17  }
0x2e5: {  	v18 =	vmul.u32 $0x18, v18;
	_ =	sdelay $0x1  }
0x2e6: {  	v18 =	vbroadcast v18, $0x0;
	[tilespmem:s0+$0xFFFFFFD0] =	vst v20  }
0x2e7: {  	v20 =	vld.idx.msk [tilespmem:v21+s26+$0x0], $0xffff  }
0x2e8: {  	v21 =	vor.u32 v0, v18  }
0x2e9: {  	v22 =	vadd.s32 v4, v18  }
0x2ea: {  	v24 =	vadd.s32 v34, v18  }
0x2eb: {  	v25 =	vadd.s32 v35, v18  }
0x2ec: {  	[tilespmem:s0+$0xFFFFFFD4] =	vst v20  }
0x2ed: {  	v26 =	vadd.s32 v28, v18;
	v21 =	vld.idx.msk [tilespmem:v21+s30+$0x0], $0xffff  }
0x2ee: {  	v20 =	vadd.s32 v7, v18;
	v22 =	vld.idx.msk [tilespmem:v22+s30+$0x0], $0xffff  }
0x2ef: {  	v28 =	vadd.s32 v29, v18;
	v29 =	vadd.s32 v30, v18;
	v24 =	vld.idx.msk [tilespmem:v24+s30+$0x0], $0xffff  }
0x2f0: {  	v30 =	vadd.s32 v11, v18;
	v25 =	vld.idx.msk [tilespmem:v25+s30+$0x0], $0xffff  }
0x2f1: {  	v32 =	vadd.s32 v53, v18;
	v53 =	vld [tilespmem:$0x1FF30]  }
0x2f2: {  	v26 =	vld.idx.msk [tilespmem:v26+s30+$0x0], $0xffff;
	v21 =	vadd.f32 $0.0e+00, v21  }
0x2f3: {  	v20 =	vld.idx.msk [tilespmem:v20+s30+$0x0], $0xffff;
	v22 =	vadd.f32 $0.0e+00, v22  }
0x2f4: {  	v31 =	vadd.s32 v33, v18;
	v21 =	vadd.f32 v24, v21;
	v24 =	vld.idx.msk [tilespmem:v29+s30+$0x0], $0xffff  }
0x2f5: {  	v22 =	vadd.f32 v25, v22;
	v25 =	vld.idx.msk [tilespmem:v30+s30+$0x0], $0xffff  }
0x2f6: {  	v29 =	vadd.s32 v15, v18;
	v30 =	vld [tilespmem:$0x1FF40]  }
0x2f7: {  	v33 =	vadd.s32 v53, v18;
	v53 =	vld [tilespmem:$0x1FF70]  }
0x2f8: {  	v28 =	vld.idx.msk [tilespmem:v28+s30+$0x0], $0xffff  }
0x2f9: {  	v20 =	vadd.f32 v20, v21;
	v21 =	vld.idx.msk [tilespmem:v31+s30+$0x0], $0xffff;
	v22 =	vadd.f32 v26, v22  }
0x2fa: {  	v31 =	vld [tilespmem:$0x1FF50]  }
0x2fb: {  	v30 =	vadd.s32 v30, v18;
	v22 =	vadd.f32 v24, v22;
	v24 =	vld.idx.msk [tilespmem:v29+s30+$0x0], $0xffff  }
0x2fc: {  	v29 =	vld [tilespmem:$0x1FF60]  }
0x2fd: {  	v26 =	vld.idx.msk [tilespmem:v32+s30+$0x0], $0xffff;
	v32 =	vadd.s32 v53, v18  }
0x2fe: {  	v20 =	vadd.f32 v28, v20;
	v28 =	vld.idx.msk [tilespmem:v33+s30+$0x0], $0xffff  }
0x2ff: {  	v53 =	vadd.s32 v19, v18  }
0x300: {  	v20 =	vadd.f32 v25, v20;
	v31 =	vadd.s32 v31, v18;
	v25 =	vld.idx.msk [tilespmem:v30+s30+$0x0], $0xffff  }
0x301: {  	v21 =	vadd.f32 v21, v22;
	v29 =	vadd.s32 v29, v18  }
0x302: {  	v20 =	vadd.f32 v26, v20;
	v26 =	vld.idx.msk [tilespmem:v32+s30+$0x0], $0xffff;
	v32 =	vadd.s32 v23, v18  }
0x303: {  	v21 =	vadd.f32 v28, v21  }
0x304: {  	v28 =	vld.idx.msk [tilespmem:v53+s30+$0x0], $0xffff;
	v30 =	vadd.s32 v54, v18  }
0x305: {  	v22 =	vld.idx.msk [tilespmem:v31+s30+$0x0], $0xffff;
	v31 =	vadd.s32 v62, v18;
	v21 =	vadd.f32 v25, v21  }
0x306: {  	v20 =	vadd.f32 v24, v20;
	v24 =	vld.idx.msk [tilespmem:v29+s30+$0x0], $0xffff  }
0x307: {  	v49 =	vadd.s32 v49, v18;
	v21 =	vadd.f32 v26, v21;
	v26 =	vld.idx.msk [tilespmem:v32+s30+$0x0], $0xffff  }
0x308: {  	v53 =	vmov v51;
	v29 =	vadd.s32 v50, v18;
	v32 =	vadd.s32 v51, v18;
	v51 =	vld [tilespmem:$0x1FF80]  }
0x309: {  	v25 =	vld.idx.msk [tilespmem:v30+s30+$0x0], $0xffff;
	v30 =	vadd.s32 v52, v18  }
0x30a: {  	v20 =	vadd.f32 v22, v20;
	v22 =	vld.idx.msk [tilespmem:v31+s30+$0x0], $0xffff;
	v31 =	vadd.s32 v27, v18;
	_ =	sdelay $0x1  }
0x30b: {  	v33 =	vadd.s32 v41, v18;
	v20 =	vadd.f32 v28, v20;
	v28 =	vld.idx.msk [tilespmem:v49+s30+$0x0], $0xffff  }
0x30c: {  	v21 =	vadd.f32 v24, v21;
	v24 =	vld.idx.msk [tilespmem:v29+s30+$0x0], $0xffff;
	v29 =	vadd.s32 v51, v18  }
0x30d: {  	v20 =	vadd.f32 v25, v20;
	v25 =	vld.idx.msk [tilespmem:v30+s30+$0x0], $0xffff;
	v30 =	vadd.s32 v42, v18  }
0x30e: {  	v21 =	vadd.f32 v22, v21;
	v22 =	vld.idx.msk [tilespmem:v31+s30+$0x0], $0xffff  }
0x30f: {  	v54 =	vmovc v52;
	v52 =	vmov v41;
	v41 =	vadd.s32 v58, v18;
	v20 =	vadd.f32 v26, v20;
	v26 =	vld.idx.msk [tilespmem:v32+s30+$0x0], $0xffff  }
0x310: {  	v31 =	vadd.s32 v46, v18;
	v21 =	vadd.f32 v28, v21;
	v28 =	vld.idx.msk [tilespmem:v33+s30+$0x0], $0xffff  }
0x311: {  	v20 =	vadd.f32 v24, v20;
	v24 =	vld.idx.msk [tilespmem:v29+s30+$0x0], $0xffff;
	v29 =	vadd.s32 v63, v18  }
0x312: {  	v62 =	vmovc v50;
	v50 =	vmov v42;
	v42 =	vadd.s32 v61, v18;
	v21 =	vadd.f32 v25, v21;
	v25 =	vld.idx.msk [tilespmem:v30+s30+$0x0], $0xffff  }
0x313: {  	v20 =	vadd.f32 v22, v20  }
0x314: {  	v30 =	vadd.s32 v55, v18;
	v21 =	vadd.f32 v26, v21;
	v26 =	vld.idx.msk [tilespmem:v41+s30+$0x0], $0xffff  }
0x315: {  	v32 =	vadd.s32 v44, v18;
	v22 =	vld.idx.msk [tilespmem:v31+s30+$0x0], $0xffff;
	v20 =	vadd.f32 v28, v20  }
0x316: {  	v21 =	vadd.f32 v24, v21;
	v24 =	vld.idx.msk [tilespmem:v29+s30+$0x0], $0xffff;
	v29 =	vadd.s32 v13, v18  }
0x317: {  	v28 =	vld.idx.msk [tilespmem:v42+s30+$0x0], $0xffff;
	v20 =	vadd.f32 v25, v20;
	_ =	sdelay $0x1  }
0x318: {  	v31 =	vadd.s32 v43, v18;
	v25 =	vld.idx.msk [tilespmem:v30+s30+$0x0], $0xffff;
	v20 =	vadd.f32 v26, v20  }
0x319: {  	v49 =	vadd.s32 v45, v18;
	v26 =	vld.idx.msk [tilespmem:v32+s30+$0x0], $0xffff;
	v21 =	vadd.f32 v22, v21  }
0x31a: {  	v32 =	vadd.s32 v59, v18;
	v20 =	vadd.f32 v24, v20;
	v24 =	vld.idx.msk [tilespmem:v29+s30+$0x0], $0xffff  }
0x31b: {  	v41 =	vmov v12;
	v21 =	vadd.f32 v28, v21;
	v29 =	vadd.s32 v12, v18;
	v12 =	vld [tilespmem:$0x1FE40];
	_ =	sdelay $0x1  }
0x31c: {  	v22 =	vld.idx.msk [tilespmem:v31+s30+$0x0], $0xffff;
	v21 =	vadd.f32 v25, v21  }
0x31d: {  	v28 =	vld.idx.msk [tilespmem:v49+s30+$0x0], $0xffff  }
0x31e: {  	v49 =	vadd.s32 v47, v18;
	v21 =	vadd.f32 v26, v21;
	v26 =	vld.idx.msk [tilespmem:v32+s30+$0x0], $0xffff  }
0x31f: {  	v32 =	vadd.s32 v12, v18;
	v12 =	vld [tilespmem:$0x1FE50];
	_ =	sdelay $0x1  }
0x320: {  	v20 =	vadd.f32 v22, v20  }
0x321: {  	v30 =	vadd.s32 v14, v18  }
0x322: {  	v20 =	vadd.f32 v28, v20;
	v28 =	vld.idx.msk [tilespmem:v49+s30+$0x0], $0xffff  }
0x323: {  	v49 =	vadd.s32 v12, v18;
	v12 =	vld [tilespmem:$0x1FE60];
	_ =	sdelay $0x2  }
0x324: {  	v31 =	vadd.s32 v60, v18;
	v25 =	vld.idx.msk [tilespmem:v30+s30+$0x0], $0xffff  }
0x325: {  	v30 =	vadd.s32 v16, v18;
	v21 =	vadd.f32 v24, v21;
	v24 =	vld.idx.msk [tilespmem:v29+s30+$0x0], $0xffff  }
0x326: {  	v29 =	vadd.s32 v12, v18;
	v12 =	vld [tilespmem:$0x1FE80];
	_ =	sdelay $0x2  }
0x327: {  	v22 =	vld.idx.msk [tilespmem:v31+s30+$0x0], $0xffff  }
0x328: {  	v31 =	vadd.s32 v57, v18;
	v20 =	vadd.f32 v25, v20;
	v25 =	vld.idx.msk [tilespmem:v30+s30+$0x0], $0xffff  }
0x329: {  	v30 =	vadd.s32 v12, v18;
	v12 =	vld [tilespmem:$0x1FE90];
	_ =	sdelay $0x3  }
0x32a: {  	v21 =	vadd.f32 v22, v21;
	v22 =	vld.idx.msk [tilespmem:v31+s30+$0x0], $0xffff  }
0x32b: {  	v31 =	vadd.s32 v12, v18;
	v12 =	vld [tilespmem:$0x1FEA0];
	_ =	sdelay $0x3  }
0x32c: {  	v20 =	vadd.f32 v26, v20;
	v26 =	vld.idx.msk [tilespmem:v32+s30+$0x0], $0xffff  }
0x32d: {  	v32 =	vadd.s32 v12, v18;
	v12 =	vld [tilespmem:$0x1FEB0];
	_ =	sdelay $0x3  }
0x32e: {  	v21 =	vadd.f32 v28, v21;
	v28 =	vld.idx.msk [tilespmem:v49+s30+$0x0], $0xffff  }
0x32f: {  	v49 =	vadd.s32 v12, v18;
	v12 =	vld [tilespmem:$0x1FEC0];
	_ =	sdelay $0x3  }
0x330: {  	v20 =	vadd.f32 v24, v20;
	v24 =	vld.idx.msk [tilespmem:v29+s30+$0x0], $0xffff  }
0x331: {  	v29 =	vadd.s32 v12, v18;
	v12 =	vld [tilespmem:$0x1FED0];
	_ =	sdelay $0x3  }
0x332: {  	v21 =	vadd.f32 v25, v21;
	v25 =	vld.idx.msk [tilespmem:v30+s30+$0x0], $0xffff  }
0x333: {  	v30 =	vadd.s32 v12, v18;
	v12 =	vld [tilespmem:$0x1FEE0];
	_ =	sdelay $0x3  }
0x334: {  	v20 =	vadd.f32 v22, v20;
	v22 =	vld.idx.msk [tilespmem:v31+s30+$0x0], $0xffff  }
0x335: {  	v31 =	vadd.s32 v12, v18;
	v12 =	vld [tilespmem:$0x1FEF0];
	_ =	sdelay $0x3  }
0x336: {  	v21 =	vadd.f32 v26, v21;
	v26 =	vld.idx.msk [tilespmem:v32+s30+$0x0], $0xffff  }
0x337: {  	v32 =	vadd.s32 v12, v18;
	v12 =	vld [tilespmem:$0x1FF00];
	_ =	sdelay $0x3  }
0x338: {  	v20 =	vadd.f32 v28, v20;
	v28 =	vld.idx.msk [tilespmem:v49+s30+$0x0], $0xffff  }
0x339: {  	v49 =	vadd.s32 v12, v18;
	v12 =	vld [tilespmem:$0x1FB20];
	_ =	sdelay $0x3  }
0x33a: {  	v21 =	vadd.f32 v24, v21;
	v24 =	vld.idx.msk [tilespmem:v29+s30+$0x0], $0xffff  }
0x33b: {  	v29 =	vadd.s32 v12, v18;
	v12 =	vld [tilespmem:$0x1FB30];
	_ =	sdelay $0x3  }
0x33c: {  	v20 =	vadd.f32 v25, v20;
	v25 =	vld.idx.msk [tilespmem:v30+s30+$0x0], $0xffff  }
0x33d: {  	v30 =	vadd.s32 v12, v18;
	v12 =	vld [tilespmem:$0x1FB40];
	_ =	sdelay $0x3  }
0x33e: {  	v21 =	vadd.f32 v22, v21;
	v22 =	vld.idx.msk [tilespmem:v31+s30+$0x0], $0xffff  }
0x33f: {  	v31 =	vadd.s32 v12, v18;
	v12 =	vld [tilespmem:$0x1FB50];
	_ =	sdelay $0x3  }
0x340: {  	v20 =	vadd.f32 v26, v20;
	v26 =	vld.idx.msk [tilespmem:v32+s30+$0x0], $0xffff  }
0x341: {  	v32 =	vadd.s32 v12, v18;
	v12 =	vld [tilespmem:$0x1FB60];
	_ =	sdelay $0x3  }
0x342: {  	v21 =	vadd.f32 v28, v21;
	v28 =	vld.idx.msk [tilespmem:v49+s30+$0x0], $0xffff  }
0x343: {  	v49 =	vadd.s32 v12, v18;
	v12 =	vld [tilespmem:$0x1FB70];
	_ =	sdelay $0x3  }
0x344: {  	v20 =	vadd.f32 v24, v20;
	v24 =	vld.idx.msk [tilespmem:v29+s30+$0x0], $0xffff  }
0x345: {  	v29 =	vadd.s32 v12, v18;
	v12 =	vld [tilespmem:$0x1FB80];
	_ =	sdelay $0x3  }
0x346: {  	v21 =	vadd.f32 v25, v21;
	v25 =	vld.idx.msk [tilespmem:v30+s30+$0x0], $0xffff  }
0x347: {  	v30 =	vadd.s32 v12, v18;
	v12 =	vld [tilespmem:$0x1FB90];
	_ =	sdelay $0x3  }
0x348: {  	v20 =	vadd.f32 v22, v20;
	v22 =	vld.idx.msk [tilespmem:v31+s30+$0x0], $0xffff  }
0x349: {  	v31 =	vadd.s32 v12, v18;
	v12 =	vld [tilespmem:$0x1FBA0];
	_ =	sdelay $0x3  }
0x34a: {  	v21 =	vadd.f32 v26, v21;
	v26 =	vld.idx.msk [tilespmem:v32+s30+$0x0], $0xffff  }
0x34b: {  	v32 =	vadd.s32 v12, v18;
	v12 =	vld [tilespmem:$0x1FBB0];
	_ =	sdelay $0x3  }
0x34c: {  	v20 =	vadd.f32 v28, v20;
	v28 =	vld.idx.msk [tilespmem:v49+s30+$0x0], $0xffff  }
0x34d: {  	v49 =	vadd.s32 v12, v18;
	v12 =	vld [tilespmem:$0x1FBC0];
	_ =	sdelay $0x3  }
0x34e: {  	v21 =	vadd.f32 v24, v21;
	v24 =	vld.idx.msk [tilespmem:v29+s30+$0x0], $0xffff  }
0x34f: {  	v29 =	vadd.s32 v12, v18;
	v12 =	vld [tilespmem:$0x1FBD0];
	_ =	sdelay $0x3  }
0x350: {  	v20 =	vadd.f32 v25, v20;
	v25 =	vld.idx.msk [tilespmem:v30+s30+$0x0], $0xffff  }
0x351: {  	v30 =	vadd.s32 v12, v18;
	v12 =	vld [tilespmem:$0x1FBE0];
	_ =	sdelay $0x3  }
0x352: {  	v21 =	vadd.f32 v22, v21;
	v22 =	vld.idx.msk [tilespmem:v31+s30+$0x0], $0xffff  }
0x353: {  	v31 =	vadd.s32 v12, v18;
	v12 =	vld [tilespmem:$0x1FBF0];
	_ =	sdelay $0x3  }
0x354: {  	v20 =	vadd.f32 v26, v20;
	v26 =	vld.idx.msk [tilespmem:v32+s30+$0x0], $0xffff  }
0x355: {  	v32 =	vadd.s32 v12, v18;
	v12 =	vld [tilespmem:$0x1FC00];
	_ =	sdelay $0x3  }
0x356: {  	v21 =	vadd.f32 v28, v21;
	v28 =	vld.idx.msk [tilespmem:v49+s30+$0x0], $0xffff  }
0x357: {  	v49 =	vadd.s32 v12, v18;
	v12 =	vld [tilespmem:$0x1FC10];
	_ =	sdelay $0x3  }
0x358: {  	v20 =	vadd.f32 v24, v20;
	v24 =	vld.idx.msk [tilespmem:v29+s30+$0x0], $0xffff  }
0x359: {  	v29 =	vadd.s32 v12, v18;
	v12 =	vld [tilespmem:$0x1FC20];
	_ =	sdelay $0x3  }
0x35a: {  	v21 =	vadd.f32 v25, v21;
	v25 =	vld.idx.msk [tilespmem:v30+s30+$0x0], $0xffff  }
0x35b: {  	v30 =	vadd.s32 v12, v18;
	v12 =	vld [tilespmem:$0x1FC30];
	_ =	sdelay $0x3  }
0x35c: {  	v20 =	vadd.f32 v22, v20;
	v22 =	vld.idx.msk [tilespmem:v31+s30+$0x0], $0xffff  }
0x35d: {  	v31 =	vadd.s32 v12, v18;
	v12 =	vld [tilespmem:$0x1FC40];
	_ =	sdelay $0x3  }
0x35e: {  	v21 =	vadd.f32 v26, v21;
	v26 =	vld.idx.msk [tilespmem:v32+s30+$0x0], $0xffff  }
0x35f: {  	v32 =	vadd.s32 v12, v18;
	v12 =	vld [tilespmem:$0x1FC50];
	_ =	sdelay $0x3  }
0x360: {  	v20 =	vadd.f32 v28, v20;
	v28 =	vld.idx.msk [tilespmem:v49+s30+$0x0], $0xffff  }
0x361: {  	v49 =	vadd.s32 v12, v18;
	v12 =	vld [tilespmem:$0x1FC60];
	_ =	sdelay $0x3  }
0x362: {  	v21 =	vadd.f32 v24, v21;
	v24 =	vld.idx.msk [tilespmem:v29+s30+$0x0], $0xffff  }
0x363: {  	v29 =	vadd.s32 v12, v18;
	v12 =	vld [tilespmem:$0x1FC70];
	_ =	sdelay $0x3  }
0x364: {  	v20 =	vadd.f32 v25, v20;
	v25 =	vld.idx.msk [tilespmem:v30+s30+$0x0], $0xffff  }
0x365: {  	v30 =	vadd.s32 v12, v18;
	v12 =	vld [tilespmem:$0x1FC80];
	_ =	sdelay $0x3  }
0x366: {  	v21 =	vadd.f32 v22, v21;
	v22 =	vld.idx.msk [tilespmem:v31+s30+$0x0], $0xffff  }
0x367: {  	v31 =	vadd.s32 v12, v18;
	v12 =	vld [tilespmem:$0x1FC90];
	_ =	sdelay $0x3  }
0x368: {  	v20 =	vadd.f32 v26, v20;
	v26 =	vld.idx.msk [tilespmem:v32+s30+$0x0], $0xffff  }
0x369: {  	v32 =	vadd.s32 v12, v18;
	v12 =	vld [tilespmem:$0x1FCA0];
	_ =	sdelay $0x3  }
0x36a: {  	v21 =	vadd.f32 v28, v21;
	v28 =	vld.idx.msk [tilespmem:v49+s30+$0x0], $0xffff  }
0x36b: {  	v49 =	vadd.s32 v12, v18;
	v12 =	vld [tilespmem:$0x1FCB0];
	_ =	sdelay $0x3  }
0x36c: {  	v20 =	vadd.f32 v24, v20;
	v24 =	vld.idx.msk [tilespmem:v29+s30+$0x0], $0xffff  }
0x36d: {  	v29 =	vadd.s32 v12, v18;
	v12 =	vld [tilespmem:$0x1FCC0];
	_ =	sdelay $0x3  }
0x36e: {  	v21 =	vadd.f32 v25, v21;
	v25 =	vld.idx.msk [tilespmem:v30+s30+$0x0], $0xffff  }
0x36f: {  	v30 =	vadd.s32 v12, v18;
	v12 =	vld [tilespmem:$0x1FCD0];
	_ =	sdelay $0x3  }
0x370: {  	v20 =	vadd.f32 v22, v20;
	v22 =	vld.idx.msk [tilespmem:v31+s30+$0x0], $0xffff  }
0x371: {  	v31 =	vadd.s32 v12, v18;
	v12 =	vld [tilespmem:$0x1FCE0];
	_ =	sdelay $0x3  }
0x372: {  	v21 =	vadd.f32 v26, v21;
	v26 =	vld.idx.msk [tilespmem:v32+s30+$0x0], $0xffff  }
0x373: {  	v32 =	vadd.s32 v12, v18;
	v12 =	vld [tilespmem:$0x1FCF0];
	_ =	sdelay $0x3  }
0x374: {  	v20 =	vadd.f32 v28, v20;
	v28 =	vld.idx.msk [tilespmem:v49+s30+$0x0], $0xffff  }
0x375: {  	v49 =	vadd.s32 v12, v18;
	v12 =	vld [tilespmem:$0x1FD00];
	_ =	sdelay $0x3  }
0x376: {  	v21 =	vadd.f32 v24, v21;
	v24 =	vld.idx.msk [tilespmem:v29+s30+$0x0], $0xffff  }
0x377: {  	v29 =	vadd.s32 v12, v18;
	v12 =	vld [tilespmem:$0x1FD10];
	_ =	sdelay $0x3  }
0x378: {  	v20 =	vadd.f32 v25, v20;
	v25 =	vld.idx.msk [tilespmem:v30+s30+$0x0], $0xffff  }
0x379: {  	v30 =	vadd.s32 v12, v18;
	v12 =	vld [tilespmem:$0x1FD20];
	_ =	sdelay $0x3  }
0x37a: {  	v21 =	vadd.f32 v22, v21;
	v22 =	vld.idx.msk [tilespmem:v31+s30+$0x0], $0xffff  }
0x37b: {  	v31 =	vadd.s32 v12, v18;
	v12 =	vld [tilespmem:$0x1FD30];
	_ =	sdelay $0x3  }
0x37c: {  	v20 =	vadd.f32 v26, v20;
	v26 =	vld.idx.msk [tilespmem:v32+s30+$0x0], $0xffff  }
0x37d: {  	v32 =	vadd.s32 v12, v18;
	v12 =	vld [tilespmem:$0x1FD40];
	_ =	sdelay $0x3  }
0x37e: {  	v21 =	vadd.f32 v28, v21;
	v28 =	vld.idx.msk [tilespmem:v49+s30+$0x0], $0xffff  }
0x37f: {  	v49 =	vadd.s32 v12, v18;
	v12 =	vld [tilespmem:$0x1FD50];
	_ =	sdelay $0x3  }
0x380: {  	v20 =	vadd.f32 v24, v20;
	v24 =	vld.idx.msk [tilespmem:v29+s30+$0x0], $0xffff  }
0x381: {  	v29 =	vadd.s32 v12, v18;
	v12 =	vld [tilespmem:$0x1FD60];
	_ =	sdelay $0x3  }
0x382: {  	v21 =	vadd.f32 v25, v21;
	v25 =	vld.idx.msk [tilespmem:v30+s30+$0x0], $0xffff  }
0x383: {  	v30 =	vadd.s32 v12, v18;
	v12 =	vld [tilespmem:$0x1FD70];
	_ =	sdelay $0x3  }
0x384: {  	v20 =	vadd.f32 v22, v20;
	v22 =	vld.idx.msk [tilespmem:v31+s30+$0x0], $0xffff  }
0x385: {  	v31 =	vadd.s32 v12, v18;
	v12 =	vld [tilespmem:$0x1FD80];
	_ =	sdelay $0x3  }
0x386: {  	v21 =	vadd.f32 v26, v21;
	v26 =	vld.idx.msk [tilespmem:v32+s30+$0x0], $0xffff  }
0x387: {  	v32 =	vadd.s32 v12, v18;
	v12 =	vld [tilespmem:$0x1FD90];
	_ =	sdelay $0x3  }
0x388: {  	v20 =	vadd.f32 v28, v20;
	v28 =	vld.idx.msk [tilespmem:v49+s30+$0x0], $0xffff  }
0x389: {  	v49 =	vadd.s32 v12, v18;
	v12 =	vld [tilespmem:$0x1FDA0];
	_ =	sdelay $0x3  }
0x38a: {  	v21 =	vadd.f32 v24, v21;
	v24 =	vld.idx.msk [tilespmem:v29+s30+$0x0], $0xffff  }
0x38b: {  	v29 =	vadd.s32 v12, v18;
	v12 =	vld [tilespmem:$0x1FDB0];
	_ =	sdelay $0x3  }
0x38c: {  	v20 =	vadd.f32 v25, v20;
	v25 =	vld.idx.msk [tilespmem:v30+s30+$0x0], $0xffff  }
0x38d: {  	v30 =	vadd.s32 v12, v18;
	v12 =	vld [tilespmem:$0x1FDC0];
	_ =	sdelay $0x3  }
0x38e: {  	v21 =	vadd.f32 v22, v21;
	v22 =	vld.idx.msk [tilespmem:v31+s30+$0x0], $0xffff  }
0x38f: {  	v20 =	vadd.f32 v26, v20;
	v26 =	vld.idx.msk [tilespmem:v32+s30+$0x0], $0xffff;
	v18 =	vadd.s32 v12, v18  }
0x390: {  	v21 =	vadd.f32 v28, v21;
	v28 =	vld.idx.msk [tilespmem:v49+s30+$0x0], $0xffff  }
0x391: {  	v20 =	vadd.f32 v24, v20;
	v24 =	vld.idx.msk [tilespmem:v29+s30+$0x0], $0xffff  }
0x392: {  	v21 =	vadd.f32 v25, v21;
	v25 =	vld.idx.msk [tilespmem:v30+s30+$0x0], $0xffff  }
0x393: {  	v12 =	vld [tilespmem:$0x1FDD0]  }
0x394: {  	v20 =	vadd.f32 v22, v20;
	v18 =	vld.idx.msk [tilespmem:v18+s30+$0x0], $0xffff  }
0x395: {  	v21 =	vadd.f32 v26, v21  }
0x396: {  	v20 =	vadd.f32 v28, v20  }
0x397: {  	v21 =	vadd.f32 v24, v21  }
0x398: {  	v20 =	vadd.f32 v25, v20  }
0x399: {  	v18 =	vadd.f32 v18, v21;
	v21 =	vor.u32 v12, v17  }
0x39a: {  	s2 =	sadd.s32 $0x14, s9;
	v20 =	vmul.f32 v20, v48  }
0x39b: {  	v22 =	vmov s2;
	v18 =	vmul.f32 v18, v48  }
0x39c: {  	[tilespmem:s0+$0xFFFFFFE4] =	vst v20;
	v20 =	vshll.u32 v22, $0x4  }
0x39d: {  	[tilespmem:s0+$0xFFFFFFE8] =	vst v18;
	v18 =	vbroadcast v20, $0x0  }
0x39e: {  	v20 =	vld.idx.msk [tilespmem:v21+s31+$0x0], $0xffff  }
0x39f: {  	v21 =	vor.u32 v0, v18  }
0x3a0: {  	v22 =	vor.u32 v1, v18;
	_ =	sdelay $0x1  }
0x3a1: {  	v24 =	vor.u32 v2, v18  }
0x3a2: {  	[tilespmem:s0+$0xFFFFFFF8] =	vst v20  }
0x3a3: {  	v20 =	vld.idx.msk [tilespmem:v21+s16+$0x0], $0xffff;
	v21 =	vor.u32 v7, v18  }
0x3a4: {  	v22 =	vld.idx.msk [tilespmem:v22+s16+$0x0], $0xffff  }
0x3a5: {  	v25 =	vadd.s32 v10, v18  }
0x3a6: {  	v24 =	vld.idx.msk [tilespmem:v24+s16+$0x0], $0xffff  }
0x3a7: {  	v26 =	vadd.s32 v5, v18  }
0x3a8: {  	v21 =	vld.idx.msk [tilespmem:v21+s16+$0x0], $0xffff  }
0x3a9: {  	v20 =	vadd.f32 v22, v20;
	v22 =	vadd.s32 v11, v18  }
0x3aa: {  	v25 =	vld.idx.msk [tilespmem:v25+s16+$0x0], $0xffff  }
0x3ab: {  	v20 =	vadd.f32 v24, v20;
	v24 =	vadd.s32 v6, v18  }
0x3ac: {  	v26 =	vld.idx.msk [tilespmem:v26+s16+$0x0], $0xffff  }
0x3ad: {  	v20 =	vadd.f32 v21, v20;
	v21 =	vadd.s32 v9, v18  }
0x3ae: {  	v22 =	vld.idx.msk [tilespmem:v22+s16+$0x0], $0xffff  }
0x3af: {  	v20 =	vadd.f32 v25, v20  }
0x3b0: {  	v24 =	vld.idx.msk [tilespmem:v24+s16+$0x0], $0xffff  }
0x3b1: {  	v12 =	vld [tilespmem:$0x1FDE0];
	v20 =	vadd.f32 v26, v20  }
0x3b2: {  	v21 =	vld.idx.msk [tilespmem:v21+s16+$0x0], $0xffff  }
0x3b3: {  	v20 =	vadd.f32 v22, v20;
	_ =	sdelay $0x1  }
0x3b4: {  	v20 =	vadd.f32 v24, v20  }
0x3b5: {  	v25 =	vadd.s32 v15, v18  }
0x3b6: {  	v20 =	vadd.f32 v21, v20;
	v21 =	vadd.s32 v12, v18;
	v12 =	vld [tilespmem:$0x1FDF0];
	_ =	sdelay $0x1  }
0x3b7: {  	v26 =	vadd.s32 v3, v18;
	_ =	sdelay $0x1  }
0x3b8: {  	v22 =	vadd.s32 v8, v18;
	v25 =	vld.idx.msk [tilespmem:v25+s16+$0x0], $0xffff  }
0x3b9: {  	v31 =	vadd.s32 v12, v18;
	v12 =	vld [tilespmem:$0x1FE00]  }
0x3ba: {  	v24 =	vadd.s32 v19, v18  }
0x3bb: {  	v26 =	vld.idx.msk [tilespmem:v26+s16+$0x0], $0xffff;
	_ =	sdelay $0x1  }
0x3bc: {  	v22 =	vld.idx.msk [tilespmem:v22+s16+$0x0], $0xffff  }
0x3bd: {  	v61 =	vmovc v43;
	v43 =	vmov v13;
	v20 =	vadd.f32 v25, v20;
	v13 =	vadd.s32 v12, v18;
	v12 =	vld [tilespmem:$0x1FE10]  }
0x3be: {  	v24 =	vld.idx.msk [tilespmem:v24+s16+$0x0], $0xffff  }
0x3bf: {  	v25 =	vadd.s32 v23, v18;
	v20 =	vadd.f32 v26, v20  }
0x3c0: {  	v21 =	vld.idx.msk [tilespmem:v21+s16+$0x0], $0xffff  }
0x3c1: {  	v20 =	vadd.f32 v22, v20;
	v26 =	vld.idx.msk [tilespmem:v31+s16+$0x0], $0xffff  }
0x3c2: {  	v42 =	vmov v14;
	v14 =	vadd.s32 v12, v18;
	v12 =	vld [tilespmem:$0x1FE20]  }
0x3c3: {  	v20 =	vadd.f32 v24, v20  }
0x3c4: {  	v22 =	vld.idx.msk [tilespmem:v25+s16+$0x0], $0xffff  }
0x3c5: {  	v20 =	vadd.f32 v21, v20;
	v21 =	vadd.s32 v27, v18  }
0x3c6: {  	v13 =	vld.idx.msk [tilespmem:v13+s16+$0x0], $0xffff  }
0x3c7: {  	v24 =	vadd.s32 v12, v18;
	v12 =	vadd.f32 v26, v20  }
0x3c8: {  	v14 =	vld.idx.msk [tilespmem:v14+s16+$0x0], $0xffff  }
0x3c9: {  	v12 =	vadd.f32 v22, v12  }
0x3ca: {  	v18 =	vld.idx.msk [tilespmem:v21+s16+$0x0], $0xffff  }
0x3cb: {  	v12 =	vadd.f32 v13, v12  }
0x3cc: {  	s6 =	sadd.s32 $0x10, s28;
	v13 =	vld.idx.msk [tilespmem:v24+s16+$0x0], $0xffff  }
0x3cd: {  	v12 =	vadd.f32 v14, v12;
	v14 =	vmov s6  }
0x3ce: {  	v14 =	vshll.u32 v14, $0x4  }
0x3cf: {  	v12 =	vadd.f32 v18, v12;
	v14 =	vbroadcast v14, $0x0;
	_ =	sdelay $0x1  }
0x3d0: {  	v12 =	vadd.f32 v13, v12;
	v13 =	vor.u32 v0, v14  }
0x3d1: {  	v20 =	vor.u32 v1, v14  }
0x3d2: {  	v12 =	vmul.f32 v12, v36  }
0x3d3: {  	v18 =	vor.u32 v2, v14  }
0x3d4: {  	[tilespmem:s0+$0x0] =	vst v12  }
0x3d5: {  	v12 =	vor.u32 v7, v14;
	v13 =	vld.idx.msk [tilespmem:v13+s1+$0x0], $0xffff  }
0x3d6: {  	v20 =	vld.idx.msk [tilespmem:v20+s1+$0x0], $0xffff  }
0x3d7: {  	v10 =	vor.u32 v10, v14  }
0x3d8: {  	v18 =	vld.idx.msk [tilespmem:v18+s1+$0x0], $0xffff;
	_ =	sdelay $0x1  }
0x3d9: {  	v12 =	vld.idx.msk [tilespmem:v12+s1+$0x0], $0xffff  }
0x3da: {  	v13 =	vadd.f32 v20, v13  }
0x3db: {  	v10 =	vld.idx.msk [tilespmem:v10+s1+$0x0], $0xffff  }
0x3dc: {  	v13 =	vadd.f32 v18, v13;
	_ =	sdelay $0x1  }
0x3dd: {  	v12 =	vadd.f32 v12, v13;
	_ =	sdelay $0x1  }
0x3de: {  	v5 =	vor.u32 v5, v14;
	v10 =	vadd.f32 v10, v12;
	_ =	sdelay $0x1  }
0x3df: {  	v12 =	vor.u32 v11, v14;
	v10 =	vmul.f32 v10, v56;
	_ =	sdelay $0x1  }
0x3e0: {  	v6 =	vor.u32 v6, v14;
	[tilespmem:s0+$0xA] =	vst v10  }
0x3e1: {  	v5 =	vld.idx.msk [tilespmem:v5+s1+$0x0], $0xffff  }
0x3e2: {  	v9 =	vor.u32 v9, v14  }
0x3e3: {  	v10 =	vld.idx.msk [tilespmem:v12+s1+$0x0], $0xffff  }
0x3e4: {  	v12 =	vor.u32 v15, v14  }
0x3e5: {  	v6 =	vld.idx.msk [tilespmem:v6+s1+$0x0], $0xffff  }
0x3e6: {  	v5 =	vadd.f32 $0.0e+00, v5  }
0x3e7: {  	v9 =	vld.idx.msk [tilespmem:v9+s1+$0x0], $0xffff  }
0x3e8: {  	v5 =	vadd.f32 v10, v5  }
0x3e9: {  	v10 =	vld.idx.msk [tilespmem:v12+s1+$0x0], $0xffff  }
0x3ea: {  	v5 =	vadd.f32 v6, v5;
	_ =	sdelay $0x1  }
0x3eb: {  	v5 =	vadd.f32 v9, v5;
	_ =	sdelay $0x1  }
0x3ec: {  	v3 =	vor.u32 v3, v14;
	v5 =	vadd.f32 v10, v5;
	_ =	sdelay $0x1  }
0x3ed: {  	v6 =	vor.u32 v8, v14;
	v5 =	vmul.f32 v5, v56;
	_ =	sdelay $0x1  }
0x3ee: {  	[tilespmem:s0+$0x19] =	vst v5;
	v5 =	vor.u32 v19, v14  }
0x3ef: {  	v3 =	vld.idx.msk [tilespmem:v3+s1+$0x0], $0xffff;
	_ =	sdelay $0x1  }
0x3f0: {  	v6 =	vld.idx.msk [tilespmem:v6+s1+$0x0], $0xffff;
	_ =	sdelay $0x1  }
0x3f1: {  	v5 =	vld.idx.msk [tilespmem:v5+s1+$0x0], $0xffff  }
0x3f2: {  	v3 =	vadd.f32 $0.0e+00, v3;
	_ =	sdelay $0x1  }
0x3f3: {  	v3 =	vadd.f32 v6, v3;
	v6 =	vld [tilespmem:$0x1FE30];
	_ =	sdelay $0x1  }
0x3f4: {  	v3 =	vadd.f32 v5, v3;
	v5 =	vld [tilespmem:$0x1FF20];
	_ =	sdelay $0x2  }
0x3f5: {  	v6 =	vor.u32 v6, v17;
	_ =	sdelay $0x1  }
0x3f6: {  	v3 =	vmul.f32 v3, v5;
	_ =	sdelay $0x1  }
0x3f7: {  	[tilespmem:s0+$0x23] =	vst v3  }
0x3f8: {  	v3 =	vld.idx.msk [tilespmem:v6+s24+$0x0], $0xffff;
	_ =	sdelay $0x1  }
0x3f9: {  	s9 =	sadd.s32 s13, s4  }
0x3fa: {  	s2 =	smul.u32 $0xE, s9;
	_ =	sdelay $0x1  }
0x3fb: {  	s28 =	simm.s32 $0x0;
	s29 =	simm.s32 $0xFC00;
	s17 =	sadd.s32 s15, s2;
	[tilespmem:s0+$0x2D] =	vst v3  }
0x3fc: {  	[hbm4b:s17+s28] =	stream.linear.scatter [tilespmem:s29], [sflag:$0x2], $0xE00, $0x38;
	[tilespmem:$0x10A00] =	vst v63  }
0x3fd: {  	_ =	swait.ge [sflag:s18], $0xE00  }
0x3fe: {  	v12 =	vld [tilespmem:$0x1FF10]  }
0x3ff: {  	v36 =	vld [tilespmem:$0x1FFC0]  }
0x400: {  	v22 =	vld [tilespmem:$0x1FF30]  }
0x401: {  	s3 =	sadd.s32 $0x1, s3;
	v25 =	vld [tilespmem:$0x1FF40]  }
0x402: {  	p0 =	sne.s32 s3, $0x10;
	v26 =	vld [tilespmem:$0x1FF50]  }
.Ltmp2:
0x403: {  	v31 =	vld [tilespmem:$0x1FF70];
	(pc) =	sbr.rel @p0 .LBB2_2-.Ltmp2, $4  }
0x404: {  	v33 =	vmov v40;
	v32 =	vld [tilespmem:$0x1FF60]  }
0x405: {  	v29 =	vmovc v38;
	v28 =	vmovc v37;
	v38 =	vmov v58;
	v58 =	vmov v41;
	v41 =	vmov v16;
	v37 =	vld [tilespmem:$0x1FFD0]  }
0x406: {  	v30 =	vmovc v39;
	v39 =	vmovc v50;
	v50 =	vmov v55;
	v55 =	vmov v61;
	v17 =	vmov v62;
	[sflag:s18] =	ssyncset.done $0x0;
	v13 =	vld [tilespmem:$0x1FFA0]  }
0x407: {  	v62 =	vmovc v51;
	v51 =	vmovc v46;
	v46 =	vmov v43;
	v43 =	vmov v42;
	v42 =	vmov v47;
	v14 =	vld [tilespmem:$0x1FFE0];
	[sflag:s18] =	ssyncadd.s32 $0xFFFFF200  }
0x408: {  	s2 =	rddreg [dreg:$0xa]  }
0x409: {  	s0 =	rddreg [dreg:$0x9];
	s2 =	sadd.s32 $0x1, s2  }
0x40a: {  	p0 =	sne.s32 s2, s0  }
.Ltmp3:
0x40b: {  	_ = 	snop;
	(pc) =	sbr.rel @p0 .LBB2_1-.Ltmp3, $1  }
0x40c: {  	_ =	sdelay $0x3  }
0x40d: {  	_ =	sfence.sel $0x180000  }
0x40e: {  	[bflag:$0x0] =	sbarrier.arrive $0xFFFF  }
0x40f: {  	_ =	strace $0x90000047  }
0x410: {  	s0 =	stileid.u32;
	[bflag:$0x2] =	sbarrier.arrive $0xFFFF  }
0x411: {  	p0 =	sne.s32 s0, $0x0;
	s0 =	rddreg [dreg:$0x5]  }
0x412: {  	s0 =	sadd.s32 @!p0 $0x100000, s0  }
0x413: {  	[sflag:s0] =	ssyncadd.tile.s32 @!p0 $0x1;
	_ =	shalt  }
.Lfunc_end2:
_tile_overlayer_lowered:
.L_overlay_start_2:
0x414: {  	(tag) =	ssettag $0x2  }
0x415: {  	s0 =	rddreg [dreg:$0x0];
	s2 =	stileid.u32  }
0x416: {  	s1 =	rddreg [dreg:$0x1];
	p0 =	sne.s32 s2, $0x0  }
0x417: {  	s3 =	rddreg [dreg:$0x2];
	[bflag:$0x3] =	sbarrier.arrive $0xFFFF;
	s2 =	simm.s32 @!p0 $0x1C02  }
0x418: {  	[timem:s3], [sflag:s2] =	dma.local @!p0 [hbm:s0], s1  }
0x419: {  	s0 =	simm.s32 @!p0 $0x2  }
0x41a: {  	_ =	swait.ge @!p0 [sflag:s0], s1  }
0x41b: {  	s1 =	ssub.s32 @!p0 $0x0, s1;
	[sflag:s0] =	ssyncset.done @!p0 $0x0  }
0x41c: {  	[sflag:s0] =	ssyncadd.s32 @!p0 s1  }
0x41d: {  	[bflag:$0x3] =	sbarrier.arrive $0xFFFF  }
0x41e: {  	_ =	shalt  }

</sc_bundles>
